<compile_context>
chip_gen: v7x
topology: tpu7x:2x2x1
jax: 0.10.2.dev20260603
libtpu: 0.0.44.dev20260713+nightly
codegen_flags: <defaults>
</compile_context>

<pallas_src>
import functools

import jax
import jax.numpy as jnp
from jax import lax
from jax.experimental import pallas as pl
from jax.experimental.pallas import tpu as pltpu
from jax.experimental.pallas import tpu_sc as plsc

_N = 10000
_E = 320000
_D = 128
_R = 8
_NR = _N * _R

_NC = 2
_NS = 16
_NW = _NC * _NS
_EPW = _E // _NW
_CH16 = _EPW // 16
_SEG = _NR // _NS
_ZB = ((_SEG + 15) // 16) * 16
_NCHUNK = 5
_CHW = _EPW // _NCHUNK

_BN = 2000
_GRID = _N // _BN

_mesh = plsc.VectorSubcoreMesh(core_axis_name="c", subcore_axis_name="s")


@functools.partial(
    pl.kernel,
    out_type=[
        jax.ShapeDtypeStruct((_NC * _NR,), jnp.float32),
        jax.ShapeDtypeStruct((_E,), jnp.int32),
        jax.ShapeDtypeStruct((_E,), jnp.int32),
    ],
    mesh=_mesh,
    scratch_types=[
        pltpu.VMEM((_EPW,), jnp.int32),
        pltpu.VMEM((_EPW,), jnp.int32),
        pltpu.VMEM((_EPW,), jnp.int32),
        pltpu.VMEM((_EPW,), jnp.float32),
        pltpu.VMEM((_ZB,), jnp.float32),
        pltpu.VMEM_SHARED((_NR,), jnp.float32),
        pltpu.SemaphoreType.DMA,
        pltpu.SemaphoreType.DMA,
    ],
)
def _sc_counts(src_hbm, dst_hbm, rel_hbm,
               c_out, gi_out, si_out,
               gidx, sidx, rel_v, ones_v, zbuf, c_sh, sem, sem2):
    cid = lax.axis_index("c")
    sid = lax.axis_index("s")
    wid = sid * _NC + cid

    base = wid * _EPW
    cp_src = pltpu.async_copy(src_hbm.at[pl.ds(base, _EPW)], gidx, sem2)
    cp_dst = pltpu.async_copy(dst_hbm.at[pl.ds(base, _EPW)], sidx, sem2)
    cp_rel = pltpu.async_copy(rel_hbm.at[pl.ds(base, _EPW)], rel_v, sem2)

    def _fill_zero(i, carry):
        zbuf[pl.ds(i * 16, 16)] = jnp.zeros((16,), jnp.float32)
        return carry

    lax.fori_loop(0, _ZB // 16, _fill_zero, 0, unroll=4)

    def _fill_one(i, carry):
        ones_v[pl.ds(i * 16, 16)] = jnp.full((16,), 1.0, jnp.float32)
        return carry

    lax.fori_loop(0, _CH16, _fill_one, 0, unroll=4)

    off = sid * _SEG
    pltpu.sync_copy(zbuf.at[pl.ds(0, _SEG)], c_sh.at[pl.ds(off, _SEG)])

    cp_src.wait()
    cp_dst.wait()
    cp_rel.wait()

    def _mk_sidx(i, carry):
        sl = pl.ds(i * 16, 16)
        sidx[sl] = sidx[sl] * _R + rel_v[sl]
        return carry

    lax.fori_loop(0, _CH16, _mk_sidx, 0, unroll=4)
    cp_si = pltpu.async_copy(sidx, si_out.at[pl.ds(base, _EPW)], sem2)

    plsc.subcore_barrier()

    sct = pltpu.async_copy(ones_v, c_sh.at[sidx], sem, add=True)

    def _mk_gidx(i, carry):
        sl = pl.ds(i * 16, 16)
        gidx[sl] = gidx[sl] * _D + rel_v[sl]
        return carry

    lax.fori_loop(0, _CH16, _mk_gidx, 0, unroll=4)
    cp_gi = pltpu.async_copy(gidx, gi_out.at[pl.ds(base, _EPW)], sem2)

    sct.wait()
    cp_gi.wait()
    cp_si.wait()
    plsc.subcore_barrier()

    oo = cid * _NR + off
    pltpu.sync_copy(c_sh.at[pl.ds(off, _SEG)], ones_v.at[pl.ds(0, _SEG)])
    pltpu.sync_copy(ones_v.at[pl.ds(0, _SEG)], c_out.at[pl.ds(oo, _SEG)])


@functools.partial(
    pl.kernel,
    out_type=jax.ShapeDtypeStruct((_NC * _NR,), jnp.float32),
    mesh=_mesh,
    scratch_types=[
        pltpu.VMEM((_NCHUNK, 1, _CHW), jnp.int32),
        pltpu.VMEM((_NCHUNK, 1, _CHW), jnp.int32),
        pltpu.VMEM((_NCHUNK, 1, _CHW), jnp.float32),
        pltpu.VMEM((_ZB,), jnp.float32),
        pltpu.VMEM_SHARED((_NR,), jnp.float32),
        pltpu.SemaphoreType.DMA,
        pltpu.SemaphoreType.DMA,
    ],
)
def _sc_sums(gi_hbm, si_hbm, z_hbm, s_out,
             gidx, sidx, vals, zbuf, s_sh, sem, sem2):
    cid = lax.axis_index("c")
    sid = lax.axis_index("s")
    wid = sid * _NC + cid

    base = wid * _EPW
    cps = []
    for k in range(_NCHUNK):
        cps.append(pltpu.async_copy(
            gi_hbm.at[pl.ds(base + k * _CHW, _CHW)], gidx.at[k, 0], sem2))
        cps.append(pltpu.async_copy(
            si_hbm.at[pl.ds(base + k * _CHW, _CHW)], sidx.at[k, 0], sem2))

    def _fill_zero(i, carry):
        zbuf[pl.ds(i * 16, 16)] = jnp.zeros((16,), jnp.float32)
        return carry

    lax.fori_loop(0, _ZB // 16, _fill_zero, 0, unroll=4)

    off = sid * _SEG
    pltpu.sync_copy(zbuf.at[pl.ds(0, _SEG)], s_sh.at[pl.ds(off, _SEG)])

    for cp in cps:
        cp.wait()

    gats = [pltpu.async_copy(z_hbm.at[gidx.at[k, 0]], vals.at[k, 0], sem)
            for k in range(2)]

    plsc.subcore_barrier()

    scts = []
    for k in range(_NCHUNK):
        if k + 2 < _NCHUNK:
            gats.append(pltpu.async_copy(
                z_hbm.at[gidx.at[k + 2, 0]], vals.at[k + 2, 0], sem))
        gats[k].wait()
        scts.append(pltpu.async_copy(
            vals.at[k, 0], s_sh.at[sidx.at[k, 0]], sem2, add=True))
    for s in scts:
        s.wait()

    plsc.subcore_barrier()

    oo = cid * _NR + off
    pltpu.sync_copy(s_sh.at[pl.ds(off, _SEG)], zbuf.at[pl.ds(0, _SEG)])
    pltpu.sync_copy(zbuf.at[pl.ds(0, _SEG)], s_out.at[pl.ds(oo, _SEG)])


_NPT = 320
_NLAST = _N - _NPT
_NV = _NPT * _R


@functools.partial(
    pl.kernel,
    out_type=jax.ShapeDtypeStruct((_N,), jnp.float32),
    mesh=_mesh,
    scratch_types=[
        pltpu.VMEM((_NV,), jnp.float32),
        pltpu.VMEM((_NV,), jnp.float32),
        pltpu.VMEM((_NV,), jnp.float32),
        pltpu.VMEM((_NV,), jnp.float32),
        pltpu.VMEM((_NV,), jnp.float32),
        pltpu.VMEM((_NV,), jnp.int32),
        pltpu.VMEM((_NPT,), jnp.float32),
        pltpu.VMEM((_NPT,), jnp.int32),
        pltpu.VMEM((_NPT,), jnp.int32),
        pltpu.VMEM((_NPT,), jnp.float32),
        pltpu.VMEM((16,), jnp.float32),
        pltpu.VMEM_SHARED((_NS * _NPT,), jnp.float32),
        pltpu.SemaphoreType.DMA,
        pltpu.SemaphoreType.DMA,
    ],
)
def _sc_score(s_hbm, c_hbm, z_hbm, b_hbm, sc_out,
              sa, sb, ca, cb, rat, ridx, aggv, xidx, pidx, xrv, bv, agg_sh,
              sem, sem2):
    cid = lax.axis_index("c")
    sid = lax.axis_index("s")
    wid = sid * _NC + cid
    n0 = jnp.minimum(wid * _NPT, _NLAST)

    cps = [
        pltpu.async_copy(s_hbm.at[pl.ds(n0 * _R, _NV)], sa, sem2),
        pltpu.async_copy(s_hbm.at[pl.ds(_NR + n0 * _R, _NV)], sb, sem2),
        pltpu.async_copy(c_hbm.at[pl.ds(n0 * _R, _NV)], ca, sem2),
        pltpu.async_copy(c_hbm.at[pl.ds(_NR + n0 * _R, _NV)], cb, sem2),
        pltpu.async_copy(b_hbm, bv, sem2),
    ]

    iota16 = lax.iota(jnp.int32, 16)

    def _mk_xidx(g, carry):
        t = (iota16 + g * 16 + n0) * _D
        xidx[pl.ds(g * 16, 16)] = t + _R
        pidx[pl.ds(g * 16, 16)] = t
        return carry

    lax.fori_loop(0, _NPT // 16, _mk_xidx, 0, unroll=4)
    gat = pltpu.async_copy(z_hbm.at[xidx], xrv, sem)

    rbase = sid * _NPT

    def _mk_ridx(c, carry):
        ii = iota16 + c * 16
        ridx[pl.ds(c * 16, 16)] = rbase + lax.shift_right_logical(ii, 3)
        return carry

    lax.fori_loop(0, _NV // 16, _mk_ridx, 0, unroll=4)

    def _fill_zero(g, carry):
        aggv[pl.ds(g * 16, 16)] = jnp.zeros((16,), jnp.float32)
        return carry

    lax.fori_loop(0, _NPT // 16, _fill_zero, 0, unroll=4)
    pltpu.sync_copy(aggv, agg_sh.at[pl.ds(rbase, _NPT)])

    for cp in cps:
        cp.wait()

    def _mk_ratio(c, carry):
        sl = pl.ds(c * 16, 16)
        rat[sl] = (sa[sl] + sb[sl]) / jnp.maximum(ca[sl] + cb[sl], 1.0)
        return carry

    lax.fori_loop(0, _NV // 16, _mk_ratio, 0, unroll=4)

    pltpu.sync_copy(rat, agg_sh.at[ridx], add=True)
    pltpu.sync_copy(agg_sh.at[pl.ds(rbase, _NPT)], aggv)
    gat.wait()

    def _mk_score(g, carry):
        sl = pl.ds(g * 16, 16)
        val = aggv[sl] + xrv[sl] + bv[...]
        e = jnp.exp(-2.0 * jnp.abs(val))
        th = (1.0 - e) / (1.0 + e)
        aggv[sl] = jnp.where(val < 0.0, -th, th)
        return carry

    lax.fori_loop(0, _NPT // 16, _mk_score, 0, unroll=4)
    pltpu.sync_copy(aggv, sc_out.at[pl.ds(n0, _NPT)])


def _scale_body(x_ref, s_ref, xo_ref):
    xo_ref[...] = x_ref[...] * s_ref[...]


def _mm_body(x_ref, w_ref, r_ref, z_ref):
    xb = x_ref[...]
    yb = lax.dot_general(xb, w_ref[...], (((1,), (1,)), ((), ())),
                         preferred_element_type=jnp.float32)
    xr = jnp.dot(xb, r_ref[...], preferred_element_type=jnp.float32)
    z_ref[...] = jnp.concatenate(
        [yb, xr, jnp.zeros((_BN, _D - _R - 1), jnp.float32)], axis=1)


def kernel(x, edge_index, edge_attr, weight, root, bias):
    src = edge_index[0].astype(jnp.int32)
    dst = edge_index[1].astype(jnp.int32)
    rel = edge_attr.astype(jnp.int32)

    c_part, gi, si = _sc_counts(src, dst, rel)

    w2 = weight.reshape(_R, _D)
    z = pl.pallas_call(
        _mm_body,
        grid=(_GRID,),
        in_specs=[
            pl.BlockSpec((_BN, _D), lambda i: (i, 0)),
            pl.BlockSpec((_R, _D), lambda i: (0, 0)),
            pl.BlockSpec((_D, 1), lambda i: (0, 0)),
        ],
        out_specs=pl.BlockSpec((_BN, _D), lambda i: (i, 0)),
        out_shape=jax.ShapeDtypeStruct((_N, _D), jnp.float32),
    )(x, w2, root)

    z_flat = z.reshape(_N * _D)

    s_part = _sc_sums(gi, si, z_flat)

    bias16 = jnp.broadcast_to(bias, (16,))
    score = _sc_score(s_part, c_part, z_flat, bias16)

    x_out = pl.pallas_call(
        _scale_body,
        grid=(_GRID,),
        in_specs=[
            pl.BlockSpec((_BN, _D), lambda i: (i, 0)),
            pl.BlockSpec((_BN, 1), lambda i: (i, 0)),
        ],
        out_specs=pl.BlockSpec((_BN, _D), lambda i: (i, 0)),
        out_shape=jax.ShapeDtypeStruct((_N, _D), jnp.float32),
    )(x, score.reshape(_N, 1))

    return (x_out, score)

# --- scband reference (transcript-rebuilt; emitter-appended) ---
"""Pipeline reference for scband-rgcnsa-22179211117211 (READ-ONLY COPY).

The authoritative reference and input builder live on the scoring server;
editing this copy changes nothing except your own understanding.
"""

import jax, jax.numpy as jnp
import numpy as np

N = 10000
E = 320000
D = 128
R = 8


def setup_inputs(seed: int = 0) -> dict:
    key = jax.random.key(seed)
    k1, k2, k3, k4, k5 = jax.random.split(key, 5)
    x = jax.random.normal(k1, (N, D), dtype=jnp.float32)
    edge_index = jax.random.randint(k2, (2, E), 0, N)
    edge_attr = jax.random.randint(k3, (E,), 0, R)
    # FastRGCNConv(in_channels=D, out_channels=1, num_relations=R) parameters
    weight = jax.random.normal(k4, (R, D, 1), dtype=jnp.float32) * (1.0 / np.sqrt(D))
    root = jax.random.normal(k5, (D, 1), dtype=jnp.float32) * (1.0 / np.sqrt(D))
    bias = jnp.zeros((1,), dtype=jnp.float32)
    return {"x": x, "edge_index": edge_index, "edge_attr": edge_attr,
            "weight": weight, "root": root, "bias": bias}


def reference(x, edge_index, edge_attr, weight, root, bias):
    # RGCNSA.forward: batch=None -> single graph; attn=x; score = FastRGCNConv(x, edge_index, edge_type)
    src = edge_index[0]
    dst = edge_index[1]
    # message: per-edge relation-specific transform of source features -> [E, 1]
    w_e = weight[edge_attr]                      # gather [E, D, 1]
    x_j = x[src]                                 # gather [E, D]
    msg = jnp.einsum('ed,edo->eo', x_j, w_e)     # [E, 1]
    # FastRGCNConv mean aggregation: normalize by count of edges per (dst, relation)
    one_hot = jax.nn.one_hot(edge_attr, R, dtype=jnp.float32)          # [E, R]
    count = jax.ops.segment_sum(one_hot, dst, num_segments=N)          # [N, R]
    norm = jnp.take_along_axis(count[dst], edge_attr[:, None], axis=1)[:, 0]
    norm = 1.0 / jnp.clip(norm, 1.0)
    agg = jax.ops.segment_sum(msg * norm[:, None], dst, num_segments=N)  # scatter-add [N, 1]
    out = agg + x @ root + bias                                          # root transform + bias
    score = jnp.tanh(out.reshape(-1))            # min_score is None -> nonlinearity (tanh)
    x_out = x * score[:, None]
    return (x_out, score)

if __name__ == "__main__":
    import jax
    _d = setup_inputs()
    print(jax.jit(kernel)(*tuple(_d.values())))

</pallas_src>

<mosaic_0001>
#map = affine_map<(d0, d1) -> (0)>
module attributes {stable_mosaic.version = 14 : i64} {
  func.func @_sc_sums(%arg0: i32, %arg1: i32, %arg2: memref<320000xi32, #tpu.memory_space<hbm>>, %arg3: memref<320000xi32, #tpu.memory_space<hbm>>, %arg4: memref<1280000xf32, #tpu.memory_space<hbm>>, %arg5: memref<160000xf32, #tpu.memory_space<hbm>>, %arg6: memref<5x1x2000xi32, #tpu.memory_space<vmem>>, %arg7: memref<5x1x2000xi32, #tpu.memory_space<vmem>>, %arg8: memref<5x1x2000xf32, #tpu.memory_space<vmem>>, %arg9: memref<5008xf32, #tpu.memory_space<vmem>>, %arg10: memref<80000xf32, #tpu.memory_space<vmem_shared>>, %arg11: memref<!tpu.dma_semaphore, #tpu.memory_space<semaphore_mem>>, %arg12: memref<!tpu.dma_semaphore, #tpu.memory_space<semaphore_mem>>) attributes {dimension_semantics = [#tpu.dimension_semantics<core_parallel>, #tpu.dimension_semantics<subcore_parallel>], iteration_bounds = array<i64: 2, 16>, scalar_prefetch = 0 : i64, scratch_operands = 7 : i64, tpu.core_type = #tpu.core_type<sc_vector_subcore>, window_params = [{transform_indices = #map}, {transform_indices = #map}, {transform_indices = #map}, {transform_indices = #map}]} {
    %mul3A = arith.constant 2 : i32
    %mul3A_0 = arith.muli %arg1, %mul3A : i32
    %add3A = arith.addi %mul3A_0, %arg0 : i32
    %mul3A_1 = arith.constant 10000 : i32
    %mul3A_2 = arith.muli %add3A, %mul3A_1 : i32
    %add3A_3 = arith.constant 0 : i32
    %add3A_4 = arith.addi %mul3A_2, %add3A_3 : i32
    %dma_start3A = arith.constant 0 : i32
    %dma_start3A_5 = arith.constant 0 : i32
    %dma_start3A_6 = arith.constant 0 : i32
    %dma_start3A_7 = tpu.memref_slice %arg6[%dma_start3A, %dma_start3A_5, %dma_start3A_6] : memref<5x1x2000xi32, #tpu.memory_space<vmem>> -> memref<1x1x2000xi32, #tpu.memory_space<vmem>>
    %dma_start3A_8 = tpu.memref_squeeze %dma_start3A_7 : memref<1x1x2000xi32, #tpu.memory_space<vmem>> -> memref<2000xi32, #tpu.memory_space<vmem>>
    %dma_start3A_9 = tpu.memref_slice %arg2[%add3A_4] : memref<320000xi32, #tpu.memory_space<hbm>> -> memref<2000xi32, #tpu.memory_space<hbm>>
    %dma_start3A_10 = arith.constant 0 : i32
    %dma_start3A_11 = tpu.memref_slice %arg6[%dma_start3A, %dma_start3A_5, %dma_start3A_10] : memref<5x1x2000xi32, #tpu.memory_space<vmem>> -> memref<1x1x2000xi32, #tpu.memory_space<vmem>>
    %dma_start3A_12 = tpu.memref_squeeze %dma_start3A_11 : memref<1x1x2000xi32, #tpu.memory_space<vmem>> -> memref<2000xi32, #tpu.memory_space<vmem>>
    %dma_start3A_13 = tpu.memref_slice %arg2[%add3A_4] : memref<320000xi32, #tpu.memory_space<hbm>> -> memref<2000xi32, #tpu.memory_space<hbm>>
    tpu.enqueue_dma source(%dma_start3A_13 : memref<2000xi32, #tpu.memory_space<hbm>>) target(%dma_start3A_12 : memref<2000xi32, #tpu.memory_space<vmem>>) target_semaphore(%arg12 : memref<!tpu.dma_semaphore, #tpu.memory_space<semaphore_mem>>)
    %add3A_14 = arith.constant 0 : i32
    %add3A_15 = arith.addi %mul3A_2, %add3A_14 : i32
    %dma_start3A_16 = arith.constant 0 : i32
    %dma_start3A_17 = arith.constant 0 : i32
    %dma_start3A_18 = arith.constant 0 : i32
    %dma_start3A_19 = tpu.memref_slice %arg7[%dma_start3A_16, %dma_start3A_17, %dma_start3A_18] : memref<5x1x2000xi32, #tpu.memory_space<vmem>> -> memref<1x1x2000xi32, #tpu.memory_space<vmem>>
    %dma_start3A_20 = tpu.memref_squeeze %dma_start3A_19 : memref<1x1x2000xi32, #tpu.memory_space<vmem>> -> memref<2000xi32, #tpu.memory_space<vmem>>
    %dma_start3A_21 = tpu.memref_slice %arg3[%add3A_15] : memref<320000xi32, #tpu.memory_space<hbm>> -> memref<2000xi32, #tpu.memory_space<hbm>>
    %dma_start3A_22 = arith.constant 0 : i32
    %dma_start3A_23 = tpu.memref_slice %arg7[%dma_start3A_16, %dma_start3A_17, %dma_start3A_22] : memref<5x1x2000xi32, #tpu.memory_space<vmem>> -> memref<1x1x2000xi32, #tpu.memory_space<vmem>>
    %dma_start3A_24 = tpu.memref_squeeze %dma_start3A_23 : memref<1x1x2000xi32, #tpu.memory_space<vmem>> -> memref<2000xi32, #tpu.memory_space<vmem>>
    %dma_start3A_25 = tpu.memref_slice %arg3[%add3A_15] : memref<320000xi32, #tpu.memory_space<hbm>> -> memref<2000xi32, #tpu.memory_space<hbm>>
    tpu.enqueue_dma source(%dma_start3A_25 : memref<2000xi32, #tpu.memory_space<hbm>>) target(%dma_start3A_24 : memref<2000xi32, #tpu.memory_space<vmem>>) target_semaphore(%arg12 : memref<!tpu.dma_semaphore, #tpu.memory_space<semaphore_mem>>)
    %add3A_26 = arith.constant 2000 : i32
    %add3A_27 = arith.addi %mul3A_2, %add3A_26 : i32
    %dma_start3A_28 = arith.constant 1 : i32
    %dma_start3A_29 = arith.constant 0 : i32
    %dma_start3A_30 = arith.constant 0 : i32
    %dma_start3A_31 = tpu.memref_slice %arg6[%dma_start3A_28, %dma_start3A_29, %dma_start3A_30] : memref<5x1x2000xi32, #tpu.memory_space<vmem>> -> memref<1x1x2000xi32, #tpu.memory_space<vmem>>
    %dma_start3A_32 = tpu.memref_squeeze %dma_start3A_31 : memref<1x1x2000xi32, #tpu.memory_space<vmem>> -> memref<2000xi32, #tpu.memory_space<vmem>>
    %dma_start3A_33 = tpu.memref_slice %arg2[%add3A_27] : memref<320000xi32, #tpu.memory_space<hbm>> -> memref<2000xi32, #tpu.memory_space<hbm>>
    %dma_start3A_34 = arith.constant 0 : i32
    %dma_start3A_35 = tpu.memref_slice %arg6[%dma_start3A_28, %dma_start3A_29, %dma_start3A_34] : memref<5x1x2000xi32, #tpu.memory_space<vmem>> -> memref<1x1x2000xi32, #tpu.memory_space<vmem>>
    %dma_start3A_36 = tpu.memref_squeeze %dma_start3A_35 : memref<1x1x2000xi32, #tpu.memory_space<vmem>> -> memref<2000xi32, #tpu.memory_space<vmem>>
    %dma_start3A_37 = tpu.memref_slice %arg2[%add3A_27] : memref<320000xi32, #tpu.memory_space<hbm>> -> memref<2000xi32, #tpu.memory_space<hbm>>
    tpu.enqueue_dma source(%dma_start3A_37 : memref<2000xi32, #tpu.memory_space<hbm>>) target(%dma_start3A_36 : memref<2000xi32, #tpu.memory_space<vmem>>) target_semaphore(%arg12 : memref<!tpu.dma_semaphore, #tpu.memory_space<semaphore_mem>>)
    %add3A_38 = arith.constant 2000 : i32
    %add3A_39 = arith.addi %mul3A_2, %add3A_38 : i32
    %dma_start3A_40 = arith.constant 1 : i32
    %dma_start3A_41 = arith.constant 0 : i32
    %dma_start3A_42 = arith.constant 0 : i32
    %dma_start3A_43 = tpu.memref_slice %arg7[%dma_start3A_40, %dma_start3A_41, %dma_start3A_42] : memref<5x1x2000xi32, #tpu.memory_space<vmem>> -> memref<1x1x2000xi32, #tpu.memory_space<vmem>>
    %dma_start3A_44 = tpu.memref_squeeze %dma_start3A_43 : memref<1x1x2000xi32, #tpu.memory_space<vmem>> -> memref<2000xi32, #tpu.memory_space<vmem>>
    %dma_start3A_45 = tpu.memref_slice %arg3[%add3A_39] : memref<320000xi32, #tpu.memory_space<hbm>> -> memref<2000xi32, #tpu.memory_space<hbm>>
    %dma_start3A_46 = arith.constant 0 : i32
    %dma_start3A_47 = tpu.memref_slice %arg7[%dma_start3A_40, %dma_start3A_41, %dma_start3A_46] : memref<5x1x2000xi32, #tpu.memory_space<vmem>> -> memref<1x1x2000xi32, #tpu.memory_space<vmem>>
    %dma_start3A_48 = tpu.memref_squeeze %dma_start3A_47 : memref<1x1x2000xi32, #tpu.memory_space<vmem>> -> memref<2000xi32, #tpu.memory_space<vmem>>
    %dma_start3A_49 = tpu.memref_slice %arg3[%add3A_39] : memref<320000xi32, #tpu.memory_space<hbm>> -> memref<2000xi32, #tpu.memory_space<hbm>>
    tpu.enqueue_dma source(%dma_start3A_49 : memref<2000xi32, #tpu.memory_space<hbm>>) target(%dma_start3A_48 : memref<2000xi32, #tpu.memory_space<vmem>>) target_semaphore(%arg12 : memref<!tpu.dma_semaphore, #tpu.memory_space<semaphore_mem>>)
    %add3A_50 = arith.constant 4000 : i32
    %add3A_51 = arith.addi %mul3A_2, %add3A_50 : i32
    %dma_start3A_52 = arith.constant 2 : i32
    %dma_start3A_53 = arith.constant 0 : i32
    %dma_start3A_54 = arith.constant 0 : i32
    %dma_start3A_55 = tpu.memref_slice %arg6[%dma_start3A_52, %dma_start3A_53, %dma_start3A_54] : memref<5x1x2000xi32, #tpu.memory_space<vmem>> -> memref<1x1x2000xi32, #tpu.memory_space<vmem>>
    %dma_start3A_56 = tpu.memref_squeeze %dma_start3A_55 : memref<1x1x2000xi32, #tpu.memory_space<vmem>> -> memref<2000xi32, #tpu.memory_space<vmem>>
    %dma_start3A_57 = tpu.memref_slice %arg2[%add3A_51] : memref<320000xi32, #tpu.memory_space<hbm>> -> memref<2000xi32, #tpu.memory_space<hbm>>
    %dma_start3A_58 = arith.constant 0 : i32
    %dma_start3A_59 = tpu.memref_slice %arg6[%dma_start3A_52, %dma_start3A_53, %dma_start3A_58] : memref<5x1x2000xi32, #tpu.memory_space<vmem>> -> memref<1x1x2000xi32, #tpu.memory_space<vmem>>
    %dma_start3A_60 = tpu.memref_squeeze %dma_start3A_59 : memref<1x1x2000xi32, #tpu.memory_space<vmem>> -> memref<2000xi32, #tpu.memory_space<vmem>>
    %dma_start3A_61 = tpu.memref_slice %arg2[%add3A_51] : memref<320000xi32, #tpu.memory_space<hbm>> -> memref<2000xi32, #tpu.memory_space<hbm>>
    tpu.enqueue_dma source(%dma_start3A_61 : memref<2000xi32, #tpu.memory_space<hbm>>) target(%dma_start3A_60 : memref<2000xi32, #tpu.memory_space<vmem>>) target_semaphore(%arg12 : memref<!tpu.dma_semaphore, #tpu.memory_space<semaphore_mem>>)
    %add3A_62 = arith.constant 4000 : i32
    %add3A_63 = arith.addi %mul3A_2, %add3A_62 : i32
    %dma_start3A_64 = arith.constant 2 : i32
    %dma_start3A_65 = arith.constant 0 : i32
    %dma_start3A_66 = arith.constant 0 : i32
    %dma_start3A_67 = tpu.memref_slice %arg7[%dma_start3A_64, %dma_start3A_65, %dma_start3A_66] : memref<5x1x2000xi32, #tpu.memory_space<vmem>> -> memref<1x1x2000xi32, #tpu.memory_space<vmem>>
    %dma_start3A_68 = tpu.memref_squeeze %dma_start3A_67 : memref<1x1x2000xi32, #tpu.memory_space<vmem>> -> memref<2000xi32, #tpu.memory_space<vmem>>
    %dma_start3A_69 = tpu.memref_slice %arg3[%add3A_63] : memref<320000xi32, #tpu.memory_space<hbm>> -> memref<2000xi32, #tpu.memory_space<hbm>>
    %dma_start3A_70 = arith.constant 0 : i32
    %dma_start3A_71 = tpu.memref_slice %arg7[%dma_start3A_64, %dma_start3A_65, %dma_start3A_70] : memref<5x1x2000xi32, #tpu.memory_space<vmem>> -> memref<1x1x2000xi32, #tpu.memory_space<vmem>>
    %dma_start3A_72 = tpu.memref_squeeze %dma_start3A_71 : memref<1x1x2000xi32, #tpu.memory_space<vmem>> -> memref<2000xi32, #tpu.memory_space<vmem>>
    %dma_start3A_73 = tpu.memref_slice %arg3[%add3A_63] : memref<320000xi32, #tpu.memory_space<hbm>> -> memref<2000xi32, #tpu.memory_space<hbm>>
    tpu.enqueue_dma source(%dma_start3A_73 : memref<2000xi32, #tpu.memory_space<hbm>>) target(%dma_start3A_72 : memref<2000xi32, #tpu.memory_space<vmem>>) target_semaphore(%arg12 : memref<!tpu.dma_semaphore, #tpu.memory_space<semaphore_mem>>)
    %add3A_74 = arith.constant 6000 : i32
    %add3A_75 = arith.addi %mul3A_2, %add3A_74 : i32
    %dma_start3A_76 = arith.constant 3 : i32
    %dma_start3A_77 = arith.constant 0 : i32
    %dma_start3A_78 = arith.constant 0 : i32
    %dma_start3A_79 = tpu.memref_slice %arg6[%dma_start3A_76, %dma_start3A_77, %dma_start3A_78] : memref<5x1x2000xi32, #tpu.memory_space<vmem>> -> memref<1x1x2000xi32, #tpu.memory_space<vmem>>
    %dma_start3A_80 = tpu.memref_squeeze %dma_start3A_79 : memref<1x1x2000xi32, #tpu.memory_space<vmem>> -> memref<2000xi32, #tpu.memory_space<vmem>>
    %dma_start3A_81 = tpu.memref_slice %arg2[%add3A_75] : memref<320000xi32, #tpu.memory_space<hbm>> -> memref<2000xi32, #tpu.memory_space<hbm>>
    %dma_start3A_82 = arith.constant 0 : i32
    %dma_start3A_83 = tpu.memref_slice %arg6[%dma_start3A_76, %dma_start3A_77, %dma_start3A_82] : memref<5x1x2000xi32, #tpu.memory_space<vmem>> -> memref<1x1x2000xi32, #tpu.memory_space<vmem>>
    %dma_start3A_84 = tpu.memref_squeeze %dma_start3A_83 : memref<1x1x2000xi32, #tpu.memory_space<vmem>> -> memref<2000xi32, #tpu.memory_space<vmem>>
    %dma_start3A_85 = tpu.memref_slice %arg2[%add3A_75] : memref<320000xi32, #tpu.memory_space<hbm>> -> memref<2000xi32, #tpu.memory_space<hbm>>
    tpu.enqueue_dma source(%dma_start3A_85 : memref<2000xi32, #tpu.memory_space<hbm>>) target(%dma_start3A_84 : memref<2000xi32, #tpu.memory_space<vmem>>) target_semaphore(%arg12 : memref<!tpu.dma_semaphore, #tpu.memory_space<semaphore_mem>>)
    %add3A_86 = arith.constant 6000 : i32
    %add3A_87 = arith.addi %mul3A_2, %add3A_86 : i32
    %dma_start3A_88 = arith.constant 3 : i32
    %dma_start3A_89 = arith.constant 0 : i32
    %dma_start3A_90 = arith.constant 0 : i32
    %dma_start3A_91 = tpu.memref_slice %arg7[%dma_start3A_88, %dma_start3A_89, %dma_start3A_90] : memref<5x1x2000xi32, #tpu.memory_space<vmem>> -> memref<1x1x2000xi32, #tpu.memory_space<vmem>>
    %dma_start3A_92 = tpu.memref_squeeze %dma_start3A_91 : memref<1x1x2000xi32, #tpu.memory_space<vmem>> -> memref<2000xi32, #tpu.memory_space<vmem>>
    %dma_start3A_93 = tpu.memref_slice %arg3[%add3A_87] : memref<320000xi32, #tpu.memory_space<hbm>> -> memref<2000xi32, #tpu.memory_space<hbm>>
    %dma_start3A_94 = arith.constant 0 : i32
    %dma_start3A_95 = tpu.memref_slice %arg7[%dma_start3A_88, %dma_start3A_89, %dma_start3A_94] : memref<5x1x2000xi32, #tpu.memory_space<vmem>> -> memref<1x1x2000xi32, #tpu.memory_space<vmem>>
    %dma_start3A_96 = tpu.memref_squeeze %dma_start3A_95 : memref<1x1x2000xi32, #tpu.memory_space<vmem>> -> memref<2000xi32, #tpu.memory_space<vmem>>
    %dma_start3A_97 = tpu.memref_slice %arg3[%add3A_87] : memref<320000xi32, #tpu.memory_space<hbm>> -> memref<2000xi32, #tpu.memory_space<hbm>>
    tpu.enqueue_dma source(%dma_start3A_97 : memref<2000xi32, #tpu.memory_space<hbm>>) target(%dma_start3A_96 : memref<2000xi32, #tpu.memory_space<vmem>>) target_semaphore(%arg12 : memref<!tpu.dma_semaphore, #tpu.memory_space<semaphore_mem>>)
    %add3A_98 = arith.constant 8000 : i32
    %add3A_99 = arith.addi %mul3A_2, %add3A_98 : i32
    %dma_start3A_100 = arith.constant 4 : i32
    %dma_start3A_101 = arith.constant 0 : i32
    %dma_start3A_102 = arith.constant 0 : i32
    %dma_start3A_103 = tpu.memref_slice %arg6[%dma_start3A_100, %dma_start3A_101, %dma_start3A_102] : memref<5x1x2000xi32, #tpu.memory_space<vmem>> -> memref<1x1x2000xi32, #tpu.memory_space<vmem>>
    %dma_start3A_104 = tpu.memref_squeeze %dma_start3A_103 : memref<1x1x2000xi32, #tpu.memory_space<vmem>> -> memref<2000xi32, #tpu.memory_space<vmem>>
    %dma_start3A_105 = tpu.memref_slice %arg2[%add3A_99] : memref<320000xi32, #tpu.memory_space<hbm>> -> memref<2000xi32, #tpu.memory_space<hbm>>
    %dma_start3A_106 = arith.constant 0 : i32
    %dma_start3A_107 = tpu.memref_slice %arg6[%dma_start3A_100, %dma_start3A_101, %dma_start3A_106] : memref<5x1x2000xi32, #tpu.memory_space<vmem>> -> memref<1x1x2000xi32, #tpu.memory_space<vmem>>
    %dma_start3A_108 = tpu.memref_squeeze %dma_start3A_107 : memref<1x1x2000xi32, #tpu.memory_space<vmem>> -> memref<2000xi32, #tpu.memory_space<vmem>>
    %dma_start3A_109 = tpu.memref_slice %arg2[%add3A_99] : memref<320000xi32, #tpu.memory_space<hbm>> -> memref<2000xi32, #tpu.memory_space<hbm>>
    tpu.enqueue_dma source(%dma_start3A_109 : memref<2000xi32, #tpu.memory_space<hbm>>) target(%dma_start3A_108 : memref<2000xi32, #tpu.memory_space<vmem>>) target_semaphore(%arg12 : memref<!tpu.dma_semaphore, #tpu.memory_space<semaphore_mem>>)
    %add3A_110 = arith.constant 8000 : i32
    %add3A_111 = arith.addi %mul3A_2, %add3A_110 : i32
    %dma_start3A_112 = arith.constant 4 : i32
    %dma_start3A_113 = arith.constant 0 : i32
    %dma_start3A_114 = arith.constant 0 : i32
    %dma_start3A_115 = tpu.memref_slice %arg7[%dma_start3A_112, %dma_start3A_113, %dma_start3A_114] : memref<5x1x2000xi32, #tpu.memory_space<vmem>> -> memref<1x1x2000xi32, #tpu.memory_space<vmem>>
    %dma_start3A_116 = tpu.memref_squeeze %dma_start3A_115 : memref<1x1x2000xi32, #tpu.memory_space<vmem>> -> memref<2000xi32, #tpu.memory_space<vmem>>
    %dma_start3A_117 = tpu.memref_slice %arg3[%add3A_111] : memref<320000xi32, #tpu.memory_space<hbm>> -> memref<2000xi32, #tpu.memory_space<hbm>>
    %dma_start3A_118 = arith.constant 0 : i32
    %dma_start3A_119 = tpu.memref_slice %arg7[%dma_start3A_112, %dma_start3A_113, %dma_start3A_118] : memref<5x1x2000xi32, #tpu.memory_space<vmem>> -> memref<1x1x2000xi32, #tpu.memory_space<vmem>>
    %dma_start3A_120 = tpu.memref_squeeze %dma_start3A_119 : memref<1x1x2000xi32, #tpu.memory_space<vmem>> -> memref<2000xi32, #tpu.memory_space<vmem>>
    %dma_start3A_121 = tpu.memref_slice %arg3[%add3A_111] : memref<320000xi32, #tpu.memory_space<hbm>> -> memref<2000xi32, #tpu.memory_space<hbm>>
    tpu.enqueue_dma source(%dma_start3A_121 : memref<2000xi32, #tpu.memory_space<hbm>>) target(%dma_start3A_120 : memref<2000xi32, #tpu.memory_space<vmem>>) target_semaphore(%arg12 : memref<!tpu.dma_semaphore, #tpu.memory_space<semaphore_mem>>)
    %scan3A = arith.constant 0 : i32
    %scan3A_122 = arith.constant 0 : i32
    %scan3A_123 = arith.constant 312 : i32
    %scan3A_124 = arith.addi %scan3A_122, %scan3A_123 : i32
    %scan3A_125 = arith.constant 4 : i32
    scf.for %scan3A_480 = %scan3A_122 to %scan3A_124 step %scan3A_125  : i32 {
      %broadcast_in_dim3A_481 = arith.constant 0.000000e+00 : f32
      %broadcast_in_dim3A_482 = vector.broadcast %broadcast_in_dim3A_481 : f32 to vector<16xf32>
      %mul3A_483 = arith.constant 16 : i32
      %mul3A_484 = arith.muli %scan3A_480, %mul3A_483 : i32
      %swap3A_485 = arith.index_cast %mul3A_484 : i32 to index
      %swap3A_486 = tpu.vector_load %arg9[%swap3A_485] {strides = array<i32>} : memref<5008xf32, #tpu.memory_space<vmem>>, vector<16xf32>,
      %swap3A_487 = vector.shape_cast %swap3A_486 : vector<16xf32> to vector<16xf32>
      %swap3A_488 = vector.shape_cast %broadcast_in_dim3A_482 : vector<16xf32> to vector<16xf32>
      tpu.vector_store %arg9[%swap3A_485], %swap3A_488 {strides = array<i32>} : memref<5008xf32, #tpu.memory_space<vmem>>, vector<16xf32>,
      %scan3A_489 = arith.constant 1 : i32
      %scan3A_490 = arith.addi %scan3A_480, %scan3A_489 : i32
      %broadcast_in_dim3A_491 = arith.constant 0.000000e+00 : f32
      %broadcast_in_dim3A_492 = vector.broadcast %broadcast_in_dim3A_491 : f32 to vector<16xf32>
      %mul3A_493 = arith.constant 16 : i32
      %mul3A_494 = arith.muli %scan3A_490, %mul3A_493 : i32
      %swap3A_495 = arith.index_cast %mul3A_494 : i32 to index
      %swap3A_496 = tpu.vector_load %arg9[%swap3A_495] {strides = array<i32>} : memref<5008xf32, #tpu.memory_space<vmem>>, vector<16xf32>,
      %swap3A_497 = vector.shape_cast %swap3A_496 : vector<16xf32> to vector<16xf32>
      %swap3A_498 = vector.shape_cast %broadcast_in_dim3A_492 : vector<16xf32> to vector<16xf32>
      tpu.vector_store %arg9[%swap3A_495], %swap3A_498 {strides = array<i32>} : memref<5008xf32, #tpu.memory_space<vmem>>, vector<16xf32>,
      %scan3A_499 = arith.constant 2 : i32
      %scan3A_500 = arith.addi %scan3A_480, %scan3A_499 : i32
      %broadcast_in_dim3A_501 = arith.constant 0.000000e+00 : f32
      %broadcast_in_dim3A_502 = vector.broadcast %broadcast_in_dim3A_501 : f32 to vector<16xf32>
      %mul3A_503 = arith.constant 16 : i32
      %mul3A_504 = arith.muli %scan3A_500, %mul3A_503 : i32
      %swap3A_505 = arith.index_cast %mul3A_504 : i32 to index
      %swap3A_506 = tpu.vector_load %arg9[%swap3A_505] {strides = array<i32>} : memref<5008xf32, #tpu.memory_space<vmem>>, vector<16xf32>,
      %swap3A_507 = vector.shape_cast %swap3A_506 : vector<16xf32> to vector<16xf32>
      %swap3A_508 = vector.shape_cast %broadcast_in_dim3A_502 : vector<16xf32> to vector<16xf32>
      tpu.vector_store %arg9[%swap3A_505], %swap3A_508 {strides = array<i32>} : memref<5008xf32, #tpu.memory_space<vmem>>, vector<16xf32>,
      %scan3A_509 = arith.constant 3 : i32
      %scan3A_510 = arith.addi %scan3A_480, %scan3A_509 : i32
      %broadcast_in_dim3A_511 = arith.constant 0.000000e+00 : f32
      %broadcast_in_dim3A_512 = vector.broadcast %broadcast_in_dim3A_511 : f32 to vector<16xf32>
      %mul3A_513 = arith.constant 16 : i32
      %mul3A_514 = arith.muli %scan3A_510, %mul3A_513 : i32
      %swap3A_515 = arith.index_cast %mul3A_514 : i32 to index
      %swap3A_516 = tpu.vector_load %arg9[%swap3A_515] {strides = array<i32>} : memref<5008xf32, #tpu.memory_space<vmem>>, vector<16xf32>,
      %swap3A_517 = vector.shape_cast %swap3A_516 : vector<16xf32> to vector<16xf32>
      %swap3A_518 = vector.shape_cast %broadcast_in_dim3A_512 : vector<16xf32> to vector<16xf32>
      tpu.vector_store %arg9[%swap3A_515], %swap3A_518 {strides = array<i32>} : memref<5008xf32, #tpu.memory_space<vmem>>, vector<16xf32>,
    }
    %scan3A_126 = arith.constant 312 : i32
    %scan3A_127 = arith.addi %scan3A_122, %scan3A_126 : i32
    %broadcast_in_dim3A = arith.constant 0.000000e+00 : f32
    %broadcast_in_dim3A_128 = vector.broadcast %broadcast_in_dim3A : f32 to vector<16xf32>
    %mul3A_129 = arith.constant 16 : i32
    %mul3A_130 = arith.muli %scan3A_127, %mul3A_129 : i32
    %swap3A = arith.index_cast %mul3A_130 : i32 to index
    %swap3A_131 = tpu.vector_load %arg9[%swap3A] {strides = array<i32>} : memref<5008xf32, #tpu.memory_space<vmem>>, vector<16xf32>,
    %swap3A_132 = vector.shape_cast %swap3A_131 : vector<16xf32> to vector<16xf32>
    %swap3A_133 = vector.shape_cast %broadcast_in_dim3A_128 : vector<16xf32> to vector<16xf32>
    tpu.vector_store %arg9[%swap3A], %swap3A_133 {strides = array<i32>} : memref<5008xf32, #tpu.memory_space<vmem>>, vector<16xf32>,
    %scan3A_134 = arith.constant 313 : i32
    %mul3A_135 = arith.constant 5000 : i32
    %mul3A_136 = arith.muli %arg1, %mul3A_135 : i32
    "tpu.region"() ({
      %run_scoped3A = tpu.sem_alloc : memref<!tpu.dma_semaphore, #tpu.memory_space<semaphore_mem>>
      %dma_start3A_480 = arith.constant 0 : i32
      %dma_start3A_481 = tpu.memref_slice %arg9[%dma_start3A_480] : memref<5008xf32, #tpu.memory_space<vmem>> -> memref<5000xf32, #tpu.memory_space<vmem>>
      %dma_start3A_482 = tpu.memref_slice %arg10[%mul3A_136] : memref<80000xf32, #tpu.memory_space<vmem_shared>> -> memref<5000xf32, #tpu.memory_space<vmem_shared>>
      %dma_start3A_483 = tpu.memref_slice %arg10[%mul3A_136] : memref<80000xf32, #tpu.memory_space<vmem_shared>> -> memref<5000xf32, #tpu.memory_space<vmem_shared>>
      %dma_start3A_484 = arith.constant 0 : i32
      %dma_start3A_485 = tpu.memref_slice %arg9[%dma_start3A_484] : memref<5008xf32, #tpu.memory_space<vmem>> -> memref<5000xf32, #tpu.memory_space<vmem>>
      tpu.enqueue_dma source(%dma_start3A_485 : memref<5000xf32, #tpu.memory_space<vmem>>) target(%dma_start3A_483 : memref<5000xf32, #tpu.memory_space<vmem_shared>>) target_semaphore(%run_scoped3A : memref<!tpu.dma_semaphore, #tpu.memory_space<semaphore_mem>>)
      %dma_wait3A_486 = arith.constant 0 : i32
      %dma_wait3A_487 = tpu.memref_slice %arg9[%dma_wait3A_486] : memref<5008xf32, #tpu.memory_space<vmem>> -> memref<5000xf32, #tpu.memory_space<vmem>>
      %dma_wait3A_488 = tpu.memref_slice %arg10[%mul3A_136] : memref<80000xf32, #tpu.memory_space<vmem_shared>> -> memref<5000xf32, #tpu.memory_space<vmem_shared>>
      %dma_wait3A_489 = tpu.memref_slice %arg10[%mul3A_136] : memref<80000xf32, #tpu.memory_space<vmem_shared>> -> memref<5000xf32, #tpu.memory_space<vmem_shared>>
      %dma_wait3A_490 = arith.constant 0 : i32
      %dma_wait3A_491 = tpu.memref_slice %arg9[%dma_wait3A_490] : memref<5008xf32, #tpu.memory_space<vmem>> -> memref<5000xf32, #tpu.memory_space<vmem>>
      tpu.wait_dma2 semaphore(%run_scoped3A : memref<!tpu.dma_semaphore, #tpu.memory_space<semaphore_mem>>) src(%dma_wait3A_491 : memref<5000xf32, #tpu.memory_space<vmem>>) dst(%dma_wait3A_489 : memref<5000xf32, #tpu.memory_space<vmem_shared>>)
      tpu.yield
    }) : () -> ()
    %dma_wait3A = arith.constant 0 : i32
    %dma_wait3A_137 = arith.constant 0 : i32
    %dma_wait3A_138 = arith.constant 0 : i32
    %dma_wait3A_139 = tpu.memref_slice %arg6[%dma_wait3A, %dma_wait3A_137, %dma_wait3A_138] : memref<5x1x2000xi32, #tpu.memory_space<vmem>> -> memref<1x1x2000xi32, #tpu.memory_space<vmem>>
    %dma_wait3A_140 = tpu.memref_squeeze %dma_wait3A_139 : memref<1x1x2000xi32, #tpu.memory_space<vmem>> -> memref<2000xi32, #tpu.memory_space<vmem>>
    %dma_wait3A_141 = tpu.memref_slice %arg2[%add3A_4] : memref<320000xi32, #tpu.memory_space<hbm>> -> memref<2000xi32, #tpu.memory_space<hbm>>
    %dma_wait3A_142 = arith.constant 0 : i32
    %dma_wait3A_143 = tpu.memref_slice %arg6[%dma_wait3A, %dma_wait3A_137, %dma_wait3A_142] : memref<5x1x2000xi32, #tpu.memory_space<vmem>> -> memref<1x1x2000xi32, #tpu.memory_space<vmem>>
    %dma_wait3A_144 = tpu.memref_squeeze %dma_wait3A_143 : memref<1x1x2000xi32, #tpu.memory_space<vmem>> -> memref<2000xi32, #tpu.memory_space<vmem>>
    %dma_wait3A_145 = tpu.memref_slice %arg2[%add3A_4] : memref<320000xi32, #tpu.memory_space<hbm>> -> memref<2000xi32, #tpu.memory_space<hbm>>
    tpu.wait_dma2 semaphore(%arg12 : memref<!tpu.dma_semaphore, #tpu.memory_space<semaphore_mem>>) src(%dma_wait3A_145 : memref<2000xi32, #tpu.memory_space<hbm>>) dst(%dma_wait3A_144 : memref<2000xi32, #tpu.memory_space<vmem>>)
    %dma_wait3A_146 = arith.constant 0 : i32
    %dma_wait3A_147 = arith.constant 0 : i32
    %dma_wait3A_148 = arith.constant 0 : i32
    %dma_wait3A_149 = tpu.memref_slice %arg7[%dma_wait3A_146, %dma_wait3A_147, %dma_wait3A_148] : memref<5x1x2000xi32, #tpu.memory_space<vmem>> -> memref<1x1x2000xi32, #tpu.memory_space<vmem>>
    %dma_wait3A_150 = tpu.memref_squeeze %dma_wait3A_149 : memref<1x1x2000xi32, #tpu.memory_space<vmem>> -> memref<2000xi32, #tpu.memory_space<vmem>>
    %dma_wait3A_151 = tpu.memref_slice %arg3[%add3A_15] : memref<320000xi32, #tpu.memory_space<hbm>> -> memref<2000xi32, #tpu.memory_space<hbm>>
    %dma_wait3A_152 = arith.constant 0 : i32
    %dma_wait3A_153 = tpu.memref_slice %arg7[%dma_wait3A_146, %dma_wait3A_147, %dma_wait3A_152] : memref<5x1x2000xi32, #tpu.memory_space<vmem>> -> memref<1x1x2000xi32, #tpu.memory_space<vmem>>
    %dma_wait3A_154 = tpu.memref_squeeze %dma_wait3A_153 : memref<1x1x2000xi32, #tpu.memory_space<vmem>> -> memref<2000xi32, #tpu.memory_space<vmem>>
    %dma_wait3A_155 = tpu.memref_slice %arg3[%add3A_15] : memref<320000xi32, #tpu.memory_space<hbm>> -> memref<2000xi32, #tpu.memory_space<hbm>>
    tpu.wait_dma2 semaphore(%arg12 : memref<!tpu.dma_semaphore, #tpu.memory_space<semaphore_mem>>) src(%dma_wait3A_155 : memref<2000xi32, #tpu.memory_space<hbm>>) dst(%dma_wait3A_154 : memref<2000xi32, #tpu.memory_space<vmem>>)
    %dma_wait3A_156 = arith.constant 1 : i32
    %dma_wait3A_157 = arith.constant 0 : i32
    %dma_wait3A_158 = arith.constant 0 : i32
    %dma_wait3A_159 = tpu.memref_slice %arg6[%dma_wait3A_156, %dma_wait3A_157, %dma_wait3A_158] : memref<5x1x2000xi32, #tpu.memory_space<vmem>> -> memref<1x1x2000xi32, #tpu.memory_space<vmem>>
    %dma_wait3A_160 = tpu.memref_squeeze %dma_wait3A_159 : memref<1x1x2000xi32, #tpu.memory_space<vmem>> -> memref<2000xi32, #tpu.memory_space<vmem>>
    %dma_wait3A_161 = tpu.memref_slice %arg2[%add3A_27] : memref<320000xi32, #tpu.memory_space<hbm>> -> memref<2000xi32, #tpu.memory_space<hbm>>
    %dma_wait3A_162 = arith.constant 0 : i32
    %dma_wait3A_163 = tpu.memref_slice %arg6[%dma_wait3A_156, %dma_wait3A_157, %dma_wait3A_162] : memref<5x1x2000xi32, #tpu.memory_space<vmem>> -> memref<1x1x2000xi32, #tpu.memory_space<vmem>>
    %dma_wait3A_164 = tpu.memref_squeeze %dma_wait3A_163 : memref<1x1x2000xi32, #tpu.memory_space<vmem>> -> memref<2000xi32, #tpu.memory_space<vmem>>
    %dma_wait3A_165 = tpu.memref_slice %arg2[%add3A_27] : memref<320000xi32, #tpu.memory_space<hbm>> -> memref<2000xi32, #tpu.memory_space<hbm>>
    tpu.wait_dma2 semaphore(%arg12 : memref<!tpu.dma_semaphore, #tpu.memory_space<semaphore_mem>>) src(%dma_wait3A_165 : memref<2000xi32, #tpu.memory_space<hbm>>) dst(%dma_wait3A_164 : memref<2000xi32, #tpu.memory_space<vmem>>)
    %dma_wait3A_166 = arith.constant 1 : i32
    %dma_wait3A_167 = arith.constant 0 : i32
    %dma_wait3A_168 = arith.constant 0 : i32
    %dma_wait3A_169 = tpu.memref_slice %arg7[%dma_wait3A_166, %dma_wait3A_167, %dma_wait3A_168] : memref<5x1x2000xi32, #tpu.memory_space<vmem>> -> memref<1x1x2000xi32, #tpu.memory_space<vmem>>
    %dma_wait3A_170 = tpu.memref_squeeze %dma_wait3A_169 : memref<1x1x2000xi32, #tpu.memory_space<vmem>> -> memref<2000xi32, #tpu.memory_space<vmem>>
    %dma_wait3A_171 = tpu.memref_slice %arg3[%add3A_39] : memref<320000xi32, #tpu.memory_space<hbm>> -> memref<2000xi32, #tpu.memory_space<hbm>>
    %dma_wait3A_172 = arith.constant 0 : i32
    %dma_wait3A_173 = tpu.memref_slice %arg7[%dma_wait3A_166, %dma_wait3A_167, %dma_wait3A_172] : memref<5x1x2000xi32, #tpu.memory_space<vmem>> -> memref<1x1x2000xi32, #tpu.memory_space<vmem>>
    %dma_wait3A_174 = tpu.memref_squeeze %dma_wait3A_173 : memref<1x1x2000xi32, #tpu.memory_space<vmem>> -> memref<2000xi32, #tpu.memory_space<vmem>>
    %dma_wait3A_175 = tpu.memref_slice %arg3[%add3A_39] : memref<320000xi32, #tpu.memory_space<hbm>> -> memref<2000xi32, #tpu.memory_space<hbm>>
    tpu.wait_dma2 semaphore(%arg12 : memref<!tpu.dma_semaphore, #tpu.memory_space<semaphore_mem>>) src(%dma_wait3A_175 : memref<2000xi32, #tpu.memory_space<hbm>>) dst(%dma_wait3A_174 : memref<2000xi32, #tpu.memory_space<vmem>>)
    %dma_wait3A_176 = arith.constant 2 : i32
    %dma_wait3A_177 = arith.constant 0 : i32
    %dma_wait3A_178 = arith.constant 0 : i32
    %dma_wait3A_179 = tpu.memref_slice %arg6[%dma_wait3A_176, %dma_wait3A_177, %dma_wait3A_178] : memref<5x1x2000xi32, #tpu.memory_space<vmem>> -> memref<1x1x2000xi32, #tpu.memory_space<vmem>>
    %dma_wait3A_180 = tpu.memref_squeeze %dma_wait3A_179 : memref<1x1x2000xi32, #tpu.memory_space<vmem>> -> memref<2000xi32, #tpu.memory_space<vmem>>
    %dma_wait3A_181 = tpu.memref_slice %arg2[%add3A_51] : memref<320000xi32, #tpu.memory_space<hbm>> -> memref<2000xi32, #tpu.memory_space<hbm>>
    %dma_wait3A_182 = arith.constant 0 : i32
    %dma_wait3A_183 = tpu.memref_slice %arg6[%dma_wait3A_176, %dma_wait3A_177, %dma_wait3A_182] : memref<5x1x2000xi32, #tpu.memory_space<vmem>> -> memref<1x1x2000xi32, #tpu.memory_space<vmem>>
    %dma_wait3A_184 = tpu.memref_squeeze %dma_wait3A_183 : memref<1x1x2000xi32, #tpu.memory_space<vmem>> -> memref<2000xi32, #tpu.memory_space<vmem>>
    %dma_wait3A_185 = tpu.memref_slice %arg2[%add3A_51] : memref<320000xi32, #tpu.memory_space<hbm>> -> memref<2000xi32, #tpu.memory_space<hbm>>
    tpu.wait_dma2 semaphore(%arg12 : memref<!tpu.dma_semaphore, #tpu.memory_space<semaphore_mem>>) src(%dma_wait3A_185 : memref<2000xi32, #tpu.memory_space<hbm>>) dst(%dma_wait3A_184 : memref<2000xi32, #tpu.memory_space<vmem>>)
    %dma_wait3A_186 = arith.constant 2 : i32
    %dma_wait3A_187 = arith.constant 0 : i32
    %dma_wait3A_188 = arith.constant 0 : i32
    %dma_wait3A_189 = tpu.memref_slice %arg7[%dma_wait3A_186, %dma_wait3A_187, %dma_wait3A_188] : memref<5x1x2000xi32, #tpu.memory_space<vmem>> -> memref<1x1x2000xi32, #tpu.memory_space<vmem>>
    %dma_wait3A_190 = tpu.memref_squeeze %dma_wait3A_189 : memref<1x1x2000xi32, #tpu.memory_space<vmem>> -> memref<2000xi32, #tpu.memory_space<vmem>>
    %dma_wait3A_191 = tpu.memref_slice %arg3[%add3A_63] : memref<320000xi32, #tpu.memory_space<hbm>> -> memref<2000xi32, #tpu.memory_space<hbm>>
    %dma_wait3A_192 = arith.constant 0 : i32
    %dma_wait3A_193 = tpu.memref_slice %arg7[%dma_wait3A_186, %dma_wait3A_187, %dma_wait3A_192] : memref<5x1x2000xi32, #tpu.memory_space<vmem>> -> memref<1x1x2000xi32, #tpu.memory_space<vmem>>
    %dma_wait3A_194 = tpu.memref_squeeze %dma_wait3A_193 : memref<1x1x2000xi32, #tpu.memory_space<vmem>> -> memref<2000xi32, #tpu.memory_space<vmem>>
    %dma_wait3A_195 = tpu.memref_slice %arg3[%add3A_63] : memref<320000xi32, #tpu.memory_space<hbm>> -> memref<2000xi32, #tpu.memory_space<hbm>>
    tpu.wait_dma2 semaphore(%arg12 : memref<!tpu.dma_semaphore, #tpu.memory_space<semaphore_mem>>) src(%dma_wait3A_195 : memref<2000xi32, #tpu.memory_space<hbm>>) dst(%dma_wait3A_194 : memref<2000xi32, #tpu.memory_space<vmem>>)
    %dma_wait3A_196 = arith.constant 3 : i32
    %dma_wait3A_197 = arith.constant 0 : i32
    %dma_wait3A_198 = arith.constant 0 : i32
    %dma_wait3A_199 = tpu.memref_slice %arg6[%dma_wait3A_196, %dma_wait3A_197, %dma_wait3A_198] : memref<5x1x2000xi32, #tpu.memory_space<vmem>> -> memref<1x1x2000xi32, #tpu.memory_space<vmem>>
    %dma_wait3A_200 = tpu.memref_squeeze %dma_wait3A_199 : memref<1x1x2000xi32, #tpu.memory_space<vmem>> -> memref<2000xi32, #tpu.memory_space<vmem>>
    %dma_wait3A_201 = tpu.memref_slice %arg2[%add3A_75] : memref<320000xi32, #tpu.memory_space<hbm>> -> memref<2000xi32, #tpu.memory_space<hbm>>
    %dma_wait3A_202 = arith.constant 0 : i32
    %dma_wait3A_203 = tpu.memref_slice %arg6[%dma_wait3A_196, %dma_wait3A_197, %dma_wait3A_202] : memref<5x1x2000xi32, #tpu.memory_space<vmem>> -> memref<1x1x2000xi32, #tpu.memory_space<vmem>>
    %dma_wait3A_204 = tpu.memref_squeeze %dma_wait3A_203 : memref<1x1x2000xi32, #tpu.memory_space<vmem>> -> memref<2000xi32, #tpu.memory_space<vmem>>
    %dma_wait3A_205 = tpu.memref_slice %arg2[%add3A_75] : memref<320000xi32, #tpu.memory_space<hbm>> -> memref<2000xi32, #tpu.memory_space<hbm>>
    tpu.wait_dma2 semaphore(%arg12 : memref<!tpu.dma_semaphore, #tpu.memory_space<semaphore_mem>>) src(%dma_wait3A_205 : memref<2000xi32, #tpu.memory_space<hbm>>) dst(%dma_wait3A_204 : memref<2000xi32, #tpu.memory_space<vmem>>)
    %dma_wait3A_206 = arith.constant 3 : i32
    %dma_wait3A_207 = arith.constant 0 : i32
    %dma_wait3A_208 = arith.constant 0 : i32
    %dma_wait3A_209 = tpu.memref_slice %arg7[%dma_wait3A_206, %dma_wait3A_207, %dma_wait3A_208] : memref<5x1x2000xi32, #tpu.memory_space<vmem>> -> memref<1x1x2000xi32, #tpu.memory_space<vmem>>
    %dma_wait3A_210 = tpu.memref_squeeze %dma_wait3A_209 : memref<1x1x2000xi32, #tpu.memory_space<vmem>> -> memref<2000xi32, #tpu.memory_space<vmem>>
    %dma_wait3A_211 = tpu.memref_slice %arg3[%add3A_87] : memref<320000xi32, #tpu.memory_space<hbm>> -> memref<2000xi32, #tpu.memory_space<hbm>>
    %dma_wait3A_212 = arith.constant 0 : i32
    %dma_wait3A_213 = tpu.memref_slice %arg7[%dma_wait3A_206, %dma_wait3A_207, %dma_wait3A_212] : memref<5x1x2000xi32, #tpu.memory_space<vmem>> -> memref<1x1x2000xi32, #tpu.memory_space<vmem>>
    %dma_wait3A_214 = tpu.memref_squeeze %dma_wait3A_213 : memref<1x1x2000xi32, #tpu.memory_space<vmem>> -> memref<2000xi32, #tpu.memory_space<vmem>>
    %dma_wait3A_215 = tpu.memref_slice %arg3[%add3A_87] : memref<320000xi32, #tpu.memory_space<hbm>> -> memref<2000xi32, #tpu.memory_space<hbm>>
    tpu.wait_dma2 semaphore(%arg12 : memref<!tpu.dma_semaphore, #tpu.memory_space<semaphore_mem>>) src(%dma_wait3A_215 : memref<2000xi32, #tpu.memory_space<hbm>>) dst(%dma_wait3A_214 : memref<2000xi32, #tpu.memory_space<vmem>>)
    %dma_wait3A_216 = arith.constant 4 : i32
    %dma_wait3A_217 = arith.constant 0 : i32
    %dma_wait3A_218 = arith.constant 0 : i32
    %dma_wait3A_219 = tpu.memref_slice %arg6[%dma_wait3A_216, %dma_wait3A_217, %dma_wait3A_218] : memref<5x1x2000xi32, #tpu.memory_space<vmem>> -> memref<1x1x2000xi32, #tpu.memory_space<vmem>>
    %dma_wait3A_220 = tpu.memref_squeeze %dma_wait3A_219 : memref<1x1x2000xi32, #tpu.memory_space<vmem>> -> memref<2000xi32, #tpu.memory_space<vmem>>
    %dma_wait3A_221 = tpu.memref_slice %arg2[%add3A_99] : memref<320000xi32, #tpu.memory_space<hbm>> -> memref<2000xi32, #tpu.memory_space<hbm>>
    %dma_wait3A_222 = arith.constant 0 : i32
    %dma_wait3A_223 = tpu.memref_slice %arg6[%dma_wait3A_216, %dma_wait3A_217, %dma_wait3A_222] : memref<5x1x2000xi32, #tpu.memory_space<vmem>> -> memref<1x1x2000xi32, #tpu.memory_space<vmem>>
    %dma_wait3A_224 = tpu.memref_squeeze %dma_wait3A_223 : memref<1x1x2000xi32, #tpu.memory_space<vmem>> -> memref<2000xi32, #tpu.memory_space<vmem>>
    %dma_wait3A_225 = tpu.memref_slice %arg2[%add3A_99] : memref<320000xi32, #tpu.memory_space<hbm>> -> memref<2000xi32, #tpu.memory_space<hbm>>
    tpu.wait_dma2 semaphore(%arg12 : memref<!tpu.dma_semaphore, #tpu.memory_space<semaphore_mem>>) src(%dma_wait3A_225 : memref<2000xi32, #tpu.memory_space<hbm>>) dst(%dma_wait3A_224 : memref<2000xi32, #tpu.memory_space<vmem>>)
    %dma_wait3A_226 = arith.constant 4 : i32
    %dma_wait3A_227 = arith.constant 0 : i32
    %dma_wait3A_228 = arith.constant 0 : i32
    %dma_wait3A_229 = tpu.memref_slice %arg7[%dma_wait3A_226, %dma_wait3A_227, %dma_wait3A_228] : memref<5x1x2000xi32, #tpu.memory_space<vmem>> -> memref<1x1x2000xi32, #tpu.memory_space<vmem>>
    %dma_wait3A_230 = tpu.memref_squeeze %dma_wait3A_229 : memref<1x1x2000xi32, #tpu.memory_space<vmem>> -> memref<2000xi32, #tpu.memory_space<vmem>>
    %dma_wait3A_231 = tpu.memref_slice %arg3[%add3A_111] : memref<320000xi32, #tpu.memory_space<hbm>> -> memref<2000xi32, #tpu.memory_space<hbm>>
    %dma_wait3A_232 = arith.constant 0 : i32
    %dma_wait3A_233 = tpu.memref_slice %arg7[%dma_wait3A_226, %dma_wait3A_227, %dma_wait3A_232] : memref<5x1x2000xi32, #tpu.memory_space<vmem>> -> memref<1x1x2000xi32, #tpu.memory_space<vmem>>
    %dma_wait3A_234 = tpu.memref_squeeze %dma_wait3A_233 : memref<1x1x2000xi32, #tpu.memory_space<vmem>> -> memref<2000xi32, #tpu.memory_space<vmem>>
    %dma_wait3A_235 = tpu.memref_slice %arg3[%add3A_111] : memref<320000xi32, #tpu.memory_space<hbm>> -> memref<2000xi32, #tpu.memory_space<hbm>>
    tpu.wait_dma2 semaphore(%arg12 : memref<!tpu.dma_semaphore, #tpu.memory_space<semaphore_mem>>) src(%dma_wait3A_235 : memref<2000xi32, #tpu.memory_space<hbm>>) dst(%dma_wait3A_234 : memref<2000xi32, #tpu.memory_space<vmem>>)
    %dma_start3A_236 = arith.constant 0 : i32
    %dma_start3A_237 = arith.constant 0 : i32
    %dma_start3A_238 = arith.constant 0 : i32
    %dma_start3A_239 = arith.constant 0 : i32
    %dma_start3A_240 = arith.constant 0 : i32
    %dma_start3A_241 = tpu.memref_slice %arg8[%dma_start3A_238, %dma_start3A_239, %dma_start3A_240] : memref<5x1x2000xf32, #tpu.memory_space<vmem>> -> memref<1x1x2000xf32, #tpu.memory_space<vmem>>
    %dma_start3A_242 = tpu.memref_squeeze %dma_start3A_241 : memref<1x1x2000xf32, #tpu.memory_space<vmem>> -> memref<2000xf32, #tpu.memory_space<vmem>>
    %dma_start3A_243 = arith.constant 0 : i32
    %dma_start3A_244 = tpu.memref_slice %arg6[%dma_start3A_236, %dma_start3A_237, %dma_start3A_243] : memref<5x1x2000xi32, #tpu.memory_space<vmem>> -> memref<1x1x2000xi32, #tpu.memory_space<vmem>>
    %dma_start3A_245 = tpu.memref_squeeze %dma_start3A_244 : memref<1x1x2000xi32, #tpu.memory_space<vmem>> -> memref<2000xi32, #tpu.memory_space<vmem>>
    %dma_start3A_246 = arith.constant 0 : i32
    %dma_start3A_247 = tpu.memref_slice %arg4[%dma_start3A_246] : memref<1280000xf32, #tpu.memory_space<hbm>> -> memref<1280000xf32, #tpu.memory_space<hbm>>
    tpu.enqueue_indirect_dma source(%dma_start3A_247 : memref<1280000xf32, #tpu.memory_space<hbm>>) target(%dma_start3A_242 : memref<2000xf32, #tpu.memory_space<vmem>>) offsets(%dma_start3A_245 : memref<2000xi32, #tpu.memory_space<vmem>>) semaphore(%arg11 : memref<!tpu.dma_semaphore, #tpu.memory_space<semaphore_mem>>)
    %dma_start3A_248 = arith.constant 1 : i32
    %dma_start3A_249 = arith.constant 0 : i32
    %dma_start3A_250 = arith.constant 1 : i32
    %dma_start3A_251 = arith.constant 0 : i32
    %dma_start3A_252 = arith.constant 0 : i32
    %dma_start3A_253 = tpu.memref_slice %arg8[%dma_start3A_250, %dma_start3A_251, %dma_start3A_252] : memref<5x1x2000xf32, #tpu.memory_space<vmem>> -> memref<1x1x2000xf32, #tpu.memory_space<vmem>>
    %dma_start3A_254 = tpu.memref_squeeze %dma_start3A_253 : memref<1x1x2000xf32, #tpu.memory_space<vmem>> -> memref<2000xf32, #tpu.memory_space<vmem>>
    %dma_start3A_255 = arith.constant 0 : i32
    %dma_start3A_256 = tpu.memref_slice %arg6[%dma_start3A_248, %dma_start3A_249, %dma_start3A_255] : memref<5x1x2000xi32, #tpu.memory_space<vmem>> -> memref<1x1x2000xi32, #tpu.memory_space<vmem>>
    %dma_start3A_257 = tpu.memref_squeeze %dma_start3A_256 : memref<1x1x2000xi32, #tpu.memory_space<vmem>> -> memref<2000xi32, #tpu.memory_space<vmem>>
    %dma_start3A_258 = arith.constant 0 : i32
    %dma_start3A_259 = tpu.memref_slice %arg4[%dma_start3A_258] : memref<1280000xf32, #tpu.memory_space<hbm>> -> memref<1280000xf32, #tpu.memory_space<hbm>>
    tpu.enqueue_indirect_dma source(%dma_start3A_259 : memref<1280000xf32, #tpu.memory_space<hbm>>) target(%dma_start3A_254 : memref<2000xf32, #tpu.memory_space<vmem>>) offsets(%dma_start3A_257 : memref<2000xi32, #tpu.memory_space<vmem>>) semaphore(%arg11 : memref<!tpu.dma_semaphore, #tpu.memory_space<semaphore_mem>>)
    %barrier3A = arith.constant 0 : index
    tpu.barrier barrier_id(%barrier3A)
    %dma_start3A_260 = arith.constant 2 : i32
    %dma_start3A_261 = arith.constant 0 : i32
    %dma_start3A_262 = arith.constant 2 : i32
    %dma_start3A_263 = arith.constant 0 : i32
    %dma_start3A_264 = arith.constant 0 : i32
    %dma_start3A_265 = tpu.memref_slice %arg8[%dma_start3A_262, %dma_start3A_263, %dma_start3A_264] : memref<5x1x2000xf32, #tpu.memory_space<vmem>> -> memref<1x1x2000xf32, #tpu.memory_space<vmem>>
    %dma_start3A_266 = tpu.memref_squeeze %dma_start3A_265 : memref<1x1x2000xf32, #tpu.memory_space<vmem>> -> memref<2000xf32, #tpu.memory_space<vmem>>
    %dma_start3A_267 = arith.constant 0 : i32
    %dma_start3A_268 = tpu.memref_slice %arg6[%dma_start3A_260, %dma_start3A_261, %dma_start3A_267] : memref<5x1x2000xi32, #tpu.memory_space<vmem>> -> memref<1x1x2000xi32, #tpu.memory_space<vmem>>
    %dma_start3A_269 = tpu.memref_squeeze %dma_start3A_268 : memref<1x1x2000xi32, #tpu.memory_space<vmem>> -> memref<2000xi32, #tpu.memory_space<vmem>>
    %dma_start3A_270 = arith.constant 0 : i32
    %dma_start3A_271 = tpu.memref_slice %arg4[%dma_start3A_270] : memref<1280000xf32, #tpu.memory_space<hbm>> -> memref<1280000xf32, #tpu.memory_space<hbm>>
    tpu.enqueue_indirect_dma source(%dma_start3A_271 : memref<1280000xf32, #tpu.memory_space<hbm>>) target(%dma_start3A_266 : memref<2000xf32, #tpu.memory_space<vmem>>) offsets(%dma_start3A_269 : memref<2000xi32, #tpu.memory_space<vmem>>) semaphore(%arg11 : memref<!tpu.dma_semaphore, #tpu.memory_space<semaphore_mem>>)
    %dma_wait3A_272 = arith.constant 0 : i32
    %dma_wait3A_273 = arith.constant 0 : i32
    %dma_wait3A_274 = arith.constant 0 : i32
    %dma_wait3A_275 = arith.constant 0 : i32
    %dma_wait3A_276 = arith.constant 0 : i32
    %dma_wait3A_277 = tpu.memref_slice %arg8[%dma_wait3A_274, %dma_wait3A_275, %dma_wait3A_276] : memref<5x1x2000xf32, #tpu.memory_space<vmem>> -> memref<1x1x2000xf32, #tpu.memory_space<vmem>>
    %dma_wait3A_278 = tpu.memref_squeeze %dma_wait3A_277 : memref<1x1x2000xf32, #tpu.memory_space<vmem>> -> memref<2000xf32, #tpu.memory_space<vmem>>
    %dma_wait3A_279 = arith.constant 0 : i32
    %dma_wait3A_280 = tpu.memref_slice %arg6[%dma_wait3A_272, %dma_wait3A_273, %dma_wait3A_279] : memref<5x1x2000xi32, #tpu.memory_space<vmem>> -> memref<1x1x2000xi32, #tpu.memory_space<vmem>>
    %dma_wait3A_281 = tpu.memref_squeeze %dma_wait3A_280 : memref<1x1x2000xi32, #tpu.memory_space<vmem>> -> memref<2000xi32, #tpu.memory_space<vmem>>
    %dma_wait3A_282 = arith.constant 0 : i32
    %dma_wait3A_283 = tpu.memref_slice %arg4[%dma_wait3A_282] : memref<1280000xf32, #tpu.memory_space<hbm>> -> memref<1280000xf32, #tpu.memory_space<hbm>>
    tpu.wait_indirect_dma semaphore(%arg11 : memref<!tpu.dma_semaphore, #tpu.memory_space<semaphore_mem>>) src(%dma_wait3A_283 : memref<1280000xf32, #tpu.memory_space<hbm>>) dst(%dma_wait3A_278 : memref<2000xf32, #tpu.memory_space<vmem>>)
    %dma_start3A_284 = arith.constant 0 : i32
    %dma_start3A_285 = arith.constant 0 : i32
    %dma_start3A_286 = arith.constant 0 : i32
    %dma_start3A_287 = arith.constant 0 : i32
    %dma_start3A_288 = arith.constant 0 : i32
    %dma_start3A_289 = tpu.memref_slice %arg8[%dma_start3A_284, %dma_start3A_285, %dma_start3A_288] : memref<5x1x2000xf32, #tpu.memory_space<vmem>> -> memref<1x1x2000xf32, #tpu.memory_space<vmem>>
    %dma_start3A_290 = tpu.memref_squeeze %dma_start3A_289 : memref<1x1x2000xf32, #tpu.memory_space<vmem>> -> memref<2000xf32, #tpu.memory_space<vmem>>
    %dma_start3A_291 = arith.constant 0 : i32
    %dma_start3A_292 = tpu.memref_slice %arg7[%dma_start3A_286, %dma_start3A_287, %dma_start3A_291] : memref<5x1x2000xi32, #tpu.memory_space<vmem>> -> memref<1x1x2000xi32, #tpu.memory_space<vmem>>
    %dma_start3A_293 = tpu.memref_squeeze %dma_start3A_292 : memref<1x1x2000xi32, #tpu.memory_space<vmem>> -> memref<2000xi32, #tpu.memory_space<vmem>>
    %dma_start3A_294 = arith.constant 0 : i32
    %dma_start3A_295 = tpu.memref_slice %arg10[%dma_start3A_294] : memref<80000xf32, #tpu.memory_space<vmem_shared>> -> memref<80000xf32, #tpu.memory_space<vmem_shared>>
    tpu.enqueue_indirect_dma source(%dma_start3A_290 : memref<2000xf32, #tpu.memory_space<vmem>>) target(%dma_start3A_295 : memref<80000xf32, #tpu.memory_space<vmem_shared>>) offsets(%dma_start3A_293 : memref<2000xi32, #tpu.memory_space<vmem>>) semaphore(%arg12 : memref<!tpu.dma_semaphore, #tpu.memory_space<semaphore_mem>>) {add = true}
    %dma_start3A_296 = arith.constant 3 : i32
    %dma_start3A_297 = arith.constant 0 : i32
    %dma_start3A_298 = arith.constant 3 : i32
    %dma_start3A_299 = arith.constant 0 : i32
    %dma_start3A_300 = arith.constant 0 : i32
    %dma_start3A_301 = tpu.memref_slice %arg8[%dma_start3A_298, %dma_start3A_299, %dma_start3A_300] : memref<5x1x2000xf32, #tpu.memory_space<vmem>> -> memref<1x1x2000xf32, #tpu.memory_space<vmem>>
    %dma_start3A_302 = tpu.memref_squeeze %dma_start3A_301 : memref<1x1x2000xf32, #tpu.memory_space<vmem>> -> memref<2000xf32, #tpu.memory_space<vmem>>
    %dma_start3A_303 = arith.constant 0 : i32
    %dma_start3A_304 = tpu.memref_slice %arg6[%dma_start3A_296, %dma_start3A_297, %dma_start3A_303] : memref<5x1x2000xi32, #tpu.memory_space<vmem>> -> memref<1x1x2000xi32, #tpu.memory_space<vmem>>
    %dma_start3A_305 = tpu.memref_squeeze %dma_start3A_304 : memref<1x1x2000xi32, #tpu.memory_space<vmem>> -> memref<2000xi32, #tpu.memory_space<vmem>>
    %dma_start3A_306 = arith.constant 0 : i32
    %dma_start3A_307 = tpu.memref_slice %arg4[%dma_start3A_306] : memref<1280000xf32, #tpu.memory_space<hbm>> -> memref<1280000xf32, #tpu.memory_space<hbm>>
    tpu.enqueue_indirect_dma source(%dma_start3A_307 : memref<1280000xf32, #tpu.memory_space<hbm>>) target(%dma_start3A_302 : memref<2000xf32, #tpu.memory_space<vmem>>) offsets(%dma_start3A_305 : memref<2000xi32, #tpu.memory_space<vmem>>) semaphore(%arg11 : memref<!tpu.dma_semaphore, #tpu.memory_space<semaphore_mem>>)
    %dma_wait3A_308 = arith.constant 1 : i32
    %dma_wait3A_309 = arith.constant 0 : i32
    %dma_wait3A_310 = arith.constant 1 : i32
    %dma_wait3A_311 = arith.constant 0 : i32
    %dma_wait3A_312 = arith.constant 0 : i32
    %dma_wait3A_313 = tpu.memref_slice %arg8[%dma_wait3A_310, %dma_wait3A_311, %dma_wait3A_312] : memref<5x1x2000xf32, #tpu.memory_space<vmem>> -> memref<1x1x2000xf32, #tpu.memory_space<vmem>>
    %dma_wait3A_314 = tpu.memref_squeeze %dma_wait3A_313 : memref<1x1x2000xf32, #tpu.memory_space<vmem>> -> memref<2000xf32, #tpu.memory_space<vmem>>
    %dma_wait3A_315 = arith.constant 0 : i32
    %dma_wait3A_316 = tpu.memref_slice %arg6[%dma_wait3A_308, %dma_wait3A_309, %dma_wait3A_315] : memref<5x1x2000xi32, #tpu.memory_space<vmem>> -> memref<1x1x2000xi32, #tpu.memory_space<vmem>>
    %dma_wait3A_317 = tpu.memref_squeeze %dma_wait3A_316 : memref<1x1x2000xi32, #tpu.memory_space<vmem>> -> memref<2000xi32, #tpu.memory_space<vmem>>
    %dma_wait3A_318 = arith.constant 0 : i32
    %dma_wait3A_319 = tpu.memref_slice %arg4[%dma_wait3A_318] : memref<1280000xf32, #tpu.memory_space<hbm>> -> memref<1280000xf32, #tpu.memory_space<hbm>>
    tpu.wait_indirect_dma semaphore(%arg11 : memref<!tpu.dma_semaphore, #tpu.memory_space<semaphore_mem>>) src(%dma_wait3A_319 : memref<1280000xf32, #tpu.memory_space<hbm>>) dst(%dma_wait3A_314 : memref<2000xf32, #tpu.memory_space<vmem>>)
    %dma_start3A_320 = arith.constant 1 : i32
    %dma_start3A_321 = arith.constant 0 : i32
    %dma_start3A_322 = arith.constant 1 : i32
    %dma_start3A_323 = arith.constant 0 : i32
    %dma_start3A_324 = arith.constant 0 : i32
    %dma_start3A_325 = tpu.memref_slice %arg8[%dma_start3A_320, %dma_start3A_321, %dma_start3A_324] : memref<5x1x2000xf32, #tpu.memory_space<vmem>> -> memref<1x1x2000xf32, #tpu.memory_space<vmem>>
    %dma_start3A_326 = tpu.memref_squeeze %dma_start3A_325 : memref<1x1x2000xf32, #tpu.memory_space<vmem>> -> memref<2000xf32, #tpu.memory_space<vmem>>
    %dma_start3A_327 = arith.constant 0 : i32
    %dma_start3A_328 = tpu.memref_slice %arg7[%dma_start3A_322, %dma_start3A_323, %dma_start3A_327] : memref<5x1x2000xi32, #tpu.memory_space<vmem>> -> memref<1x1x2000xi32, #tpu.memory_space<vmem>>
    %dma_start3A_329 = tpu.memref_squeeze %dma_start3A_328 : memref<1x1x2000xi32, #tpu.memory_space<vmem>> -> memref<2000xi32, #tpu.memory_space<vmem>>
    %dma_start3A_330 = arith.constant 0 : i32
    %dma_start3A_331 = tpu.memref_slice %arg10[%dma_start3A_330] : memref<80000xf32, #tpu.memory_space<vmem_shared>> -> memref<80000xf32, #tpu.memory_space<vmem_shared>>
    tpu.enqueue_indirect_dma source(%dma_start3A_326 : memref<2000xf32, #tpu.memory_space<vmem>>) target(%dma_start3A_331 : memref<80000xf32, #tpu.memory_space<vmem_shared>>) offsets(%dma_start3A_329 : memref<2000xi32, #tpu.memory_space<vmem>>) semaphore(%arg12 : memref<!tpu.dma_semaphore, #tpu.memory_space<semaphore_mem>>) {add = true}
    %dma_start3A_332 = arith.constant 4 : i32
    %dma_start3A_333 = arith.constant 0 : i32
    %dma_start3A_334 = arith.constant 4 : i32
    %dma_start3A_335 = arith.constant 0 : i32
    %dma_start3A_336 = arith.constant 0 : i32
    %dma_start3A_337 = tpu.memref_slice %arg8[%dma_start3A_334, %dma_start3A_335, %dma_start3A_336] : memref<5x1x2000xf32, #tpu.memory_space<vmem>> -> memref<1x1x2000xf32, #tpu.memory_space<vmem>>
    %dma_start3A_338 = tpu.memref_squeeze %dma_start3A_337 : memref<1x1x2000xf32, #tpu.memory_space<vmem>> -> memref<2000xf32, #tpu.memory_space<vmem>>
    %dma_start3A_339 = arith.constant 0 : i32
    %dma_start3A_340 = tpu.memref_slice %arg6[%dma_start3A_332, %dma_start3A_333, %dma_start3A_339] : memref<5x1x2000xi32, #tpu.memory_space<vmem>> -> memref<1x1x2000xi32, #tpu.memory_space<vmem>>
    %dma_start3A_341 = tpu.memref_squeeze %dma_start3A_340 : memref<1x1x2000xi32, #tpu.memory_space<vmem>> -> memref<2000xi32, #tpu.memory_space<vmem>>
    %dma_start3A_342 = arith.constant 0 : i32
    %dma_start3A_343 = tpu.memref_slice %arg4[%dma_start3A_342] : memref<1280000xf32, #tpu.memory_space<hbm>> -> memref<1280000xf32, #tpu.memory_space<hbm>>
    tpu.enqueue_indirect_dma source(%dma_start3A_343 : memref<1280000xf32, #tpu.memory_space<hbm>>) target(%dma_start3A_338 : memref<2000xf32, #tpu.memory_space<vmem>>) offsets(%dma_start3A_341 : memref<2000xi32, #tpu.memory_space<vmem>>) semaphore(%arg11 : memref<!tpu.dma_semaphore, #tpu.memory_space<semaphore_mem>>)
    %dma_wait3A_344 = arith.constant 2 : i32
    %dma_wait3A_345 = arith.constant 0 : i32
    %dma_wait3A_346 = arith.constant 2 : i32
    %dma_wait3A_347 = arith.constant 0 : i32
    %dma_wait3A_348 = arith.constant 0 : i32
    %dma_wait3A_349 = tpu.memref_slice %arg8[%dma_wait3A_346, %dma_wait3A_347, %dma_wait3A_348] : memref<5x1x2000xf32, #tpu.memory_space<vmem>> -> memref<1x1x2000xf32, #tpu.memory_space<vmem>>
    %dma_wait3A_350 = tpu.memref_squeeze %dma_wait3A_349 : memref<1x1x2000xf32, #tpu.memory_space<vmem>> -> memref<2000xf32, #tpu.memory_space<vmem>>
    %dma_wait3A_351 = arith.constant 0 : i32
    %dma_wait3A_352 = tpu.memref_slice %arg6[%dma_wait3A_344, %dma_wait3A_345, %dma_wait3A_351] : memref<5x1x2000xi32, #tpu.memory_space<vmem>> -> memref<1x1x2000xi32, #tpu.memory_space<vmem>>
    %dma_wait3A_353 = tpu.memref_squeeze %dma_wait3A_352 : memref<1x1x2000xi32, #tpu.memory_space<vmem>> -> memref<2000xi32, #tpu.memory_space<vmem>>
    %dma_wait3A_354 = arith.constant 0 : i32
    %dma_wait3A_355 = tpu.memref_slice %arg4[%dma_wait3A_354] : memref<1280000xf32, #tpu.memory_space<hbm>> -> memref<1280000xf32, #tpu.memory_space<hbm>>
    tpu.wait_indirect_dma semaphore(%arg11 : memref<!tpu.dma_semaphore, #tpu.memory_space<semaphore_mem>>) src(%dma_wait3A_355 : memref<1280000xf32, #tpu.memory_space<hbm>>) dst(%dma_wait3A_350 : memref<2000xf32, #tpu.memory_space<vmem>>)
    %dma_start3A_356 = arith.constant 2 : i32
    %dma_start3A_357 = arith.constant 0 : i32
    %dma_start3A_358 = arith.constant 2 : i32
    %dma_start3A_359 = arith.constant 0 : i32
    %dma_start3A_360 = arith.constant 0 : i32
    %dma_start3A_361 = tpu.memref_slice %arg8[%dma_start3A_356, %dma_start3A_357, %dma_start3A_360] : memref<5x1x2000xf32, #tpu.memory_space<vmem>> -> memref<1x1x2000xf32, #tpu.memory_space<vmem>>
    %dma_start3A_362 = tpu.memref_squeeze %dma_start3A_361 : memref<1x1x2000xf32, #tpu.memory_space<vmem>> -> memref<2000xf32, #tpu.memory_space<vmem>>
    %dma_start3A_363 = arith.constant 0 : i32
    %dma_start3A_364 = tpu.memref_slice %arg7[%dma_start3A_358, %dma_start3A_359, %dma_start3A_363] : memref<5x1x2000xi32, #tpu.memory_space<vmem>> -> memref<1x1x2000xi32, #tpu.memory_space<vmem>>
    %dma_start3A_365 = tpu.memref_squeeze %dma_start3A_364 : memref<1x1x2000xi32, #tpu.memory_space<vmem>> -> memref<2000xi32, #tpu.memory_space<vmem>>
    %dma_start3A_366 = arith.constant 0 : i32
    %dma_start3A_367 = tpu.memref_slice %arg10[%dma_start3A_366] : memref<80000xf32, #tpu.memory_space<vmem_shared>> -> memref<80000xf32, #tpu.memory_space<vmem_shared>>
    tpu.enqueue_indirect_dma source(%dma_start3A_362 : memref<2000xf32, #tpu.memory_space<vmem>>) target(%dma_start3A_367 : memref<80000xf32, #tpu.memory_space<vmem_shared>>) offsets(%dma_start3A_365 : memref<2000xi32, #tpu.memory_space<vmem>>) semaphore(%arg12 : memref<!tpu.dma_semaphore, #tpu.memory_space<semaphore_mem>>) {add = true}
    %dma_wait3A_368 = arith.constant 3 : i32
    %dma_wait3A_369 = arith.constant 0 : i32
    %dma_wait3A_370 = arith.constant 3 : i32
    %dma_wait3A_371 = arith.constant 0 : i32
    %dma_wait3A_372 = arith.constant 0 : i32
    %dma_wait3A_373 = tpu.memref_slice %arg8[%dma_wait3A_370, %dma_wait3A_371, %dma_wait3A_372] : memref<5x1x2000xf32, #tpu.memory_space<vmem>> -> memref<1x1x2000xf32, #tpu.memory_space<vmem>>
    %dma_wait3A_374 = tpu.memref_squeeze %dma_wait3A_373 : memref<1x1x2000xf32, #tpu.memory_space<vmem>> -> memref<2000xf32, #tpu.memory_space<vmem>>
    %dma_wait3A_375 = arith.constant 0 : i32
    %dma_wait3A_376 = tpu.memref_slice %arg6[%dma_wait3A_368, %dma_wait3A_369, %dma_wait3A_375] : memref<5x1x2000xi32, #tpu.memory_space<vmem>> -> memref<1x1x2000xi32, #tpu.memory_space<vmem>>
    %dma_wait3A_377 = tpu.memref_squeeze %dma_wait3A_376 : memref<1x1x2000xi32, #tpu.memory_space<vmem>> -> memref<2000xi32, #tpu.memory_space<vmem>>
    %dma_wait3A_378 = arith.constant 0 : i32
    %dma_wait3A_379 = tpu.memref_slice %arg4[%dma_wait3A_378] : memref<1280000xf32, #tpu.memory_space<hbm>> -> memref<1280000xf32, #tpu.memory_space<hbm>>
    tpu.wait_indirect_dma semaphore(%arg11 : memref<!tpu.dma_semaphore, #tpu.memory_space<semaphore_mem>>) src(%dma_wait3A_379 : memref<1280000xf32, #tpu.memory_space<hbm>>) dst(%dma_wait3A_374 : memref<2000xf32, #tpu.memory_space<vmem>>)
    %dma_start3A_380 = arith.constant 3 : i32
    %dma_start3A_381 = arith.constant 0 : i32
    %dma_start3A_382 = arith.constant 3 : i32
    %dma_start3A_383 = arith.constant 0 : i32
    %dma_start3A_384 = arith.constant 0 : i32
    %dma_start3A_385 = tpu.memref_slice %arg8[%dma_start3A_380, %dma_start3A_381, %dma_start3A_384] : memref<5x1x2000xf32, #tpu.memory_space<vmem>> -> memref<1x1x2000xf32, #tpu.memory_space<vmem>>
    %dma_start3A_386 = tpu.memref_squeeze %dma_start3A_385 : memref<1x1x2000xf32, #tpu.memory_space<vmem>> -> memref<2000xf32, #tpu.memory_space<vmem>>
    %dma_start3A_387 = arith.constant 0 : i32
    %dma_start3A_388 = tpu.memref_slice %arg7[%dma_start3A_382, %dma_start3A_383, %dma_start3A_387] : memref<5x1x2000xi32, #tpu.memory_space<vmem>> -> memref<1x1x2000xi32, #tpu.memory_space<vmem>>
    %dma_start3A_389 = tpu.memref_squeeze %dma_start3A_388 : memref<1x1x2000xi32, #tpu.memory_space<vmem>> -> memref<2000xi32, #tpu.memory_space<vmem>>
    %dma_start3A_390 = arith.constant 0 : i32
    %dma_start3A_391 = tpu.memref_slice %arg10[%dma_start3A_390] : memref<80000xf32, #tpu.memory_space<vmem_shared>> -> memref<80000xf32, #tpu.memory_space<vmem_shared>>
    tpu.enqueue_indirect_dma source(%dma_start3A_386 : memref<2000xf32, #tpu.memory_space<vmem>>) target(%dma_start3A_391 : memref<80000xf32, #tpu.memory_space<vmem_shared>>) offsets(%dma_start3A_389 : memref<2000xi32, #tpu.memory_space<vmem>>) semaphore(%arg12 : memref<!tpu.dma_semaphore, #tpu.memory_space<semaphore_mem>>) {add = true}
    %dma_wait3A_392 = arith.constant 4 : i32
    %dma_wait3A_393 = arith.constant 0 : i32
    %dma_wait3A_394 = arith.constant 4 : i32
    %dma_wait3A_395 = arith.constant 0 : i32
    %dma_wait3A_396 = arith.constant 0 : i32
    %dma_wait3A_397 = tpu.memref_slice %arg8[%dma_wait3A_394, %dma_wait3A_395, %dma_wait3A_396] : memref<5x1x2000xf32, #tpu.memory_space<vmem>> -> memref<1x1x2000xf32, #tpu.memory_space<vmem>>
    %dma_wait3A_398 = tpu.memref_squeeze %dma_wait3A_397 : memref<1x1x2000xf32, #tpu.memory_space<vmem>> -> memref<2000xf32, #tpu.memory_space<vmem>>
    %dma_wait3A_399 = arith.constant 0 : i32
    %dma_wait3A_400 = tpu.memref_slice %arg6[%dma_wait3A_392, %dma_wait3A_393, %dma_wait3A_399] : memref<5x1x2000xi32, #tpu.memory_space<vmem>> -> memref<1x1x2000xi32, #tpu.memory_space<vmem>>
    %dma_wait3A_401 = tpu.memref_squeeze %dma_wait3A_400 : memref<1x1x2000xi32, #tpu.memory_space<vmem>> -> memref<2000xi32, #tpu.memory_space<vmem>>
    %dma_wait3A_402 = arith.constant 0 : i32
    %dma_wait3A_403 = tpu.memref_slice %arg4[%dma_wait3A_402] : memref<1280000xf32, #tpu.memory_space<hbm>> -> memref<1280000xf32, #tpu.memory_space<hbm>>
    tpu.wait_indirect_dma semaphore(%arg11 : memref<!tpu.dma_semaphore, #tpu.memory_space<semaphore_mem>>) src(%dma_wait3A_403 : memref<1280000xf32, #tpu.memory_space<hbm>>) dst(%dma_wait3A_398 : memref<2000xf32, #tpu.memory_space<vmem>>)
    %dma_start3A_404 = arith.constant 4 : i32
    %dma_start3A_405 = arith.constant 0 : i32
    %dma_start3A_406 = arith.constant 4 : i32
    %dma_start3A_407 = arith.constant 0 : i32
    %dma_start3A_408 = arith.constant 0 : i32
    %dma_start3A_409 = tpu.memref_slice %arg8[%dma_start3A_404, %dma_start3A_405, %dma_start3A_408] : memref<5x1x2000xf32, #tpu.memory_space<vmem>> -> memref<1x1x2000xf32, #tpu.memory_space<vmem>>
    %dma_start3A_410 = tpu.memref_squeeze %dma_start3A_409 : memref<1x1x2000xf32, #tpu.memory_space<vmem>> -> memref<2000xf32, #tpu.memory_space<vmem>>
    %dma_start3A_411 = arith.constant 0 : i32
    %dma_start3A_412 = tpu.memref_slice %arg7[%dma_start3A_406, %dma_start3A_407, %dma_start3A_411] : memref<5x1x2000xi32, #tpu.memory_space<vmem>> -> memref<1x1x2000xi32, #tpu.memory_space<vmem>>
    %dma_start3A_413 = tpu.memref_squeeze %dma_start3A_412 : memref<1x1x2000xi32, #tpu.memory_space<vmem>> -> memref<2000xi32, #tpu.memory_space<vmem>>
    %dma_start3A_414 = arith.constant 0 : i32
    %dma_start3A_415 = tpu.memref_slice %arg10[%dma_start3A_414] : memref<80000xf32, #tpu.memory_space<vmem_shared>> -> memref<80000xf32, #tpu.memory_space<vmem_shared>>
    tpu.enqueue_indirect_dma source(%dma_start3A_410 : memref<2000xf32, #tpu.memory_space<vmem>>) target(%dma_start3A_415 : memref<80000xf32, #tpu.memory_space<vmem_shared>>) offsets(%dma_start3A_413 : memref<2000xi32, #tpu.memory_space<vmem>>) semaphore(%arg12 : memref<!tpu.dma_semaphore, #tpu.memory_space<semaphore_mem>>) {add = true}
    %dma_wait3A_416 = arith.constant 0 : i32
    %dma_wait3A_417 = arith.constant 0 : i32
    %dma_wait3A_418 = arith.constant 0 : i32
    %dma_wait3A_419 = arith.constant 0 : i32
    %dma_wait3A_420 = arith.constant 0 : i32
    %dma_wait3A_421 = tpu.memref_slice %arg8[%dma_wait3A_416, %dma_wait3A_417, %dma_wait3A_420] : memref<5x1x2000xf32, #tpu.memory_space<vmem>> -> memref<1x1x2000xf32, #tpu.memory_space<vmem>>
    %dma_wait3A_422 = tpu.memref_squeeze %dma_wait3A_421 : memref<1x1x2000xf32, #tpu.memory_space<vmem>> -> memref<2000xf32, #tpu.memory_space<vmem>>
    %dma_wait3A_423 = arith.constant 0 : i32
    %dma_wait3A_424 = tpu.memref_slice %arg7[%dma_wait3A_418, %dma_wait3A_419, %dma_wait3A_423] : memref<5x1x2000xi32, #tpu.memory_space<vmem>> -> memref<1x1x2000xi32, #tpu.memory_space<vmem>>
    %dma_wait3A_425 = tpu.memref_squeeze %dma_wait3A_424 : memref<1x1x2000xi32, #tpu.memory_space<vmem>> -> memref<2000xi32, #tpu.memory_space<vmem>>
    %dma_wait3A_426 = arith.constant 0 : i32
    %dma_wait3A_427 = tpu.memref_slice %arg10[%dma_wait3A_426] : memref<80000xf32, #tpu.memory_space<vmem_shared>> -> memref<80000xf32, #tpu.memory_space<vmem_shared>>
    tpu.wait_indirect_dma semaphore(%arg12 : memref<!tpu.dma_semaphore, #tpu.memory_space<semaphore_mem>>) src(%dma_wait3A_422 : memref<2000xf32, #tpu.memory_space<vmem>>) dst(%dma_wait3A_427 : memref<80000xf32, #tpu.memory_space<vmem_shared>>)
    %dma_wait3A_428 = arith.constant 1 : i32
    %dma_wait3A_429 = arith.constant 0 : i32
    %dma_wait3A_430 = arith.constant 1 : i32
    %dma_wait3A_431 = arith.constant 0 : i32
    %dma_wait3A_432 = arith.constant 0 : i32
    %dma_wait3A_433 = tpu.memref_slice %arg8[%dma_wait3A_428, %dma_wait3A_429, %dma_wait3A_432] : memref<5x1x2000xf32, #tpu.memory_space<vmem>> -> memref<1x1x2000xf32, #tpu.memory_space<vmem>>
    %dma_wait3A_434 = tpu.memref_squeeze %dma_wait3A_433 : memref<1x1x2000xf32, #tpu.memory_space<vmem>> -> memref<2000xf32, #tpu.memory_space<vmem>>
    %dma_wait3A_435 = arith.constant 0 : i32
    %dma_wait3A_436 = tpu.memref_slice %arg7[%dma_wait3A_430, %dma_wait3A_431, %dma_wait3A_435] : memref<5x1x2000xi32, #tpu.memory_space<vmem>> -> memref<1x1x2000xi32, #tpu.memory_space<vmem>>
    %dma_wait3A_437 = tpu.memref_squeeze %dma_wait3A_436 : memref<1x1x2000xi32, #tpu.memory_space<vmem>> -> memref<2000xi32, #tpu.memory_space<vmem>>
    %dma_wait3A_438 = arith.constant 0 : i32
    %dma_wait3A_439 = tpu.memref_slice %arg10[%dma_wait3A_438] : memref<80000xf32, #tpu.memory_space<vmem_shared>> -> memref<80000xf32, #tpu.memory_space<vmem_shared>>
    tpu.wait_indirect_dma semaphore(%arg12 : memref<!tpu.dma_semaphore, #tpu.memory_space<semaphore_mem>>) src(%dma_wait3A_434 : memref<2000xf32, #tpu.memory_space<vmem>>) dst(%dma_wait3A_439 : memref<80000xf32, #tpu.memory_space<vmem_shared>>)
    %dma_wait3A_440 = arith.constant 2 : i32
    %dma_wait3A_441 = arith.constant 0 : i32
    %dma_wait3A_442 = arith.constant 2 : i32
    %dma_wait3A_443 = arith.constant 0 : i32
    %dma_wait3A_444 = arith.constant 0 : i32
    %dma_wait3A_445 = tpu.memref_slice %arg8[%dma_wait3A_440, %dma_wait3A_441, %dma_wait3A_444] : memref<5x1x2000xf32, #tpu.memory_space<vmem>> -> memref<1x1x2000xf32, #tpu.memory_space<vmem>>
    %dma_wait3A_446 = tpu.memref_squeeze %dma_wait3A_445 : memref<1x1x2000xf32, #tpu.memory_space<vmem>> -> memref<2000xf32, #tpu.memory_space<vmem>>
    %dma_wait3A_447 = arith.constant 0 : i32
    %dma_wait3A_448 = tpu.memref_slice %arg7[%dma_wait3A_442, %dma_wait3A_443, %dma_wait3A_447] : memref<5x1x2000xi32, #tpu.memory_space<vmem>> -> memref<1x1x2000xi32, #tpu.memory_space<vmem>>
    %dma_wait3A_449 = tpu.memref_squeeze %dma_wait3A_448 : memref<1x1x2000xi32, #tpu.memory_space<vmem>> -> memref<2000xi32, #tpu.memory_space<vmem>>
    %dma_wait3A_450 = arith.constant 0 : i32
    %dma_wait3A_451 = tpu.memref_slice %arg10[%dma_wait3A_450] : memref<80000xf32, #tpu.memory_space<vmem_shared>> -> memref<80000xf32, #tpu.memory_space<vmem_shared>>
    tpu.wait_indirect_dma semaphore(%arg12 : memref<!tpu.dma_semaphore, #tpu.memory_space<semaphore_mem>>) src(%dma_wait3A_446 : memref<2000xf32, #tpu.memory_space<vmem>>) dst(%dma_wait3A_451 : memref<80000xf32, #tpu.memory_space<vmem_shared>>)
    %dma_wait3A_452 = arith.constant 3 : i32
    %dma_wait3A_453 = arith.constant 0 : i32
    %dma_wait3A_454 = arith.constant 3 : i32
    %dma_wait3A_455 = arith.constant 0 : i32
    %dma_wait3A_456 = arith.constant 0 : i32
    %dma_wait3A_457 = tpu.memref_slice %arg8[%dma_wait3A_452, %dma_wait3A_453, %dma_wait3A_456] : memref<5x1x2000xf32, #tpu.memory_space<vmem>> -> memref<1x1x2000xf32, #tpu.memory_space<vmem>>
    %dma_wait3A_458 = tpu.memref_squeeze %dma_wait3A_457 : memref<1x1x2000xf32, #tpu.memory_space<vmem>> -> memref<2000xf32, #tpu.memory_space<vmem>>
    %dma_wait3A_459 = arith.constant 0 : i32
    %dma_wait3A_460 = tpu.memref_slice %arg7[%dma_wait3A_454, %dma_wait3A_455, %dma_wait3A_459] : memref<5x1x2000xi32, #tpu.memory_space<vmem>> -> memref<1x1x2000xi32, #tpu.memory_space<vmem>>
    %dma_wait3A_461 = tpu.memref_squeeze %dma_wait3A_460 : memref<1x1x2000xi32, #tpu.memory_space<vmem>> -> memref<2000xi32, #tpu.memory_space<vmem>>
    %dma_wait3A_462 = arith.constant 0 : i32
    %dma_wait3A_463 = tpu.memref_slice %arg10[%dma_wait3A_462] : memref<80000xf32, #tpu.memory_space<vmem_shared>> -> memref<80000xf32, #tpu.memory_space<vmem_shared>>
    tpu.wait_indirect_dma semaphore(%arg12 : memref<!tpu.dma_semaphore, #tpu.memory_space<semaphore_mem>>) src(%dma_wait3A_458 : memref<2000xf32, #tpu.memory_space<vmem>>) dst(%dma_wait3A_463 : memref<80000xf32, #tpu.memory_space<vmem_shared>>)
    %dma_wait3A_464 = arith.constant 4 : i32
    %dma_wait3A_465 = arith.constant 0 : i32
    %dma_wait3A_466 = arith.constant 4 : i32
    %dma_wait3A_467 = arith.constant 0 : i32
    %dma_wait3A_468 = arith.constant 0 : i32
    %dma_wait3A_469 = tpu.memref_slice %arg8[%dma_wait3A_464, %dma_wait3A_465, %dma_wait3A_468] : memref<5x1x2000xf32, #tpu.memory_space<vmem>> -> memref<1x1x2000xf32, #tpu.memory_space<vmem>>
    %dma_wait3A_470 = tpu.memref_squeeze %dma_wait3A_469 : memref<1x1x2000xf32, #tpu.memory_space<vmem>> -> memref<2000xf32, #tpu.memory_space<vmem>>
    %dma_wait3A_471 = arith.constant 0 : i32
    %dma_wait3A_472 = tpu.memref_slice %arg7[%dma_wait3A_466, %dma_wait3A_467, %dma_wait3A_471] : memref<5x1x2000xi32, #tpu.memory_space<vmem>> -> memref<1x1x2000xi32, #tpu.memory_space<vmem>>
    %dma_wait3A_473 = tpu.memref_squeeze %dma_wait3A_472 : memref<1x1x2000xi32, #tpu.memory_space<vmem>> -> memref<2000xi32, #tpu.memory_space<vmem>>
    %dma_wait3A_474 = arith.constant 0 : i32
    %dma_wait3A_475 = tpu.memref_slice %arg10[%dma_wait3A_474] : memref<80000xf32, #tpu.memory_space<vmem_shared>> -> memref<80000xf32, #tpu.memory_space<vmem_shared>>
    tpu.wait_indirect_dma semaphore(%arg12 : memref<!tpu.dma_semaphore, #tpu.memory_space<semaphore_mem>>) src(%dma_wait3A_470 : memref<2000xf32, #tpu.memory_space<vmem>>) dst(%dma_wait3A_475 : memref<80000xf32, #tpu.memory_space<vmem_shared>>)
    %barrier3A_476 = arith.constant 0 : index
    tpu.barrier barrier_id(%barrier3A_476)
    %mul3A_477 = arith.constant 80000 : i32
    %mul3A_478 = arith.muli %arg0, %mul3A_477 : i32
    %add3A_479 = arith.addi %mul3A_478, %mul3A_136 : i32
    "tpu.region"() ({
      %run_scoped3A = tpu.sem_alloc : memref<!tpu.dma_semaphore, #tpu.memory_space<semaphore_mem>>
      %dma_start3A_480 = arith.constant 0 : i32
      %dma_start3A_481 = tpu.memref_slice %arg9[%dma_start3A_480] : memref<5008xf32, #tpu.memory_space<vmem>> -> memref<5000xf32, #tpu.memory_space<vmem>>
      %dma_start3A_482 = tpu.memref_slice %arg10[%mul3A_136] : memref<80000xf32, #tpu.memory_space<vmem_shared>> -> memref<5000xf32, #tpu.memory_space<vmem_shared>>
      %dma_start3A_483 = arith.constant 0 : i32
      %dma_start3A_484 = tpu.memref_slice %arg9[%dma_start3A_483] : memref<5008xf32, #tpu.memory_space<vmem>> -> memref<5000xf32, #tpu.memory_space<vmem>>
      %dma_start3A_485 = tpu.memref_slice %arg10[%mul3A_136] : memref<80000xf32, #tpu.memory_space<vmem_shared>> -> memref<5000xf32, #tpu.memory_space<vmem_shared>>
      tpu.enqueue_dma source(%dma_start3A_485 : memref<5000xf32, #tpu.memory_space<vmem_shared>>) target(%dma_start3A_484 : memref<5000xf32, #tpu.memory_space<vmem>>) target_semaphore(%run_scoped3A : memref<!tpu.dma_semaphore, #tpu.memory_space<semaphore_mem>>)
      %dma_wait3A_486 = arith.constant 0 : i32
      %dma_wait3A_487 = tpu.memref_slice %arg9[%dma_wait3A_486] : memref<5008xf32, #tpu.memory_space<vmem>> -> memref<5000xf32, #tpu.memory_space<vmem>>
      %dma_wait3A_488 = tpu.memref_slice %arg10[%mul3A_136] : memref<80000xf32, #tpu.memory_space<vmem_shared>> -> memref<5000xf32, #tpu.memory_space<vmem_shared>>
      %dma_wait3A_489 = arith.constant 0 : i32
      %dma_wait3A_490 = tpu.memref_slice %arg9[%dma_wait3A_489] : memref<5008xf32, #tpu.memory_space<vmem>> -> memref<5000xf32, #tpu.memory_space<vmem>>
      %dma_wait3A_491 = tpu.memref_slice %arg10[%mul3A_136] : memref<80000xf32, #tpu.memory_space<vmem_shared>> -> memref<5000xf32, #tpu.memory_space<vmem_shared>>
      tpu.wait_dma2 semaphore(%run_scoped3A : memref<!tpu.dma_semaphore, #tpu.memory_space<semaphore_mem>>) src(%dma_wait3A_491 : memref<5000xf32, #tpu.memory_space<vmem_shared>>) dst(%dma_wait3A_490 : memref<5000xf32, #tpu.memory_space<vmem>>)
      tpu.yield
    }) : () -> ()
    "tpu.region"() ({
      %run_scoped3A = tpu.sem_alloc : memref<!tpu.dma_semaphore, #tpu.memory_space<semaphore_mem>>
      %dma_start3A_480 = arith.constant 0 : i32
      %dma_start3A_481 = tpu.memref_slice %arg9[%dma_start3A_480] : memref<5008xf32, #tpu.memory_space<vmem>> -> memref<5000xf32, #tpu.memory_space<vmem>>
      %dma_start3A_482 = tpu.memref_slice %arg5[%add3A_479] : memref<160000xf32, #tpu.memory_space<hbm>> -> memref<5000xf32, #tpu.memory_space<hbm>>
      %dma_start3A_483 = tpu.memref_slice %arg5[%add3A_479] : memref<160000xf32, #tpu.memory_space<hbm>> -> memref<5000xf32, #tpu.memory_space<hbm>>
      %dma_start3A_484 = arith.constant 0 : i32
      %dma_start3A_485 = tpu.memref_slice %arg9[%dma_start3A_484] : memref<5008xf32, #tpu.memory_space<vmem>> -> memref<5000xf32, #tpu.memory_space<vmem>>
      tpu.enqueue_dma source(%dma_start3A_485 : memref<5000xf32, #tpu.memory_space<vmem>>) target(%dma_start3A_483 : memref<5000xf32, #tpu.memory_space<hbm>>) target_semaphore(%run_scoped3A : memref<!tpu.dma_semaphore, #tpu.memory_space<semaphore_mem>>)
      %dma_wait3A_486 = arith.constant 0 : i32
      %dma_wait3A_487 = tpu.memref_slice %arg9[%dma_wait3A_486] : memref<5008xf32, #tpu.memory_space<vmem>> -> memref<5000xf32, #tpu.memory_space<vmem>>
      %dma_wait3A_488 = tpu.memref_slice %arg5[%add3A_479] : memref<160000xf32, #tpu.memory_space<hbm>> -> memref<5000xf32, #tpu.memory_space<hbm>>
      %dma_wait3A_489 = tpu.memref_slice %arg5[%add3A_479] : memref<160000xf32, #tpu.memory_space<hbm>> -> memref<5000xf32, #tpu.memory_space<hbm>>
      %dma_wait3A_490 = arith.constant 0 : i32
      %dma_wait3A_491 = tpu.memref_slice %arg9[%dma_wait3A_490] : memref<5008xf32, #tpu.memory_space<vmem>> -> memref<5000xf32, #tpu.memory_space<vmem>>
      tpu.wait_dma2 semaphore(%run_scoped3A : memref<!tpu.dma_semaphore, #tpu.memory_space<semaphore_mem>>) src(%dma_wait3A_491 : memref<5000xf32, #tpu.memory_space<vmem>>) dst(%dma_wait3A_489 : memref<5000xf32, #tpu.memory_space<hbm>>)
      tpu.yield
    }) : () -> ()
    return
  }
}

#map = affine_map<(d0, d1) -> (0)>
module attributes {stable_mosaic.version = 14 : i64} {
  func.func @_sc_score(%arg0: i32, %arg1: i32, %arg2: memref<160000xf32, #tpu.memory_space<hbm>>, %arg3: memref<160000xf32, #tpu.memory_space<hbm>>, %arg4: memref<1280000xf32, #tpu.memory_space<hbm>>, %arg5: memref<16xf32, #tpu.memory_space<hbm>>, %arg6: memref<10000xf32, #tpu.memory_space<hbm>>, %arg7: memref<2560xf32, #tpu.memory_space<vmem>>, %arg8: memref<2560xf32, #tpu.memory_space<vmem>>, %arg9: memref<2560xf32, #tpu.memory_space<vmem>>, %arg10: memref<2560xf32, #tpu.memory_space<vmem>>, %arg11: memref<2560xf32, #tpu.memory_space<vmem>>, %arg12: memref<2560xi32, #tpu.memory_space<vmem>>, %arg13: memref<320xf32, #tpu.memory_space<vmem>>, %arg14: memref<320xi32, #tpu.memory_space<vmem>>, %arg15: memref<320xi32, #tpu.memory_space<vmem>>, %arg16: memref<320xf32, #tpu.memory_space<vmem>>, %arg17: memref<16xf32, #tpu.memory_space<vmem>>, %arg18: memref<5120xf32, #tpu.memory_space<vmem_shared>>, %arg19: memref<!tpu.dma_semaphore, #tpu.memory_space<semaphore_mem>>, %arg20: memref<!tpu.dma_semaphore, #tpu.memory_space<semaphore_mem>>) attributes {dimension_semantics = [#tpu.dimension_semantics<core_parallel>, #tpu.dimension_semantics<subcore_parallel>], iteration_bounds = array<i64: 2, 16>, scalar_prefetch = 0 : i64, scratch_operands = 14 : i64, tpu.core_type = #tpu.core_type<sc_vector_subcore>, window_params = [{transform_indices = #map}, {transform_indices = #map}, {transform_indices = #map}, {transform_indices = #map}, {transform_indices = #map}]} {
    %mul3A = arith.constant 2 : i32
    %mul3A_0 = arith.muli %arg1, %mul3A : i32
    %add3A = arith.addi %mul3A_0, %arg0 : i32
    %mul3A_1 = arith.constant 320 : i32
    %mul3A_2 = arith.muli %add3A, %mul3A_1 : i32
    %min3A = arith.constant 9680 : i32
    %min3A_3 = arith.minsi %mul3A_2, %min3A : i32
    %mul3A_4 = arith.constant 8 : i32
    %mul3A_5 = arith.muli %min3A_3, %mul3A_4 : i32
    %dma_start3A = tpu.memref_slice %arg2[%mul3A_5] : memref<160000xf32, #tpu.memory_space<hbm>> -> memref<2560xf32, #tpu.memory_space<hbm>>
    %dma_start3A_6 = tpu.memref_slice %arg2[%mul3A_5] : memref<160000xf32, #tpu.memory_space<hbm>> -> memref<2560xf32, #tpu.memory_space<hbm>>
    tpu.enqueue_dma source(%dma_start3A_6 : memref<2560xf32, #tpu.memory_space<hbm>>) target(%arg7 : memref<2560xf32, #tpu.memory_space<vmem>>) target_semaphore(%arg20 : memref<!tpu.dma_semaphore, #tpu.memory_space<semaphore_mem>>)
    %mul3A_7 = arith.constant 8 : i32
    %mul3A_8 = arith.muli %min3A_3, %mul3A_7 : i32
    %add3A_9 = arith.constant 80000 : i32
    %add3A_10 = arith.addi %add3A_9, %mul3A_8 : i32
    %dma_start3A_11 = tpu.memref_slice %arg2[%add3A_10] : memref<160000xf32, #tpu.memory_space<hbm>> -> memref<2560xf32, #tpu.memory_space<hbm>>
    %dma_start3A_12 = tpu.memref_slice %arg2[%add3A_10] : memref<160000xf32, #tpu.memory_space<hbm>> -> memref<2560xf32, #tpu.memory_space<hbm>>
    tpu.enqueue_dma source(%dma_start3A_12 : memref<2560xf32, #tpu.memory_space<hbm>>) target(%arg8 : memref<2560xf32, #tpu.memory_space<vmem>>) target_semaphore(%arg20 : memref<!tpu.dma_semaphore, #tpu.memory_space<semaphore_mem>>)
    %mul3A_13 = arith.constant 8 : i32
    %mul3A_14 = arith.muli %min3A_3, %mul3A_13 : i32
    %dma_start3A_15 = tpu.memref_slice %arg3[%mul3A_14] : memref<160000xf32, #tpu.memory_space<hbm>> -> memref<2560xf32, #tpu.memory_space<hbm>>
    %dma_start3A_16 = tpu.memref_slice %arg3[%mul3A_14] : memref<160000xf32, #tpu.memory_space<hbm>> -> memref<2560xf32, #tpu.memory_space<hbm>>
    tpu.enqueue_dma source(%dma_start3A_16 : memref<2560xf32, #tpu.memory_space<hbm>>) target(%arg9 : memref<2560xf32, #tpu.memory_space<vmem>>) target_semaphore(%arg20 : memref<!tpu.dma_semaphore, #tpu.memory_space<semaphore_mem>>)
    %mul3A_17 = arith.constant 8 : i32
    %mul3A_18 = arith.muli %min3A_3, %mul3A_17 : i32
    %add3A_19 = arith.constant 80000 : i32
    %add3A_20 = arith.addi %add3A_19, %mul3A_18 : i32
    %dma_start3A_21 = tpu.memref_slice %arg3[%add3A_20] : memref<160000xf32, #tpu.memory_space<hbm>> -> memref<2560xf32, #tpu.memory_space<hbm>>
    %dma_start3A_22 = tpu.memref_slice %arg3[%add3A_20] : memref<160000xf32, #tpu.memory_space<hbm>> -> memref<2560xf32, #tpu.memory_space<hbm>>
    tpu.enqueue_dma source(%dma_start3A_22 : memref<2560xf32, #tpu.memory_space<hbm>>) target(%arg10 : memref<2560xf32, #tpu.memory_space<vmem>>) target_semaphore(%arg20 : memref<!tpu.dma_semaphore, #tpu.memory_space<semaphore_mem>>)
    tpu.enqueue_dma source(%arg5 : memref<16xf32, #tpu.memory_space<hbm>>) target(%arg17 : memref<16xf32, #tpu.memory_space<vmem>>) target_semaphore(%arg20 : memref<!tpu.dma_semaphore, #tpu.memory_space<semaphore_mem>>)
    %iota3A = tpu.iota {dimensions = array<i32: 0>} : vector<16xi32>
    %scan3A = arith.constant 0 : i32
    %scan3A_23 = arith.constant 0 : i32
    %scan3A_24 = arith.constant 20 : i32
    %scan3A_25 = arith.addi %scan3A_23, %scan3A_24 : i32
    %scan3A_26 = arith.constant 4 : i32
    scf.for %scan3A_65 = %scan3A_23 to %scan3A_25 step %scan3A_26  : i32 {
      %mul3A_66 = arith.constant 16 : i32
      %mul3A_67 = arith.muli %scan3A_65, %mul3A_66 : i32
      %add3A_68 = vector.broadcast %mul3A_67 : i32 to vector<16xi32>
      %add3A_69 = arith.addi %iota3A, %add3A_68 : vector<16xi32>
      %add3A_70 = vector.broadcast %min3A_3 : i32 to vector<16xi32>
      %add3A_71 = arith.addi %add3A_69, %add3A_70 : vector<16xi32>
      %mul3A_72 = arith.constant 128 : i32
      %mul3A_73 = vector.broadcast %mul3A_72 : i32 to vector<16xi32>
      %mul3A_74 = arith.muli %add3A_71, %mul3A_73 : vector<16xi32>
      %add3A_75 = arith.constant 8 : i32
      %add3A_76 = vector.broadcast %add3A_75 : i32 to vector<16xi32>
      %add3A_77 = arith.addi %mul3A_74, %add3A_76 : vector<16xi32>
      %mul3A_78 = arith.constant 16 : i32
      %mul3A_79 = arith.muli %scan3A_65, %mul3A_78 : i32
      %swap3A = arith.index_cast %mul3A_79 : i32 to index
      %swap3A_80 = tpu.vector_load %arg14[%swap3A] {strides = array<i32>} : memref<320xi32, #tpu.memory_space<vmem>>, vector<16xi32>,
      %swap3A_81 = vector.shape_cast %swap3A_80 : vector<16xi32> to vector<16xi32>
      %swap3A_82 = vector.shape_cast %add3A_77 : vector<16xi32> to vector<16xi32>
      tpu.vector_store %arg14[%swap3A], %swap3A_82 {strides = array<i32>} : memref<320xi32, #tpu.memory_space<vmem>>, vector<16xi32>,
      %mul3A_83 = arith.constant 16 : i32
      %mul3A_84 = arith.muli %scan3A_65, %mul3A_83 : i32
      %swap3A_85 = arith.index_cast %mul3A_84 : i32 to index
      %swap3A_86 = tpu.vector_load %arg15[%swap3A_85] {strides = array<i32>} : memref<320xi32, #tpu.memory_space<vmem>>, vector<16xi32>,
      %swap3A_87 = vector.shape_cast %swap3A_86 : vector<16xi32> to vector<16xi32>
      %swap3A_88 = vector.shape_cast %mul3A_74 : vector<16xi32> to vector<16xi32>
      tpu.vector_store %arg15[%swap3A_85], %swap3A_88 {strides = array<i32>} : memref<320xi32, #tpu.memory_space<vmem>>, vector<16xi32>,
      %scan3A_89 = arith.constant 1 : i32
      %scan3A_90 = arith.addi %scan3A_65, %scan3A_89 : i32
      %mul3A_91 = arith.constant 16 : i32
      %mul3A_92 = arith.muli %scan3A_90, %mul3A_91 : i32
      %add3A_93 = vector.broadcast %mul3A_92 : i32 to vector<16xi32>
      %add3A_94 = arith.addi %iota3A, %add3A_93 : vector<16xi32>
      %add3A_95 = vector.broadcast %min3A_3 : i32 to vector<16xi32>
      %add3A_96 = arith.addi %add3A_94, %add3A_95 : vector<16xi32>
      %mul3A_97 = arith.constant 128 : i32
      %mul3A_98 = vector.broadcast %mul3A_97 : i32 to vector<16xi32>
      %mul3A_99 = arith.muli %add3A_96, %mul3A_98 : vector<16xi32>
      %add3A_100 = arith.constant 8 : i32
      %add3A_101 = vector.broadcast %add3A_100 : i32 to vector<16xi32>
      %add3A_102 = arith.addi %mul3A_99, %add3A_101 : vector<16xi32>
      %mul3A_103 = arith.constant 16 : i32
      %mul3A_104 = arith.muli %scan3A_90, %mul3A_103 : i32
      %swap3A_105 = arith.index_cast %mul3A_104 : i32 to index
      %swap3A_106 = tpu.vector_load %arg14[%swap3A_105] {strides = array<i32>} : memref<320xi32, #tpu.memory_space<vmem>>, vector<16xi32>,
      %swap3A_107 = vector.shape_cast %swap3A_106 : vector<16xi32> to vector<16xi32>
      %swap3A_108 = vector.shape_cast %add3A_102 : vector<16xi32> to vector<16xi32>
      tpu.vector_store %arg14[%swap3A_105], %swap3A_108 {strides = array<i32>} : memref<320xi32, #tpu.memory_space<vmem>>, vector<16xi32>,
      %mul3A_109 = arith.constant 16 : i32
      %mul3A_110 = arith.muli %scan3A_90, %mul3A_109 : i32
      %swap3A_111 = arith.index_cast %mul3A_110 : i32 to index
      %swap3A_112 = tpu.vector_load %arg15[%swap3A_111] {strides = array<i32>} : memref<320xi32, #tpu.memory_space<vmem>>, vector<16xi32>,
      %swap3A_113 = vector.shape_cast %swap3A_112 : vector<16xi32> to vector<16xi32>
      %swap3A_114 = vector.shape_cast %mul3A_99 : vector<16xi32> to vector<16xi32>
      tpu.vector_store %arg15[%swap3A_111], %swap3A_114 {strides = array<i32>} : memref<320xi32, #tpu.memory_space<vmem>>, vector<16xi32>,
      %scan3A_115 = arith.constant 2 : i32
      %scan3A_116 = arith.addi %scan3A_65, %scan3A_115 : i32
      %mul3A_117 = arith.constant 16 : i32
      %mul3A_118 = arith.muli %scan3A_116, %mul3A_117 : i32
      %add3A_119 = vector.broadcast %mul3A_118 : i32 to vector<16xi32>
      %add3A_120 = arith.addi %iota3A, %add3A_119 : vector<16xi32>
      %add3A_121 = vector.broadcast %min3A_3 : i32 to vector<16xi32>
      %add3A_122 = arith.addi %add3A_120, %add3A_121 : vector<16xi32>
      %mul3A_123 = arith.constant 128 : i32
      %mul3A_124 = vector.broadcast %mul3A_123 : i32 to vector<16xi32>
      %mul3A_125 = arith.muli %add3A_122, %mul3A_124 : vector<16xi32>
      %add3A_126 = arith.constant 8 : i32
      %add3A_127 = vector.broadcast %add3A_126 : i32 to vector<16xi32>
      %add3A_128 = arith.addi %mul3A_125, %add3A_127 : vector<16xi32>
      %mul3A_129 = arith.constant 16 : i32
      %mul3A_130 = arith.muli %scan3A_116, %mul3A_129 : i32
      %swap3A_131 = arith.index_cast %mul3A_130 : i32 to index
      %swap3A_132 = tpu.vector_load %arg14[%swap3A_131] {strides = array<i32>} : memref<320xi32, #tpu.memory_space<vmem>>, vector<16xi32>,
      %swap3A_133 = vector.shape_cast %swap3A_132 : vector<16xi32> to vector<16xi32>
      %swap3A_134 = vector.shape_cast %add3A_128 : vector<16xi32> to vector<16xi32>
      tpu.vector_store %arg14[%swap3A_131], %swap3A_134 {strides = array<i32>} : memref<320xi32, #tpu.memory_space<vmem>>, vector<16xi32>,
      %mul3A_135 = arith.constant 16 : i32
      %mul3A_136 = arith.muli %scan3A_116, %mul3A_135 : i32
      %swap3A_137 = arith.index_cast %mul3A_136 : i32 to index
      %swap3A_138 = tpu.vector_load %arg15[%swap3A_137] {strides = array<i32>} : memref<320xi32, #tpu.memory_space<vmem>>, vector<16xi32>,
      %swap3A_139 = vector.shape_cast %swap3A_138 : vector<16xi32> to vector<16xi32>
      %swap3A_140 = vector.shape_cast %mul3A_125 : vector<16xi32> to vector<16xi32>
      tpu.vector_store %arg15[%swap3A_137], %swap3A_140 {strides = array<i32>} : memref<320xi32, #tpu.memory_space<vmem>>, vector<16xi32>,
      %scan3A_141 = arith.constant 3 : i32
      %scan3A_142 = arith.addi %scan3A_65, %scan3A_141 : i32
      %mul3A_143 = arith.constant 16 : i32
      %mul3A_144 = arith.muli %scan3A_142, %mul3A_143 : i32
      %add3A_145 = vector.broadcast %mul3A_144 : i32 to vector<16xi32>
      %add3A_146 = arith.addi %iota3A, %add3A_145 : vector<16xi32>
      %add3A_147 = vector.broadcast %min3A_3 : i32 to vector<16xi32>
      %add3A_148 = arith.addi %add3A_146, %add3A_147 : vector<16xi32>
      %mul3A_149 = arith.constant 128 : i32
      %mul3A_150 = vector.broadcast %mul3A_149 : i32 to vector<16xi32>
      %mul3A_151 = arith.muli %add3A_148, %mul3A_150 : vector<16xi32>
      %add3A_152 = arith.constant 8 : i32
      %add3A_153 = vector.broadcast %add3A_152 : i32 to vector<16xi32>
      %add3A_154 = arith.addi %mul3A_151, %add3A_153 : vector<16xi32>
      %mul3A_155 = arith.constant 16 : i32
      %mul3A_156 = arith.muli %scan3A_142, %mul3A_155 : i32
      %swap3A_157 = arith.index_cast %mul3A_156 : i32 to index
      %swap3A_158 = tpu.vector_load %arg14[%swap3A_157] {strides = array<i32>} : memref<320xi32, #tpu.memory_space<vmem>>, vector<16xi32>,
      %swap3A_159 = vector.shape_cast %swap3A_158 : vector<16xi32> to vector<16xi32>
      %swap3A_160 = vector.shape_cast %add3A_154 : vector<16xi32> to vector<16xi32>
      tpu.vector_store %arg14[%swap3A_157], %swap3A_160 {strides = array<i32>} : memref<320xi32, #tpu.memory_space<vmem>>, vector<16xi32>,
      %mul3A_161 = arith.constant 16 : i32
      %mul3A_162 = arith.muli %scan3A_142, %mul3A_161 : i32
      %swap3A_163 = arith.index_cast %mul3A_162 : i32 to index
      %swap3A_164 = tpu.vector_load %arg15[%swap3A_163] {strides = array<i32>} : memref<320xi32, #tpu.memory_space<vmem>>, vector<16xi32>,
      %swap3A_165 = vector.shape_cast %swap3A_164 : vector<16xi32> to vector<16xi32>
      %swap3A_166 = vector.shape_cast %mul3A_151 : vector<16xi32> to vector<16xi32>
      tpu.vector_store %arg15[%swap3A_163], %swap3A_166 {strides = array<i32>} : memref<320xi32, #tpu.memory_space<vmem>>, vector<16xi32>,
    }
    %scan3A_27 = arith.constant 20 : i32
    %dma_start3A_28 = arith.constant 0 : i32
    %dma_start3A_29 = tpu.memref_slice %arg4[%dma_start3A_28] : memref<1280000xf32, #tpu.memory_space<hbm>> -> memref<1280000xf32, #tpu.memory_space<hbm>>
    tpu.enqueue_indirect_dma source(%dma_start3A_29 : memref<1280000xf32, #tpu.memory_space<hbm>>) target(%arg16 : memref<320xf32, #tpu.memory_space<vmem>>) offsets(%arg14 : memref<320xi32, #tpu.memory_space<vmem>>) semaphore(%arg19 : memref<!tpu.dma_semaphore, #tpu.memory_space<semaphore_mem>>)
    %mul3A_30 = arith.constant 320 : i32
    %mul3A_31 = arith.muli %arg1, %mul3A_30 : i32
    %scan3A_32 = arith.constant 0 : i32
    %scan3A_33 = arith.constant 0 : i32
    %scan3A_34 = arith.constant 160 : i32
    %scan3A_35 = arith.addi %scan3A_33, %scan3A_34 : i32
    %scan3A_36 = arith.constant 4 : i32
    scf.for %scan3A_65 = %scan3A_33 to %scan3A_35 step %scan3A_36  : i32 {
      %mul3A_66 = arith.constant 16 : i32
      %mul3A_67 = arith.muli %scan3A_65, %mul3A_66 : i32
      %add3A_68 = vector.broadcast %mul3A_67 : i32 to vector<16xi32>
      %add3A_69 = arith.addi %iota3A, %add3A_68 : vector<16xi32>
      %shift_right_logical3A = arith.constant 3 : i32
      %shift_right_logical3A_70 = vector.broadcast %shift_right_logical3A : i32 to vector<16xi32>
      %shift_right_logical3A_71 = arith.shrui %add3A_69, %shift_right_logical3A_70 : vector<16xi32>
      %add3A_72 = vector.broadcast %mul3A_31 : i32 to vector<16xi32>
      %add3A_73 = arith.addi %add3A_72, %shift_right_logical3A_71 : vector<16xi32>
      %mul3A_74 = arith.constant 16 : i32
      %mul3A_75 = arith.muli %scan3A_65, %mul3A_74 : i32
      %swap3A = arith.index_cast %mul3A_75 : i32 to index
      %swap3A_76 = tpu.vector_load %arg12[%swap3A] {strides = array<i32>} : memref<2560xi32, #tpu.memory_space<vmem>>, vector<16xi32>,
      %swap3A_77 = vector.shape_cast %swap3A_76 : vector<16xi32> to vector<16xi32>
      %swap3A_78 = vector.shape_cast %add3A_73 : vector<16xi32> to vector<16xi32>
      tpu.vector_store %arg12[%swap3A], %swap3A_78 {strides = array<i32>} : memref<2560xi32, #tpu.memory_space<vmem>>, vector<16xi32>,
      %scan3A_79 = arith.constant 1 : i32
      %scan3A_80 = arith.addi %scan3A_65, %scan3A_79 : i32
      %mul3A_81 = arith.constant 16 : i32
      %mul3A_82 = arith.muli %scan3A_80, %mul3A_81 : i32
      %add3A_83 = vector.broadcast %mul3A_82 : i32 to vector<16xi32>
      %add3A_84 = arith.addi %iota3A, %add3A_83 : vector<16xi32>
      %shift_right_logical3A_85 = arith.constant 3 : i32
      %shift_right_logical3A_86 = vector.broadcast %shift_right_logical3A_85 : i32 to vector<16xi32>
      %shift_right_logical3A_87 = arith.shrui %add3A_84, %shift_right_logical3A_86 : vector<16xi32>
      %add3A_88 = vector.broadcast %mul3A_31 : i32 to vector<16xi32>
      %add3A_89 = arith.addi %add3A_88, %shift_right_logical3A_87 : vector<16xi32>
      %mul3A_90 = arith.constant 16 : i32
      %mul3A_91 = arith.muli %scan3A_80, %mul3A_90 : i32
      %swap3A_92 = arith.index_cast %mul3A_91 : i32 to index
      %swap3A_93 = tpu.vector_load %arg12[%swap3A_92] {strides = array<i32>} : memref<2560xi32, #tpu.memory_space<vmem>>, vector<16xi32>,
      %swap3A_94 = vector.shape_cast %swap3A_93 : vector<16xi32> to vector<16xi32>
      %swap3A_95 = vector.shape_cast %add3A_89 : vector<16xi32> to vector<16xi32>
      tpu.vector_store %arg12[%swap3A_92], %swap3A_95 {strides = array<i32>} : memref<2560xi32, #tpu.memory_space<vmem>>, vector<16xi32>,
      %scan3A_96 = arith.constant 2 : i32
      %scan3A_97 = arith.addi %scan3A_65, %scan3A_96 : i32
      %mul3A_98 = arith.constant 16 : i32
      %mul3A_99 = arith.muli %scan3A_97, %mul3A_98 : i32
      %add3A_100 = vector.broadcast %mul3A_99 : i32 to vector<16xi32>
      %add3A_101 = arith.addi %iota3A, %add3A_100 : vector<16xi32>
      %shift_right_logical3A_102 = arith.constant 3 : i32
      %shift_right_logical3A_103 = vector.broadcast %shift_right_logical3A_102 : i32 to vector<16xi32>
      %shift_right_logical3A_104 = arith.shrui %add3A_101, %shift_right_logical3A_103 : vector<16xi32>
      %add3A_105 = vector.broadcast %mul3A_31 : i32 to vector<16xi32>
      %add3A_106 = arith.addi %add3A_105, %shift_right_logical3A_104 : vector<16xi32>
      %mul3A_107 = arith.constant 16 : i32
      %mul3A_108 = arith.muli %scan3A_97, %mul3A_107 : i32
      %swap3A_109 = arith.index_cast %mul3A_108 : i32 to index
      %swap3A_110 = tpu.vector_load %arg12[%swap3A_109] {strides = array<i32>} : memref<2560xi32, #tpu.memory_space<vmem>>, vector<16xi32>,
      %swap3A_111 = vector.shape_cast %swap3A_110 : vector<16xi32> to vector<16xi32>
      %swap3A_112 = vector.shape_cast %add3A_106 : vector<16xi32> to vector<16xi32>
      tpu.vector_store %arg12[%swap3A_109], %swap3A_112 {strides = array<i32>} : memref<2560xi32, #tpu.memory_space<vmem>>, vector<16xi32>,
      %scan3A_113 = arith.constant 3 : i32
      %scan3A_114 = arith.addi %scan3A_65, %scan3A_113 : i32
      %mul3A_115 = arith.constant 16 : i32
      %mul3A_116 = arith.muli %scan3A_114, %mul3A_115 : i32
      %add3A_117 = vector.broadcast %mul3A_116 : i32 to vector<16xi32>
      %add3A_118 = arith.addi %iota3A, %add3A_117 : vector<16xi32>
      %shift_right_logical3A_119 = arith.constant 3 : i32
      %shift_right_logical3A_120 = vector.broadcast %shift_right_logical3A_119 : i32 to vector<16xi32>
      %shift_right_logical3A_121 = arith.shrui %add3A_118, %shift_right_logical3A_120 : vector<16xi32>
      %add3A_122 = vector.broadcast %mul3A_31 : i32 to vector<16xi32>
      %add3A_123 = arith.addi %add3A_122, %shift_right_logical3A_121 : vector<16xi32>
      %mul3A_124 = arith.constant 16 : i32
      %mul3A_125 = arith.muli %scan3A_114, %mul3A_124 : i32
      %swap3A_126 = arith.index_cast %mul3A_125 : i32 to index
      %swap3A_127 = tpu.vector_load %arg12[%swap3A_126] {strides = array<i32>} : memref<2560xi32, #tpu.memory_space<vmem>>, vector<16xi32>,
      %swap3A_128 = vector.shape_cast %swap3A_127 : vector<16xi32> to vector<16xi32>
      %swap3A_129 = vector.shape_cast %add3A_123 : vector<16xi32> to vector<16xi32>
      tpu.vector_store %arg12[%swap3A_126], %swap3A_129 {strides = array<i32>} : memref<2560xi32, #tpu.memory_space<vmem>>, vector<16xi32>,
    }
    %scan3A_37 = arith.constant 160 : i32
    %scan3A_38 = arith.constant 0 : i32
    %scan3A_39 = arith.constant 0 : i32
    %scan3A_40 = arith.constant 20 : i32
    %scan3A_41 = arith.addi %scan3A_39, %scan3A_40 : i32
    %scan3A_42 = arith.constant 4 : i32
    scf.for %scan3A_65 = %scan3A_39 to %scan3A_41 step %scan3A_42  : i32 {
      %broadcast_in_dim3A = arith.constant 0.000000e+00 : f32
      %broadcast_in_dim3A_66 = vector.broadcast %broadcast_in_dim3A : f32 to vector<16xf32>
      %mul3A_67 = arith.constant 16 : i32
      %mul3A_68 = arith.muli %scan3A_65, %mul3A_67 : i32
      %swap3A = arith.index_cast %mul3A_68 : i32 to index
      %swap3A_69 = tpu.vector_load %arg13[%swap3A] {strides = array<i32>} : memref<320xf32, #tpu.memory_space<vmem>>, vector<16xf32>,
      %swap3A_70 = vector.shape_cast %swap3A_69 : vector<16xf32> to vector<16xf32>
      %swap3A_71 = vector.shape_cast %broadcast_in_dim3A_66 : vector<16xf32> to vector<16xf32>
      tpu.vector_store %arg13[%swap3A], %swap3A_71 {strides = array<i32>} : memref<320xf32, #tpu.memory_space<vmem>>, vector<16xf32>,
      %scan3A_72 = arith.constant 1 : i32
      %scan3A_73 = arith.addi %scan3A_65, %scan3A_72 : i32
      %broadcast_in_dim3A_74 = arith.constant 0.000000e+00 : f32
      %broadcast_in_dim3A_75 = vector.broadcast %broadcast_in_dim3A_74 : f32 to vector<16xf32>
      %mul3A_76 = arith.constant 16 : i32
      %mul3A_77 = arith.muli %scan3A_73, %mul3A_76 : i32
      %swap3A_78 = arith.index_cast %mul3A_77 : i32 to index
      %swap3A_79 = tpu.vector_load %arg13[%swap3A_78] {strides = array<i32>} : memref<320xf32, #tpu.memory_space<vmem>>, vector<16xf32>,
      %swap3A_80 = vector.shape_cast %swap3A_79 : vector<16xf32> to vector<16xf32>
      %swap3A_81 = vector.shape_cast %broadcast_in_dim3A_75 : vector<16xf32> to vector<16xf32>
      tpu.vector_store %arg13[%swap3A_78], %swap3A_81 {strides = array<i32>} : memref<320xf32, #tpu.memory_space<vmem>>, vector<16xf32>,
      %scan3A_82 = arith.constant 2 : i32
      %scan3A_83 = arith.addi %scan3A_65, %scan3A_82 : i32
      %broadcast_in_dim3A_84 = arith.constant 0.000000e+00 : f32
      %broadcast_in_dim3A_85 = vector.broadcast %broadcast_in_dim3A_84 : f32 to vector<16xf32>
      %mul3A_86 = arith.constant 16 : i32
      %mul3A_87 = arith.muli %scan3A_83, %mul3A_86 : i32
      %swap3A_88 = arith.index_cast %mul3A_87 : i32 to index
      %swap3A_89 = tpu.vector_load %arg13[%swap3A_88] {strides = array<i32>} : memref<320xf32, #tpu.memory_space<vmem>>, vector<16xf32>,
      %swap3A_90 = vector.shape_cast %swap3A_89 : vector<16xf32> to vector<16xf32>
      %swap3A_91 = vector.shape_cast %broadcast_in_dim3A_85 : vector<16xf32> to vector<16xf32>
      tpu.vector_store %arg13[%swap3A_88], %swap3A_91 {strides = array<i32>} : memref<320xf32, #tpu.memory_space<vmem>>, vector<16xf32>,
      %scan3A_92 = arith.constant 3 : i32
      %scan3A_93 = arith.addi %scan3A_65, %scan3A_92 : i32
      %broadcast_in_dim3A_94 = arith.constant 0.000000e+00 : f32
      %broadcast_in_dim3A_95 = vector.broadcast %broadcast_in_dim3A_94 : f32 to vector<16xf32>
      %mul3A_96 = arith.constant 16 : i32
      %mul3A_97 = arith.muli %scan3A_93, %mul3A_96 : i32
      %swap3A_98 = arith.index_cast %mul3A_97 : i32 to index
      %swap3A_99 = tpu.vector_load %arg13[%swap3A_98] {strides = array<i32>} : memref<320xf32, #tpu.memory_space<vmem>>, vector<16xf32>,
      %swap3A_100 = vector.shape_cast %swap3A_99 : vector<16xf32> to vector<16xf32>
      %swap3A_101 = vector.shape_cast %broadcast_in_dim3A_95 : vector<16xf32> to vector<16xf32>
      tpu.vector_store %arg13[%swap3A_98], %swap3A_101 {strides = array<i32>} : memref<320xf32, #tpu.memory_space<vmem>>, vector<16xf32>,
    }
    %scan3A_43 = arith.constant 20 : i32
    "tpu.region"() ({
      %run_scoped3A = tpu.sem_alloc : memref<!tpu.dma_semaphore, #tpu.memory_space<semaphore_mem>>
      %dma_start3A_65 = tpu.memref_slice %arg18[%mul3A_31] : memref<5120xf32, #tpu.memory_space<vmem_shared>> -> memref<320xf32, #tpu.memory_space<vmem_shared>>
      %dma_start3A_66 = tpu.memref_slice %arg18[%mul3A_31] : memref<5120xf32, #tpu.memory_space<vmem_shared>> -> memref<320xf32, #tpu.memory_space<vmem_shared>>
      tpu.enqueue_dma source(%arg13 : memref<320xf32, #tpu.memory_space<vmem>>) target(%dma_start3A_66 : memref<320xf32, #tpu.memory_space<vmem_shared>>) target_semaphore(%run_scoped3A : memref<!tpu.dma_semaphore, #tpu.memory_space<semaphore_mem>>)
      %dma_wait3A_67 = tpu.memref_slice %arg18[%mul3A_31] : memref<5120xf32, #tpu.memory_space<vmem_shared>> -> memref<320xf32, #tpu.memory_space<vmem_shared>>
      %dma_wait3A_68 = tpu.memref_slice %arg18[%mul3A_31] : memref<5120xf32, #tpu.memory_space<vmem_shared>> -> memref<320xf32, #tpu.memory_space<vmem_shared>>
      tpu.wait_dma2 semaphore(%run_scoped3A : memref<!tpu.dma_semaphore, #tpu.memory_space<semaphore_mem>>) src(%arg13 : memref<320xf32, #tpu.memory_space<vmem>>) dst(%dma_wait3A_68 : memref<320xf32, #tpu.memory_space<vmem_shared>>)
      tpu.yield
    }) : () -> ()
    %dma_wait3A = tpu.memref_slice %arg2[%mul3A_5] : memref<160000xf32, #tpu.memory_space<hbm>> -> memref<2560xf32, #tpu.memory_space<hbm>>
    %dma_wait3A_44 = tpu.memref_slice %arg2[%mul3A_5] : memref<160000xf32, #tpu.memory_space<hbm>> -> memref<2560xf32, #tpu.memory_space<hbm>>
    tpu.wait_dma2 semaphore(%arg20 : memref<!tpu.dma_semaphore, #tpu.memory_space<semaphore_mem>>) src(%dma_wait3A_44 : memref<2560xf32, #tpu.memory_space<hbm>>) dst(%arg7 : memref<2560xf32, #tpu.memory_space<vmem>>)
    %dma_wait3A_45 = tpu.memref_slice %arg2[%add3A_10] : memref<160000xf32, #tpu.memory_space<hbm>> -> memref<2560xf32, #tpu.memory_space<hbm>>
    %dma_wait3A_46 = tpu.memref_slice %arg2[%add3A_10] : memref<160000xf32, #tpu.memory_space<hbm>> -> memref<2560xf32, #tpu.memory_space<hbm>>
    tpu.wait_dma2 semaphore(%arg20 : memref<!tpu.dma_semaphore, #tpu.memory_space<semaphore_mem>>) src(%dma_wait3A_46 : memref<2560xf32, #tpu.memory_space<hbm>>) dst(%arg8 : memref<2560xf32, #tpu.memory_space<vmem>>)
    %dma_wait3A_47 = tpu.memref_slice %arg3[%mul3A_14] : memref<160000xf32, #tpu.memory_space<hbm>> -> memref<2560xf32, #tpu.memory_space<hbm>>
    %dma_wait3A_48 = tpu.memref_slice %arg3[%mul3A_14] : memref<160000xf32, #tpu.memory_space<hbm>> -> memref<2560xf32, #tpu.memory_space<hbm>>
    tpu.wait_dma2 semaphore(%arg20 : memref<!tpu.dma_semaphore, #tpu.memory_space<semaphore_mem>>) src(%dma_wait3A_48 : memref<2560xf32, #tpu.memory_space<hbm>>) dst(%arg9 : memref<2560xf32, #tpu.memory_space<vmem>>)
    %dma_wait3A_49 = tpu.memref_slice %arg3[%add3A_20] : memref<160000xf32, #tpu.memory_space<hbm>> -> memref<2560xf32, #tpu.memory_space<hbm>>
    %dma_wait3A_50 = tpu.memref_slice %arg3[%add3A_20] : memref<160000xf32, #tpu.memory_space<hbm>> -> memref<2560xf32, #tpu.memory_space<hbm>>
    tpu.wait_dma2 semaphore(%arg20 : memref<!tpu.dma_semaphore, #tpu.memory_space<semaphore_mem>>) src(%dma_wait3A_50 : memref<2560xf32, #tpu.memory_space<hbm>>) dst(%arg10 : memref<2560xf32, #tpu.memory_space<vmem>>)
    tpu.wait_dma2 semaphore(%arg20 : memref<!tpu.dma_semaphore, #tpu.memory_space<semaphore_mem>>) src(%arg5 : memref<16xf32, #tpu.memory_space<hbm>>) dst(%arg17 : memref<16xf32, #tpu.memory_space<vmem>>)
    %scan3A_51 = arith.constant 0 : i32
    %scan3A_52 = arith.constant 0 : i32
    %scan3A_53 = arith.constant 160 : i32
    %scan3A_54 = arith.addi %scan3A_52, %scan3A_53 : i32
    %scan3A_55 = arith.constant 4 : i32
    scf.for %scan3A_65 = %scan3A_52 to %scan3A_54 step %scan3A_55  : i32 {
      %mul3A_66 = arith.constant 16 : i32
      %mul3A_67 = arith.muli %scan3A_65, %mul3A_66 : i32
      %get3A = arith.index_cast %mul3A_67 : i32 to index
      %get3A_68 = tpu.vector_load %arg7[%get3A] {strides = array<i32>} : memref<2560xf32, #tpu.memory_space<vmem>>, vector<16xf32>,
      %get3A_69 = vector.shape_cast %get3A_68 : vector<16xf32> to vector<16xf32>
      %get3A_70 = arith.index_cast %mul3A_67 : i32 to index
      %get3A_71 = tpu.vector_load %arg8[%get3A_70] {strides = array<i32>} : memref<2560xf32, #tpu.memory_space<vmem>>, vector<16xf32>,
      %get3A_72 = vector.shape_cast %get3A_71 : vector<16xf32> to vector<16xf32>
      %add3A_73 = arith.addf %get3A_69, %get3A_72 : vector<16xf32>
      %get3A_74 = arith.index_cast %mul3A_67 : i32 to index
      %get3A_75 = tpu.vector_load %arg9[%get3A_74] {strides = array<i32>} : memref<2560xf32, #tpu.memory_space<vmem>>, vector<16xf32>,
      %get3A_76 = vector.shape_cast %get3A_75 : vector<16xf32> to vector<16xf32>
      %get3A_77 = arith.index_cast %mul3A_67 : i32 to index
      %get3A_78 = tpu.vector_load %arg10[%get3A_77] {strides = array<i32>} : memref<2560xf32, #tpu.memory_space<vmem>>, vector<16xf32>,
      %get3A_79 = vector.shape_cast %get3A_78 : vector<16xf32> to vector<16xf32>
      %add3A_80 = arith.addf %get3A_76, %get3A_79 : vector<16xf32>
      %max3A = arith.constant 1.000000e+00 : f32
      %max3A_81 = vector.broadcast %max3A : f32 to vector<16xf32>
      %max3A_82 = arith.maximumf %add3A_80, %max3A_81 : vector<16xf32>
      %div3A = arith.divf %add3A_73, %max3A_82 : vector<16xf32>
      %swap3A = arith.index_cast %mul3A_67 : i32 to index
      %swap3A_83 = tpu.vector_load %arg11[%swap3A] {strides = array<i32>} : memref<2560xf32, #tpu.memory_space<vmem>>, vector<16xf32>,
      %swap3A_84 = vector.shape_cast %swap3A_83 : vector<16xf32> to vector<16xf32>
      %swap3A_85 = vector.shape_cast %div3A : vector<16xf32> to vector<16xf32>
      tpu.vector_store %arg11[%swap3A], %swap3A_85 {strides = array<i32>} : memref<2560xf32, #tpu.memory_space<vmem>>, vector<16xf32>,
      %scan3A_86 = arith.constant 1 : i32
      %scan3A_87 = arith.addi %scan3A_65, %scan3A_86 : i32
      %mul3A_88 = arith.constant 16 : i32
      %mul3A_89 = arith.muli %scan3A_87, %mul3A_88 : i32
      %get3A_90 = arith.index_cast %mul3A_89 : i32 to index
      %get3A_91 = tpu.vector_load %arg7[%get3A_90] {strides = array<i32>} : memref<2560xf32, #tpu.memory_space<vmem>>, vector<16xf32>,
      %get3A_92 = vector.shape_cast %get3A_91 : vector<16xf32> to vector<16xf32>
      %get3A_93 = arith.index_cast %mul3A_89 : i32 to index
      %get3A_94 = tpu.vector_load %arg8[%get3A_93] {strides = array<i32>} : memref<2560xf32, #tpu.memory_space<vmem>>, vector<16xf32>,
      %get3A_95 = vector.shape_cast %get3A_94 : vector<16xf32> to vector<16xf32>
      %add3A_96 = arith.addf %get3A_92, %get3A_95 : vector<16xf32>
      %get3A_97 = arith.index_cast %mul3A_89 : i32 to index
      %get3A_98 = tpu.vector_load %arg9[%get3A_97] {strides = array<i32>} : memref<2560xf32, #tpu.memory_space<vmem>>, vector<16xf32>,
      %get3A_99 = vector.shape_cast %get3A_98 : vector<16xf32> to vector<16xf32>
      %get3A_100 = arith.index_cast %mul3A_89 : i32 to index
      %get3A_101 = tpu.vector_load %arg10[%get3A_100] {strides = array<i32>} : memref<2560xf32, #tpu.memory_space<vmem>>, vector<16xf32>,
      %get3A_102 = vector.shape_cast %get3A_101 : vector<16xf32> to vector<16xf32>
      %add3A_103 = arith.addf %get3A_99, %get3A_102 : vector<16xf32>
      %max3A_104 = arith.constant 1.000000e+00 : f32
      %max3A_105 = vector.broadcast %max3A_104 : f32 to vector<16xf32>
      %max3A_106 = arith.maximumf %add3A_103, %max3A_105 : vector<16xf32>
      %div3A_107 = arith.divf %add3A_96, %max3A_106 : vector<16xf32>
      %swap3A_108 = arith.index_cast %mul3A_89 : i32 to index
      %swap3A_109 = tpu.vector_load %arg11[%swap3A_108] {strides = array<i32>} : memref<2560xf32, #tpu.memory_space<vmem>>, vector<16xf32>,
      %swap3A_110 = vector.shape_cast %swap3A_109 : vector<16xf32> to vector<16xf32>
      %swap3A_111 = vector.shape_cast %div3A_107 : vector<16xf32> to vector<16xf32>
      tpu.vector_store %arg11[%swap3A_108], %swap3A_111 {strides = array<i32>} : memref<2560xf32, #tpu.memory_space<vmem>>, vector<16xf32>,
      %scan3A_112 = arith.constant 2 : i32
      %scan3A_113 = arith.addi %scan3A_65, %scan3A_112 : i32
      %mul3A_114 = arith.constant 16 : i32
      %mul3A_115 = arith.muli %scan3A_113, %mul3A_114 : i32
      %get3A_116 = arith.index_cast %mul3A_115 : i32 to index
      %get3A_117 = tpu.vector_load %arg7[%get3A_116] {strides = array<i32>} : memref<2560xf32, #tpu.memory_space<vmem>>, vector<16xf32>,
      %get3A_118 = vector.shape_cast %get3A_117 : vector<16xf32> to vector<16xf32>
      %get3A_119 = arith.index_cast %mul3A_115 : i32 to index
      %get3A_120 = tpu.vector_load %arg8[%get3A_119] {strides = array<i32>} : memref<2560xf32, #tpu.memory_space<vmem>>, vector<16xf32>,
      %get3A_121 = vector.shape_cast %get3A_120 : vector<16xf32> to vector<16xf32>
      %add3A_122 = arith.addf %get3A_118, %get3A_121 : vector<16xf32>
      %get3A_123 = arith.index_cast %mul3A_115 : i32 to index
      %get3A_124 = tpu.vector_load %arg9[%get3A_123] {strides = array<i32>} : memref<2560xf32, #tpu.memory_space<vmem>>, vector<16xf32>,
      %get3A_125 = vector.shape_cast %get3A_124 : vector<16xf32> to vector<16xf32>
      %get3A_126 = arith.index_cast %mul3A_115 : i32 to index
      %get3A_127 = tpu.vector_load %arg10[%get3A_126] {strides = array<i32>} : memref<2560xf32, #tpu.memory_space<vmem>>, vector<16xf32>,
      %get3A_128 = vector.shape_cast %get3A_127 : vector<16xf32> to vector<16xf32>
      %add3A_129 = arith.addf %get3A_125, %get3A_128 : vector<16xf32>
      %max3A_130 = arith.constant 1.000000e+00 : f32
      %max3A_131 = vector.broadcast %max3A_130 : f32 to vector<16xf32>
      %max3A_132 = arith.maximumf %add3A_129, %max3A_131 : vector<16xf32>
      %div3A_133 = arith.divf %add3A_122, %max3A_132 : vector<16xf32>
      %swap3A_134 = arith.index_cast %mul3A_115 : i32 to index
      %swap3A_135 = tpu.vector_load %arg11[%swap3A_134] {strides = array<i32>} : memref<2560xf32, #tpu.memory_space<vmem>>, vector<16xf32>,
      %swap3A_136 = vector.shape_cast %swap3A_135 : vector<16xf32> to vector<16xf32>
      %swap3A_137 = vector.shape_cast %div3A_133 : vector<16xf32> to vector<16xf32>
      tpu.vector_store %arg11[%swap3A_134], %swap3A_137 {strides = array<i32>} : memref<2560xf32, #tpu.memory_space<vmem>>, vector<16xf32>,
      %scan3A_138 = arith.constant 3 : i32
      %scan3A_139 = arith.addi %scan3A_65, %scan3A_138 : i32
      %mul3A_140 = arith.constant 16 : i32
      %mul3A_141 = arith.muli %scan3A_139, %mul3A_140 : i32
      %get3A_142 = arith.index_cast %mul3A_141 : i32 to index
      %get3A_143 = tpu.vector_load %arg7[%get3A_142] {strides = array<i32>} : memref<2560xf32, #tpu.memory_space<vmem>>, vector<16xf32>,
      %get3A_144 = vector.shape_cast %get3A_143 : vector<16xf32> to vector<16xf32>
      %get3A_145 = arith.index_cast %mul3A_141 : i32 to index
      %get3A_146 = tpu.vector_load %arg8[%get3A_145] {strides = array<i32>} : memref<2560xf32, #tpu.memory_space<vmem>>, vector<16xf32>,
      %get3A_147 = vector.shape_cast %get3A_146 : vector<16xf32> to vector<16xf32>
      %add3A_148 = arith.addf %get3A_144, %get3A_147 : vector<16xf32>
      %get3A_149 = arith.index_cast %mul3A_141 : i32 to index
      %get3A_150 = tpu.vector_load %arg9[%get3A_149] {strides = array<i32>} : memref<2560xf32, #tpu.memory_space<vmem>>, vector<16xf32>,
      %get3A_151 = vector.shape_cast %get3A_150 : vector<16xf32> to vector<16xf32>
      %get3A_152 = arith.index_cast %mul3A_141 : i32 to index
      %get3A_153 = tpu.vector_load %arg10[%get3A_152] {strides = array<i32>} : memref<2560xf32, #tpu.memory_space<vmem>>, vector<16xf32>,
      %get3A_154 = vector.shape_cast %get3A_153 : vector<16xf32> to vector<16xf32>
      %add3A_155 = arith.addf %get3A_151, %get3A_154 : vector<16xf32>
      %max3A_156 = arith.constant 1.000000e+00 : f32
      %max3A_157 = vector.broadcast %max3A_156 : f32 to vector<16xf32>
      %max3A_158 = arith.maximumf %add3A_155, %max3A_157 : vector<16xf32>
      %div3A_159 = arith.divf %add3A_148, %max3A_158 : vector<16xf32>
      %swap3A_160 = arith.index_cast %mul3A_141 : i32 to index
      %swap3A_161 = tpu.vector_load %arg11[%swap3A_160] {strides = array<i32>} : memref<2560xf32, #tpu.memory_space<vmem>>, vector<16xf32>,
      %swap3A_162 = vector.shape_cast %swap3A_161 : vector<16xf32> to vector<16xf32>
      %swap3A_163 = vector.shape_cast %div3A_159 : vector<16xf32> to vector<16xf32>
      tpu.vector_store %arg11[%swap3A_160], %swap3A_163 {strides = array<i32>} : memref<2560xf32, #tpu.memory_space<vmem>>, vector<16xf32>,
    }
    %scan3A_56 = arith.constant 160 : i32
    "tpu.region"() ({
      %run_scoped3A = tpu.sem_alloc : memref<!tpu.dma_semaphore, #tpu.memory_space<semaphore_mem>>
      %dma_start3A_65 = arith.constant 0 : i32
      %dma_start3A_66 = tpu.memref_slice %arg18[%dma_start3A_65] : memref<5120xf32, #tpu.memory_space<vmem_shared>> -> memref<5120xf32, #tpu.memory_space<vmem_shared>>
      tpu.enqueue_indirect_dma source(%arg11 : memref<2560xf32, #tpu.memory_space<vmem>>) target(%dma_start3A_66 : memref<5120xf32, #tpu.memory_space<vmem_shared>>) offsets(%arg12 : memref<2560xi32, #tpu.memory_space<vmem>>) semaphore(%run_scoped3A : memref<!tpu.dma_semaphore, #tpu.memory_space<semaphore_mem>>) {add = true}
      %dma_wait3A_67 = arith.constant 0 : i32
      %dma_wait3A_68 = tpu.memref_slice %arg18[%dma_wait3A_67] : memref<5120xf32, #tpu.memory_space<vmem_shared>> -> memref<5120xf32, #tpu.memory_space<vmem_shared>>
      tpu.wait_indirect_dma semaphore(%run_scoped3A : memref<!tpu.dma_semaphore, #tpu.memory_space<semaphore_mem>>) src(%arg11 : memref<2560xf32, #tpu.memory_space<vmem>>) dst(%dma_wait3A_68 : memref<5120xf32, #tpu.memory_space<vmem_shared>>)
      tpu.yield
    }) : () -> ()
    "tpu.region"() ({
      %run_scoped3A = tpu.sem_alloc : memref<!tpu.dma_semaphore, #tpu.memory_space<semaphore_mem>>
      %dma_start3A_65 = tpu.memref_slice %arg18[%mul3A_31] : memref<5120xf32, #tpu.memory_space<vmem_shared>> -> memref<320xf32, #tpu.memory_space<vmem_shared>>
      %dma_start3A_66 = tpu.memref_slice %arg18[%mul3A_31] : memref<5120xf32, #tpu.memory_space<vmem_shared>> -> memref<320xf32, #tpu.memory_space<vmem_shared>>
      tpu.enqueue_dma source(%dma_start3A_66 : memref<320xf32, #tpu.memory_space<vmem_shared>>) target(%arg13 : memref<320xf32, #tpu.memory_space<vmem>>) target_semaphore(%run_scoped3A : memref<!tpu.dma_semaphore, #tpu.memory_space<semaphore_mem>>)
      %dma_wait3A_67 = tpu.memref_slice %arg18[%mul3A_31] : memref<5120xf32, #tpu.memory_space<vmem_shared>> -> memref<320xf32, #tpu.memory_space<vmem_shared>>
      %dma_wait3A_68 = tpu.memref_slice %arg18[%mul3A_31] : memref<5120xf32, #tpu.memory_space<vmem_shared>> -> memref<320xf32, #tpu.memory_space<vmem_shared>>
      tpu.wait_dma2 semaphore(%run_scoped3A : memref<!tpu.dma_semaphore, #tpu.memory_space<semaphore_mem>>) src(%dma_wait3A_68 : memref<320xf32, #tpu.memory_space<vmem_shared>>) dst(%arg13 : memref<320xf32, #tpu.memory_space<vmem>>)
      tpu.yield
    }) : () -> ()
    %dma_wait3A_57 = arith.constant 0 : i32
    %dma_wait3A_58 = tpu.memref_slice %arg4[%dma_wait3A_57] : memref<1280000xf32, #tpu.memory_space<hbm>> -> memref<1280000xf32, #tpu.memory_space<hbm>>
    tpu.wait_indirect_dma semaphore(%arg19 : memref<!tpu.dma_semaphore, #tpu.memory_space<semaphore_mem>>) src(%dma_wait3A_58 : memref<1280000xf32, #tpu.memory_space<hbm>>) dst(%arg16 : memref<320xf32, #tpu.memory_space<vmem>>)
    %scan3A_59 = arith.constant 0 : i32
    %scan3A_60 = arith.constant 0 : i32
    %scan3A_61 = arith.constant 20 : i32
    %scan3A_62 = arith.addi %scan3A_60, %scan3A_61 : i32
    %scan3A_63 = arith.constant 4 : i32
    scf.for %scan3A_65 = %scan3A_60 to %scan3A_62 step %scan3A_63  : i32 {
      %mul3A_66 = arith.constant 16 : i32
      %mul3A_67 = arith.muli %scan3A_65, %mul3A_66 : i32
      %get3A = arith.index_cast %mul3A_67 : i32 to index
      %get3A_68 = tpu.vector_load %arg13[%get3A] {strides = array<i32>} : memref<320xf32, #tpu.memory_space<vmem>>, vector<16xf32>,
      %get3A_69 = vector.shape_cast %get3A_68 : vector<16xf32> to vector<16xf32>
      %get3A_70 = arith.index_cast %mul3A_67 : i32 to index
      %get3A_71 = tpu.vector_load %arg16[%get3A_70] {strides = array<i32>} : memref<320xf32, #tpu.memory_space<vmem>>, vector<16xf32>,
      %get3A_72 = vector.shape_cast %get3A_71 : vector<16xf32> to vector<16xf32>
      %add3A_73 = arith.addf %get3A_69, %get3A_72 : vector<16xf32>
      %get3A_74 = arith.constant 0 : index
      %get3A_75 = tpu.vector_load %arg17[%get3A_74] {strides = array<i32>} : memref<16xf32, #tpu.memory_space<vmem>>, vector<16xf32>,
      %get3A_76 = vector.shape_cast %get3A_75 : vector<16xf32> to vector<16xf32>
      %add3A_77 = arith.addf %add3A_73, %get3A_76 : vector<16xf32>
      %abs3A = math.absf %add3A_77 : vector<16xf32>
      %mul3A_78 = arith.constant -2.000000e+00 : f32
      %mul3A_79 = vector.broadcast %mul3A_78 : f32 to vector<16xf32>
      %mul3A_80 = arith.mulf %mul3A_79, %abs3A : vector<16xf32>
      %exp3A = math.exp %mul3A_80 : vector<16xf32>
      %sub3A = arith.constant 1.000000e+00 : f32
      %sub3A_81 = vector.broadcast %sub3A : f32 to vector<16xf32>
      %sub3A_82 = arith.subf %sub3A_81, %exp3A : vector<16xf32>
      %add3A_83 = arith.constant 1.000000e+00 : f32
      %add3A_84 = vector.broadcast %add3A_83 : f32 to vector<16xf32>
      %add3A_85 = arith.addf %add3A_84, %exp3A : vector<16xf32>
      %div3A = arith.divf %sub3A_82, %add3A_85 : vector<16xf32>
      %lt3A = arith.constant 0.000000e+00 : f32
      %lt3A_86 = vector.broadcast %lt3A : f32 to vector<16xf32>
      %lt3A_87 = arith.cmpf olt, %add3A_77, %lt3A_86 : vector<16xf32>
      %neg3A = arith.constant 0.000000e+00 : f32
      %neg3A_88 = vector.broadcast %neg3A : f32 to vector<16xf32>
      %neg3A_89 = arith.subf %neg3A_88, %div3A : vector<16xf32>
      %select_n3A = arith.select %lt3A_87, %neg3A_89, %div3A : vector<16xi1>, vector<16xf32>
      %swap3A = arith.index_cast %mul3A_67 : i32 to index
      %swap3A_90 = tpu.vector_load %arg13[%swap3A] {strides = array<i32>} : memref<320xf32, #tpu.memory_space<vmem>>, vector<16xf32>,
      %swap3A_91 = vector.shape_cast %swap3A_90 : vector<16xf32> to vector<16xf32>
      %swap3A_92 = vector.shape_cast %select_n3A : vector<16xf32> to vector<16xf32>
      tpu.vector_store %arg13[%swap3A], %swap3A_92 {strides = array<i32>} : memref<320xf32, #tpu.memory_space<vmem>>, vector<16xf32>,
      %scan3A_93 = arith.constant 1 : i32
      %scan3A_94 = arith.addi %scan3A_65, %scan3A_93 : i32
      %mul3A_95 = arith.constant 16 : i32
      %mul3A_96 = arith.muli %scan3A_94, %mul3A_95 : i32
      %get3A_97 = arith.index_cast %mul3A_96 : i32 to index
      %get3A_98 = tpu.vector_load %arg13[%get3A_97] {strides = array<i32>} : memref<320xf32, #tpu.memory_space<vmem>>, vector<16xf32>,
      %get3A_99 = vector.shape_cast %get3A_98 : vector<16xf32> to vector<16xf32>
      %get3A_100 = arith.index_cast %mul3A_96 : i32 to index
      %get3A_101 = tpu.vector_load %arg16[%get3A_100] {strides = array<i32>} : memref<320xf32, #tpu.memory_space<vmem>>, vector<16xf32>,
      %get3A_102 = vector.shape_cast %get3A_101 : vector<16xf32> to vector<16xf32>
      %add3A_103 = arith.addf %get3A_99, %get3A_102 : vector<16xf32>
      %get3A_104 = arith.constant 0 : index
      %get3A_105 = tpu.vector_load %arg17[%get3A_104] {strides = array<i32>} : memref<16xf32, #tpu.memory_space<vmem>>, vector<16xf32>,
      %get3A_106 = vector.shape_cast %get3A_105 : vector<16xf32> to vector<16xf32>
      %add3A_107 = arith.addf %add3A_103, %get3A_106 : vector<16xf32>
      %abs3A_108 = math.absf %add3A_107 : vector<16xf32>
      %mul3A_109 = arith.constant -2.000000e+00 : f32
      %mul3A_110 = vector.broadcast %mul3A_109 : f32 to vector<16xf32>
      %mul3A_111 = arith.mulf %mul3A_110, %abs3A_108 : vector<16xf32>
      %exp3A_112 = math.exp %mul3A_111 : vector<16xf32>
      %sub3A_113 = arith.constant 1.000000e+00 : f32
      %sub3A_114 = vector.broadcast %sub3A_113 : f32 to vector<16xf32>
      %sub3A_115 = arith.subf %sub3A_114, %exp3A_112 : vector<16xf32>
      %add3A_116 = arith.constant 1.000000e+00 : f32
      %add3A_117 = vector.broadcast %add3A_116 : f32 to vector<16xf32>
      %add3A_118 = arith.addf %add3A_117, %exp3A_112 : vector<16xf32>
      %div3A_119 = arith.divf %sub3A_115, %add3A_118 : vector<16xf32>
      %lt3A_120 = arith.constant 0.000000e+00 : f32
      %lt3A_121 = vector.broadcast %lt3A_120 : f32 to vector<16xf32>
      %lt3A_122 = arith.cmpf olt, %add3A_107, %lt3A_121 : vector<16xf32>
      %neg3A_123 = arith.constant 0.000000e+00 : f32
      %neg3A_124 = vector.broadcast %neg3A_123 : f32 to vector<16xf32>
      %neg3A_125 = arith.subf %neg3A_124, %div3A_119 : vector<16xf32>
      %select_n3A_126 = arith.select %lt3A_122, %neg3A_125, %div3A_119 : vector<16xi1>, vector<16xf32>
      %swap3A_127 = arith.index_cast %mul3A_96 : i32 to index
      %swap3A_128 = tpu.vector_load %arg13[%swap3A_127] {strides = array<i32>} : memref<320xf32, #tpu.memory_space<vmem>>, vector<16xf32>,
      %swap3A_129 = vector.shape_cast %swap3A_128 : vector<16xf32> to vector<16xf32>
      %swap3A_130 = vector.shape_cast %select_n3A_126 : vector<16xf32> to vector<16xf32>
      tpu.vector_store %arg13[%swap3A_127], %swap3A_130 {strides = array<i32>} : memref<320xf32, #tpu.memory_space<vmem>>, vector<16xf32>,
      %scan3A_131 = arith.constant 2 : i32
      %scan3A_132 = arith.addi %scan3A_65, %scan3A_131 : i32
      %mul3A_133 = arith.constant 16 : i32
      %mul3A_134 = arith.muli %scan3A_132, %mul3A_133 : i32
      %get3A_135 = arith.index_cast %mul3A_134 : i32 to index
      %get3A_136 = tpu.vector_load %arg13[%get3A_135] {strides = array<i32>} : memref<320xf32, #tpu.memory_space<vmem>>, vector<16xf32>,
      %get3A_137 = vector.shape_cast %get3A_136 : vector<16xf32> to vector<16xf32>
      %get3A_138 = arith.index_cast %mul3A_134 : i32 to index
      %get3A_139 = tpu.vector_load %arg16[%get3A_138] {strides = array<i32>} : memref<320xf32, #tpu.memory_space<vmem>>, vector<16xf32>,
      %get3A_140 = vector.shape_cast %get3A_139 : vector<16xf32> to vector<16xf32>
      %add3A_141 = arith.addf %get3A_137, %get3A_140 : vector<16xf32>
      %get3A_142 = arith.constant 0 : index
      %get3A_143 = tpu.vector_load %arg17[%get3A_142] {strides = array<i32>} : memref<16xf32, #tpu.memory_space<vmem>>, vector<16xf32>,
      %get3A_144 = vector.shape_cast %get3A_143 : vector<16xf32> to vector<16xf32>
      %add3A_145 = arith.addf %add3A_141, %get3A_144 : vector<16xf32>
      %abs3A_146 = math.absf %add3A_145 : vector<16xf32>
      %mul3A_147 = arith.constant -2.000000e+00 : f32
      %mul3A_148 = vector.broadcast %mul3A_147 : f32 to vector<16xf32>
      %mul3A_149 = arith.mulf %mul3A_148, %abs3A_146 : vector<16xf32>
      %exp3A_150 = math.exp %mul3A_149 : vector<16xf32>
      %sub3A_151 = arith.constant 1.000000e+00 : f32
      %sub3A_152 = vector.broadcast %sub3A_151 : f32 to vector<16xf32>
      %sub3A_153 = arith.subf %sub3A_152, %exp3A_150 : vector<16xf32>
      %add3A_154 = arith.constant 1.000000e+00 : f32
      %add3A_155 = vector.broadcast %add3A_154 : f32 to vector<16xf32>
      %add3A_156 = arith.addf %add3A_155, %exp3A_150 : vector<16xf32>
      %div3A_157 = arith.divf %sub3A_153, %add3A_156 : vector<16xf32>
      %lt3A_158 = arith.constant 0.000000e+00 : f32
      %lt3A_159 = vector.broadcast %lt3A_158 : f32 to vector<16xf32>
      %lt3A_160 = arith.cmpf olt, %add3A_145, %lt3A_159 : vector<16xf32>
      %neg3A_161 = arith.constant 0.000000e+00 : f32
      %neg3A_162 = vector.broadcast %neg3A_161 : f32 to vector<16xf32>
      %neg3A_163 = arith.subf %neg3A_162, %div3A_157 : vector<16xf32>
      %select_n3A_164 = arith.select %lt3A_160, %neg3A_163, %div3A_157 : vector<16xi1>, vector<16xf32>
      %swap3A_165 = arith.index_cast %mul3A_134 : i32 to index
      %swap3A_166 = tpu.vector_load %arg13[%swap3A_165] {strides = array<i32>} : memref<320xf32, #tpu.memory_space<vmem>>, vector<16xf32>,
      %swap3A_167 = vector.shape_cast %swap3A_166 : vector<16xf32> to vector<16xf32>
      %swap3A_168 = vector.shape_cast %select_n3A_164 : vector<16xf32> to vector<16xf32>
      tpu.vector_store %arg13[%swap3A_165], %swap3A_168 {strides = array<i32>} : memref<320xf32, #tpu.memory_space<vmem>>, vector<16xf32>,
      %scan3A_169 = arith.constant 3 : i32
      %scan3A_170 = arith.addi %scan3A_65, %scan3A_169 : i32
      %mul3A_171 = arith.constant 16 : i32
      %mul3A_172 = arith.muli %scan3A_170, %mul3A_171 : i32
      %get3A_173 = arith.index_cast %mul3A_172 : i32 to index
      %get3A_174 = tpu.vector_load %arg13[%get3A_173] {strides = array<i32>} : memref<320xf32, #tpu.memory_space<vmem>>, vector<16xf32>,
      %get3A_175 = vector.shape_cast %get3A_174 : vector<16xf32> to vector<16xf32>
      %get3A_176 = arith.index_cast %mul3A_172 : i32 to index
      %get3A_177 = tpu.vector_load %arg16[%get3A_176] {strides = array<i32>} : memref<320xf32, #tpu.memory_space<vmem>>, vector<16xf32>,
      %get3A_178 = vector.shape_cast %get3A_177 : vector<16xf32> to vector<16xf32>
      %add3A_179 = arith.addf %get3A_175, %get3A_178 : vector<16xf32>
      %get3A_180 = arith.constant 0 : index
      %get3A_181 = tpu.vector_load %arg17[%get3A_180] {strides = array<i32>} : memref<16xf32, #tpu.memory_space<vmem>>, vector<16xf32>,
      %get3A_182 = vector.shape_cast %get3A_181 : vector<16xf32> to vector<16xf32>
      %add3A_183 = arith.addf %add3A_179, %get3A_182 : vector<16xf32>
      %abs3A_184 = math.absf %add3A_183 : vector<16xf32>
      %mul3A_185 = arith.constant -2.000000e+00 : f32
      %mul3A_186 = vector.broadcast %mul3A_185 : f32 to vector<16xf32>
      %mul3A_187 = arith.mulf %mul3A_186, %abs3A_184 : vector<16xf32>
      %exp3A_188 = math.exp %mul3A_187 : vector<16xf32>
      %sub3A_189 = arith.constant 1.000000e+00 : f32
      %sub3A_190 = vector.broadcast %sub3A_189 : f32 to vector<16xf32>
      %sub3A_191 = arith.subf %sub3A_190, %exp3A_188 : vector<16xf32>
      %add3A_192 = arith.constant 1.000000e+00 : f32
      %add3A_193 = vector.broadcast %add3A_192 : f32 to vector<16xf32>
      %add3A_194 = arith.addf %add3A_193, %exp3A_188 : vector<16xf32>
      %div3A_195 = arith.divf %sub3A_191, %add3A_194 : vector<16xf32>
      %lt3A_196 = arith.constant 0.000000e+00 : f32
      %lt3A_197 = vector.broadcast %lt3A_196 : f32 to vector<16xf32>
      %lt3A_198 = arith.cmpf olt, %add3A_183, %lt3A_197 : vector<16xf32>
      %neg3A_199 = arith.constant 0.000000e+00 : f32
      %neg3A_200 = vector.broadcast %neg3A_199 : f32 to vector<16xf32>
      %neg3A_201 = arith.subf %neg3A_200, %div3A_195 : vector<16xf32>
      %select_n3A_202 = arith.select %lt3A_198, %neg3A_201, %div3A_195 : vector<16xi1>, vector<16xf32>
      %swap3A_203 = arith.index_cast %mul3A_172 : i32 to index
      %swap3A_204 = tpu.vector_load %arg13[%swap3A_203] {strides = array<i32>} : memref<320xf32, #tpu.memory_space<vmem>>, vector<16xf32>,
      %swap3A_205 = vector.shape_cast %swap3A_204 : vector<16xf32> to vector<16xf32>
      %swap3A_206 = vector.shape_cast %select_n3A_202 : vector<16xf32> to vector<16xf32>
      tpu.vector_store %arg13[%swap3A_203], %swap3A_206 {strides = array<i32>} : memref<320xf32, #tpu.memory_space<vmem>>, vector<16xf32>,
    }
    %scan3A_64 = arith.constant 20 : i32
    "tpu.region"() ({
      %run_scoped3A = tpu.sem_alloc : memref<!tpu.dma_semaphore, #tpu.memory_space<semaphore_mem>>
      %dma_start3A_65 = tpu.memref_slice %arg6[%min3A_3] : memref<10000xf32, #tpu.memory_space<hbm>> -> memref<320xf32, #tpu.memory_space<hbm>>
      %dma_start3A_66 = tpu.memref_slice %arg6[%min3A_3] : memref<10000xf32, #tpu.memory_space<hbm>> -> memref<320xf32, #tpu.memory_space<hbm>>
      tpu.enqueue_dma source(%arg13 : memref<320xf32, #tpu.memory_space<vmem>>) target(%dma_start3A_66 : memref<320xf32, #tpu.memory_space<hbm>>) target_semaphore(%run_scoped3A : memref<!tpu.dma_semaphore, #tpu.memory_space<semaphore_mem>>)
      %dma_wait3A_67 = tpu.memref_slice %arg6[%min3A_3] : memref<10000xf32, #tpu.memory_space<hbm>> -> memref<320xf32, #tpu.memory_space<hbm>>
      %dma_wait3A_68 = tpu.memref_slice %arg6[%min3A_3] : memref<10000xf32, #tpu.memory_space<hbm>> -> memref<320xf32, #tpu.memory_space<hbm>>
      tpu.wait_dma2 semaphore(%run_scoped3A : memref<!tpu.dma_semaphore, #tpu.memory_space<semaphore_mem>>) src(%arg13 : memref<320xf32, #tpu.memory_space<vmem>>) dst(%dma_wait3A_68 : memref<320xf32, #tpu.memory_space<hbm>>)
      tpu.yield
    }) : () -> ()
    return
  }
}

#map = affine_map<(d0, d1) -> (0)>
module attributes {stable_mosaic.version = 14 : i64} {
  func.func @_sc_counts(%arg0: i32, %arg1: i32, %arg2: memref<320000xi32, #tpu.memory_space<hbm>>, %arg3: memref<320000xi32, #tpu.memory_space<hbm>>, %arg4: memref<320000xi32, #tpu.memory_space<hbm>>, %arg5: memref<160000xf32, #tpu.memory_space<hbm>>, %arg6: memref<320000xi32, #tpu.memory_space<hbm>>, %arg7: memref<320000xi32, #tpu.memory_space<hbm>>, %arg8: memref<10000xi32, #tpu.memory_space<vmem>>, %arg9: memref<10000xi32, #tpu.memory_space<vmem>>, %arg10: memref<10000xi32, #tpu.memory_space<vmem>>, %arg11: memref<10000xf32, #tpu.memory_space<vmem>>, %arg12: memref<5008xf32, #tpu.memory_space<vmem>>, %arg13: memref<80000xf32, #tpu.memory_space<vmem_shared>>, %arg14: memref<!tpu.dma_semaphore, #tpu.memory_space<semaphore_mem>>, %arg15: memref<!tpu.dma_semaphore, #tpu.memory_space<semaphore_mem>>) attributes {dimension_semantics = [#tpu.dimension_semantics<core_parallel>, #tpu.dimension_semantics<subcore_parallel>], iteration_bounds = array<i64: 2, 16>, scalar_prefetch = 0 : i64, scratch_operands = 8 : i64, tpu.core_type = #tpu.core_type<sc_vector_subcore>, window_params = [{transform_indices = #map}, {transform_indices = #map}, {transform_indices = #map}, {transform_indices = #map}, {transform_indices = #map}, {transform_indices = #map}]} {
    %mul3A = arith.constant 2 : i32
    %mul3A_0 = arith.muli %arg1, %mul3A : i32
    %add3A = arith.addi %mul3A_0, %arg0 : i32
    %mul3A_1 = arith.constant 10000 : i32
    %mul3A_2 = arith.muli %add3A, %mul3A_1 : i32
    %dma_start3A = tpu.memref_slice %arg2[%mul3A_2] : memref<320000xi32, #tpu.memory_space<hbm>> -> memref<10000xi32, #tpu.memory_space<hbm>>
    %dma_start3A_3 = tpu.memref_slice %arg2[%mul3A_2] : memref<320000xi32, #tpu.memory_space<hbm>> -> memref<10000xi32, #tpu.memory_space<hbm>>
    tpu.enqueue_dma source(%dma_start3A_3 : memref<10000xi32, #tpu.memory_space<hbm>>) target(%arg8 : memref<10000xi32, #tpu.memory_space<vmem>>) target_semaphore(%arg15 : memref<!tpu.dma_semaphore, #tpu.memory_space<semaphore_mem>>)
    %dma_start3A_4 = tpu.memref_slice %arg3[%mul3A_2] : memref<320000xi32, #tpu.memory_space<hbm>> -> memref<10000xi32, #tpu.memory_space<hbm>>
    %dma_start3A_5 = tpu.memref_slice %arg3[%mul3A_2] : memref<320000xi32, #tpu.memory_space<hbm>> -> memref<10000xi32, #tpu.memory_space<hbm>>
    tpu.enqueue_dma source(%dma_start3A_5 : memref<10000xi32, #tpu.memory_space<hbm>>) target(%arg9 : memref<10000xi32, #tpu.memory_space<vmem>>) target_semaphore(%arg15 : memref<!tpu.dma_semaphore, #tpu.memory_space<semaphore_mem>>)
    %dma_start3A_6 = tpu.memref_slice %arg4[%mul3A_2] : memref<320000xi32, #tpu.memory_space<hbm>> -> memref<10000xi32, #tpu.memory_space<hbm>>
    %dma_start3A_7 = tpu.memref_slice %arg4[%mul3A_2] : memref<320000xi32, #tpu.memory_space<hbm>> -> memref<10000xi32, #tpu.memory_space<hbm>>
    tpu.enqueue_dma source(%dma_start3A_7 : memref<10000xi32, #tpu.memory_space<hbm>>) target(%arg10 : memref<10000xi32, #tpu.memory_space<vmem>>) target_semaphore(%arg15 : memref<!tpu.dma_semaphore, #tpu.memory_space<semaphore_mem>>)
    %scan3A = arith.constant 0 : i32
    %scan3A_8 = arith.constant 0 : i32
    %scan3A_9 = arith.constant 312 : i32
    %scan3A_10 = arith.addi %scan3A_8, %scan3A_9 : i32
    %scan3A_11 = arith.constant 4 : i32
    scf.for %scan3A_107 = %scan3A_8 to %scan3A_10 step %scan3A_11  : i32 {
      %broadcast_in_dim3A_108 = arith.constant 0.000000e+00 : f32
      %broadcast_in_dim3A_109 = vector.broadcast %broadcast_in_dim3A_108 : f32 to vector<16xf32>
      %mul3A_110 = arith.constant 16 : i32
      %mul3A_111 = arith.muli %scan3A_107, %mul3A_110 : i32
      %swap3A_112 = arith.index_cast %mul3A_111 : i32 to index
      %swap3A_113 = tpu.vector_load %arg12[%swap3A_112] {strides = array<i32>} : memref<5008xf32, #tpu.memory_space<vmem>>, vector<16xf32>,
      %swap3A_114 = vector.shape_cast %swap3A_113 : vector<16xf32> to vector<16xf32>
      %swap3A_115 = vector.shape_cast %broadcast_in_dim3A_109 : vector<16xf32> to vector<16xf32>
      tpu.vector_store %arg12[%swap3A_112], %swap3A_115 {strides = array<i32>} : memref<5008xf32, #tpu.memory_space<vmem>>, vector<16xf32>,
      %scan3A_116 = arith.constant 1 : i32
      %scan3A_117 = arith.addi %scan3A_107, %scan3A_116 : i32
      %broadcast_in_dim3A_118 = arith.constant 0.000000e+00 : f32
      %broadcast_in_dim3A_119 = vector.broadcast %broadcast_in_dim3A_118 : f32 to vector<16xf32>
      %mul3A_120 = arith.constant 16 : i32
      %mul3A_121 = arith.muli %scan3A_117, %mul3A_120 : i32
      %swap3A_122 = arith.index_cast %mul3A_121 : i32 to index
      %swap3A_123 = tpu.vector_load %arg12[%swap3A_122] {strides = array<i32>} : memref<5008xf32, #tpu.memory_space<vmem>>, vector<16xf32>,
      %swap3A_124 = vector.shape_cast %swap3A_123 : vector<16xf32> to vector<16xf32>
      %swap3A_125 = vector.shape_cast %broadcast_in_dim3A_119 : vector<16xf32> to vector<16xf32>
      tpu.vector_store %arg12[%swap3A_122], %swap3A_125 {strides = array<i32>} : memref<5008xf32, #tpu.memory_space<vmem>>, vector<16xf32>,
      %scan3A_126 = arith.constant 2 : i32
      %scan3A_127 = arith.addi %scan3A_107, %scan3A_126 : i32
      %broadcast_in_dim3A_128 = arith.constant 0.000000e+00 : f32
      %broadcast_in_dim3A_129 = vector.broadcast %broadcast_in_dim3A_128 : f32 to vector<16xf32>
      %mul3A_130 = arith.constant 16 : i32
      %mul3A_131 = arith.muli %scan3A_127, %mul3A_130 : i32
      %swap3A_132 = arith.index_cast %mul3A_131 : i32 to index
      %swap3A_133 = tpu.vector_load %arg12[%swap3A_132] {strides = array<i32>} : memref<5008xf32, #tpu.memory_space<vmem>>, vector<16xf32>,
      %swap3A_134 = vector.shape_cast %swap3A_133 : vector<16xf32> to vector<16xf32>
      %swap3A_135 = vector.shape_cast %broadcast_in_dim3A_129 : vector<16xf32> to vector<16xf32>
      tpu.vector_store %arg12[%swap3A_132], %swap3A_135 {strides = array<i32>} : memref<5008xf32, #tpu.memory_space<vmem>>, vector<16xf32>,
      %scan3A_136 = arith.constant 3 : i32
      %scan3A_137 = arith.addi %scan3A_107, %scan3A_136 : i32
      %broadcast_in_dim3A_138 = arith.constant 0.000000e+00 : f32
      %broadcast_in_dim3A_139 = vector.broadcast %broadcast_in_dim3A_138 : f32 to vector<16xf32>
      %mul3A_140 = arith.constant 16 : i32
      %mul3A_141 = arith.muli %scan3A_137, %mul3A_140 : i32
      %swap3A_142 = arith.index_cast %mul3A_141 : i32 to index
      %swap3A_143 = tpu.vector_load %arg12[%swap3A_142] {strides = array<i32>} : memref<5008xf32, #tpu.memory_space<vmem>>, vector<16xf32>,
      %swap3A_144 = vector.shape_cast %swap3A_143 : vector<16xf32> to vector<16xf32>
      %swap3A_145 = vector.shape_cast %broadcast_in_dim3A_139 : vector<16xf32> to vector<16xf32>
      tpu.vector_store %arg12[%swap3A_142], %swap3A_145 {strides = array<i32>} : memref<5008xf32, #tpu.memory_space<vmem>>, vector<16xf32>,
    }
    %scan3A_12 = arith.constant 312 : i32
    %scan3A_13 = arith.addi %scan3A_8, %scan3A_12 : i32
    %broadcast_in_dim3A = arith.constant 0.000000e+00 : f32
    %broadcast_in_dim3A_14 = vector.broadcast %broadcast_in_dim3A : f32 to vector<16xf32>
    %mul3A_15 = arith.constant 16 : i32
    %mul3A_16 = arith.muli %scan3A_13, %mul3A_15 : i32
    %swap3A = arith.index_cast %mul3A_16 : i32 to index
    %swap3A_17 = tpu.vector_load %arg12[%swap3A] {strides = array<i32>} : memref<5008xf32, #tpu.memory_space<vmem>>, vector<16xf32>,
    %swap3A_18 = vector.shape_cast %swap3A_17 : vector<16xf32> to vector<16xf32>
    %swap3A_19 = vector.shape_cast %broadcast_in_dim3A_14 : vector<16xf32> to vector<16xf32>
    tpu.vector_store %arg12[%swap3A], %swap3A_19 {strides = array<i32>} : memref<5008xf32, #tpu.memory_space<vmem>>, vector<16xf32>,
    %scan3A_20 = arith.constant 313 : i32
    %scan3A_21 = arith.constant 0 : i32
    %scan3A_22 = arith.constant 0 : i32
    %scan3A_23 = arith.constant 624 : i32
    %scan3A_24 = arith.addi %scan3A_22, %scan3A_23 : i32
    %scan3A_25 = arith.constant 4 : i32
    scf.for %scan3A_107 = %scan3A_22 to %scan3A_24 step %scan3A_25  : i32 {
      %broadcast_in_dim3A_108 = arith.constant 1.000000e+00 : f32
      %broadcast_in_dim3A_109 = vector.broadcast %broadcast_in_dim3A_108 : f32 to vector<16xf32>
      %mul3A_110 = arith.constant 16 : i32
      %mul3A_111 = arith.muli %scan3A_107, %mul3A_110 : i32
      %swap3A_112 = arith.index_cast %mul3A_111 : i32 to index
      %swap3A_113 = tpu.vector_load %arg11[%swap3A_112] {strides = array<i32>} : memref<10000xf32, #tpu.memory_space<vmem>>, vector<16xf32>,
      %swap3A_114 = vector.shape_cast %swap3A_113 : vector<16xf32> to vector<16xf32>
      %swap3A_115 = vector.shape_cast %broadcast_in_dim3A_109 : vector<16xf32> to vector<16xf32>
      tpu.vector_store %arg11[%swap3A_112], %swap3A_115 {strides = array<i32>} : memref<10000xf32, #tpu.memory_space<vmem>>, vector<16xf32>,
      %scan3A_116 = arith.constant 1 : i32
      %scan3A_117 = arith.addi %scan3A_107, %scan3A_116 : i32
      %broadcast_in_dim3A_118 = arith.constant 1.000000e+00 : f32
      %broadcast_in_dim3A_119 = vector.broadcast %broadcast_in_dim3A_118 : f32 to vector<16xf32>
      %mul3A_120 = arith.constant 16 : i32
      %mul3A_121 = arith.muli %scan3A_117, %mul3A_120 : i32
      %swap3A_122 = arith.index_cast %mul3A_121 : i32 to index
      %swap3A_123 = tpu.vector_load %arg11[%swap3A_122] {strides = array<i32>} : memref<10000xf32, #tpu.memory_space<vmem>>, vector<16xf32>,
      %swap3A_124 = vector.shape_cast %swap3A_123 : vector<16xf32> to vector<16xf32>
      %swap3A_125 = vector.shape_cast %broadcast_in_dim3A_119 : vector<16xf32> to vector<16xf32>
      tpu.vector_store %arg11[%swap3A_122], %swap3A_125 {strides = array<i32>} : memref<10000xf32, #tpu.memory_space<vmem>>, vector<16xf32>,
      %scan3A_126 = arith.constant 2 : i32
      %scan3A_127 = arith.addi %scan3A_107, %scan3A_126 : i32
      %broadcast_in_dim3A_128 = arith.constant 1.000000e+00 : f32
      %broadcast_in_dim3A_129 = vector.broadcast %broadcast_in_dim3A_128 : f32 to vector<16xf32>
      %mul3A_130 = arith.constant 16 : i32
      %mul3A_131 = arith.muli %scan3A_127, %mul3A_130 : i32
      %swap3A_132 = arith.index_cast %mul3A_131 : i32 to index
      %swap3A_133 = tpu.vector_load %arg11[%swap3A_132] {strides = array<i32>} : memref<10000xf32, #tpu.memory_space<vmem>>, vector<16xf32>,
      %swap3A_134 = vector.shape_cast %swap3A_133 : vector<16xf32> to vector<16xf32>
      %swap3A_135 = vector.shape_cast %broadcast_in_dim3A_129 : vector<16xf32> to vector<16xf32>
      tpu.vector_store %arg11[%swap3A_132], %swap3A_135 {strides = array<i32>} : memref<10000xf32, #tpu.memory_space<vmem>>, vector<16xf32>,
      %scan3A_136 = arith.constant 3 : i32
      %scan3A_137 = arith.addi %scan3A_107, %scan3A_136 : i32
      %broadcast_in_dim3A_138 = arith.constant 1.000000e+00 : f32
      %broadcast_in_dim3A_139 = vector.broadcast %broadcast_in_dim3A_138 : f32 to vector<16xf32>
      %mul3A_140 = arith.constant 16 : i32
      %mul3A_141 = arith.muli %scan3A_137, %mul3A_140 : i32
      %swap3A_142 = arith.index_cast %mul3A_141 : i32 to index
      %swap3A_143 = tpu.vector_load %arg11[%swap3A_142] {strides = array<i32>} : memref<10000xf32, #tpu.memory_space<vmem>>, vector<16xf32>,
      %swap3A_144 = vector.shape_cast %swap3A_143 : vector<16xf32> to vector<16xf32>
      %swap3A_145 = vector.shape_cast %broadcast_in_dim3A_139 : vector<16xf32> to vector<16xf32>
      tpu.vector_store %arg11[%swap3A_142], %swap3A_145 {strides = array<i32>} : memref<10000xf32, #tpu.memory_space<vmem>>, vector<16xf32>,
    }
    %scan3A_26 = arith.constant 624 : i32
    %scan3A_27 = arith.addi %scan3A_22, %scan3A_26 : i32
    %broadcast_in_dim3A_28 = arith.constant 1.000000e+00 : f32
    %broadcast_in_dim3A_29 = vector.broadcast %broadcast_in_dim3A_28 : f32 to vector<16xf32>
    %mul3A_30 = arith.constant 16 : i32
    %mul3A_31 = arith.muli %scan3A_27, %mul3A_30 : i32
    %swap3A_32 = arith.index_cast %mul3A_31 : i32 to index
    %swap3A_33 = tpu.vector_load %arg11[%swap3A_32] {strides = array<i32>} : memref<10000xf32, #tpu.memory_space<vmem>>, vector<16xf32>,
    %swap3A_34 = vector.shape_cast %swap3A_33 : vector<16xf32> to vector<16xf32>
    %swap3A_35 = vector.shape_cast %broadcast_in_dim3A_29 : vector<16xf32> to vector<16xf32>
    tpu.vector_store %arg11[%swap3A_32], %swap3A_35 {strides = array<i32>} : memref<10000xf32, #tpu.memory_space<vmem>>, vector<16xf32>,
    %scan3A_36 = arith.constant 625 : i32
    %mul3A_37 = arith.constant 5000 : i32
    %mul3A_38 = arith.muli %arg1, %mul3A_37 : i32
    "tpu.region"() ({
      %run_scoped3A = tpu.sem_alloc : memref<!tpu.dma_semaphore, #tpu.memory_space<semaphore_mem>>
      %dma_start3A_107 = arith.constant 0 : i32
      %dma_start3A_108 = tpu.memref_slice %arg12[%dma_start3A_107] : memref<5008xf32, #tpu.memory_space<vmem>> -> memref<5000xf32, #tpu.memory_space<vmem>>
      %dma_start3A_109 = tpu.memref_slice %arg13[%mul3A_38] : memref<80000xf32, #tpu.memory_space<vmem_shared>> -> memref<5000xf32, #tpu.memory_space<vmem_shared>>
      %dma_start3A_110 = tpu.memref_slice %arg13[%mul3A_38] : memref<80000xf32, #tpu.memory_space<vmem_shared>> -> memref<5000xf32, #tpu.memory_space<vmem_shared>>
      %dma_start3A_111 = arith.constant 0 : i32
      %dma_start3A_112 = tpu.memref_slice %arg12[%dma_start3A_111] : memref<5008xf32, #tpu.memory_space<vmem>> -> memref<5000xf32, #tpu.memory_space<vmem>>
      tpu.enqueue_dma source(%dma_start3A_112 : memref<5000xf32, #tpu.memory_space<vmem>>) target(%dma_start3A_110 : memref<5000xf32, #tpu.memory_space<vmem_shared>>) target_semaphore(%run_scoped3A : memref<!tpu.dma_semaphore, #tpu.memory_space<semaphore_mem>>)
      %dma_wait3A_113 = arith.constant 0 : i32
      %dma_wait3A_114 = tpu.memref_slice %arg12[%dma_wait3A_113] : memref<5008xf32, #tpu.memory_space<vmem>> -> memref<5000xf32, #tpu.memory_space<vmem>>
      %dma_wait3A_115 = tpu.memref_slice %arg13[%mul3A_38] : memref<80000xf32, #tpu.memory_space<vmem_shared>> -> memref<5000xf32, #tpu.memory_space<vmem_shared>>
      %dma_wait3A_116 = tpu.memref_slice %arg13[%mul3A_38] : memref<80000xf32, #tpu.memory_space<vmem_shared>> -> memref<5000xf32, #tpu.memory_space<vmem_shared>>
      %dma_wait3A_117 = arith.constant 0 : i32
      %dma_wait3A_118 = tpu.memref_slice %arg12[%dma_wait3A_117] : memref<5008xf32, #tpu.memory_space<vmem>> -> memref<5000xf32, #tpu.memory_space<vmem>>
      tpu.wait_dma2 semaphore(%run_scoped3A : memref<!tpu.dma_semaphore, #tpu.memory_space<semaphore_mem>>) src(%dma_wait3A_118 : memref<5000xf32, #tpu.memory_space<vmem>>) dst(%dma_wait3A_116 : memref<5000xf32, #tpu.memory_space<vmem_shared>>)
      tpu.yield
    }) : () -> ()
    %dma_wait3A = tpu.memref_slice %arg2[%mul3A_2] : memref<320000xi32, #tpu.memory_space<hbm>> -> memref<10000xi32, #tpu.memory_space<hbm>>
    %dma_wait3A_39 = tpu.memref_slice %arg2[%mul3A_2] : memref<320000xi32, #tpu.memory_space<hbm>> -> memref<10000xi32, #tpu.memory_space<hbm>>
    tpu.wait_dma2 semaphore(%arg15 : memref<!tpu.dma_semaphore, #tpu.memory_space<semaphore_mem>>) src(%dma_wait3A_39 : memref<10000xi32, #tpu.memory_space<hbm>>) dst(%arg8 : memref<10000xi32, #tpu.memory_space<vmem>>)
    %dma_wait3A_40 = tpu.memref_slice %arg3[%mul3A_2] : memref<320000xi32, #tpu.memory_space<hbm>> -> memref<10000xi32, #tpu.memory_space<hbm>>
    %dma_wait3A_41 = tpu.memref_slice %arg3[%mul3A_2] : memref<320000xi32, #tpu.memory_space<hbm>> -> memref<10000xi32, #tpu.memory_space<hbm>>
    tpu.wait_dma2 semaphore(%arg15 : memref<!tpu.dma_semaphore, #tpu.memory_space<semaphore_mem>>) src(%dma_wait3A_41 : memref<10000xi32, #tpu.memory_space<hbm>>) dst(%arg9 : memref<10000xi32, #tpu.memory_space<vmem>>)
    %dma_wait3A_42 = tpu.memref_slice %arg4[%mul3A_2] : memref<320000xi32, #tpu.memory_space<hbm>> -> memref<10000xi32, #tpu.memory_space<hbm>>
    %dma_wait3A_43 = tpu.memref_slice %arg4[%mul3A_2] : memref<320000xi32, #tpu.memory_space<hbm>> -> memref<10000xi32, #tpu.memory_space<hbm>>
    tpu.wait_dma2 semaphore(%arg15 : memref<!tpu.dma_semaphore, #tpu.memory_space<semaphore_mem>>) src(%dma_wait3A_43 : memref<10000xi32, #tpu.memory_space<hbm>>) dst(%arg10 : memref<10000xi32, #tpu.memory_space<vmem>>)
    %scan3A_44 = arith.constant 0 : i32
    %scan3A_45 = arith.constant 0 : i32
    %scan3A_46 = arith.constant 624 : i32
    %scan3A_47 = arith.addi %scan3A_45, %scan3A_46 : i32
    %scan3A_48 = arith.constant 4 : i32
    scf.for %scan3A_107 = %scan3A_45 to %scan3A_47 step %scan3A_48  : i32 {
      %mul3A_108 = arith.constant 16 : i32
      %mul3A_109 = arith.muli %scan3A_107, %mul3A_108 : i32
      %get3A_110 = arith.index_cast %mul3A_109 : i32 to index
      %get3A_111 = tpu.vector_load %arg9[%get3A_110] {strides = array<i32>} : memref<10000xi32, #tpu.memory_space<vmem>>, vector<16xi32>,
      %get3A_112 = vector.shape_cast %get3A_111 : vector<16xi32> to vector<16xi32>
      %mul3A_113 = arith.constant 8 : i32
      %mul3A_114 = vector.broadcast %mul3A_113 : i32 to vector<16xi32>
      %mul3A_115 = arith.muli %get3A_112, %mul3A_114 : vector<16xi32>
      %get3A_116 = arith.index_cast %mul3A_109 : i32 to index
      %get3A_117 = tpu.vector_load %arg10[%get3A_116] {strides = array<i32>} : memref<10000xi32, #tpu.memory_space<vmem>>, vector<16xi32>,
      %get3A_118 = vector.shape_cast %get3A_117 : vector<16xi32> to vector<16xi32>
      %add3A_119 = arith.addi %mul3A_115, %get3A_118 : vector<16xi32>
      %swap3A_120 = arith.index_cast %mul3A_109 : i32 to index
      %swap3A_121 = tpu.vector_load %arg9[%swap3A_120] {strides = array<i32>} : memref<10000xi32, #tpu.memory_space<vmem>>, vector<16xi32>,
      %swap3A_122 = vector.shape_cast %swap3A_121 : vector<16xi32> to vector<16xi32>
      %swap3A_123 = vector.shape_cast %add3A_119 : vector<16xi32> to vector<16xi32>
      tpu.vector_store %arg9[%swap3A_120], %swap3A_123 {strides = array<i32>} : memref<10000xi32, #tpu.memory_space<vmem>>, vector<16xi32>,
      %scan3A_124 = arith.constant 1 : i32
      %scan3A_125 = arith.addi %scan3A_107, %scan3A_124 : i32
      %mul3A_126 = arith.constant 16 : i32
      %mul3A_127 = arith.muli %scan3A_125, %mul3A_126 : i32
      %get3A_128 = arith.index_cast %mul3A_127 : i32 to index
      %get3A_129 = tpu.vector_load %arg9[%get3A_128] {strides = array<i32>} : memref<10000xi32, #tpu.memory_space<vmem>>, vector<16xi32>,
      %get3A_130 = vector.shape_cast %get3A_129 : vector<16xi32> to vector<16xi32>
      %mul3A_131 = arith.constant 8 : i32
      %mul3A_132 = vector.broadcast %mul3A_131 : i32 to vector<16xi32>
      %mul3A_133 = arith.muli %get3A_130, %mul3A_132 : vector<16xi32>
      %get3A_134 = arith.index_cast %mul3A_127 : i32 to index
      %get3A_135 = tpu.vector_load %arg10[%get3A_134] {strides = array<i32>} : memref<10000xi32, #tpu.memory_space<vmem>>, vector<16xi32>,
      %get3A_136 = vector.shape_cast %get3A_135 : vector<16xi32> to vector<16xi32>
      %add3A_137 = arith.addi %mul3A_133, %get3A_136 : vector<16xi32>
      %swap3A_138 = arith.index_cast %mul3A_127 : i32 to index
      %swap3A_139 = tpu.vector_load %arg9[%swap3A_138] {strides = array<i32>} : memref<10000xi32, #tpu.memory_space<vmem>>, vector<16xi32>,
      %swap3A_140 = vector.shape_cast %swap3A_139 : vector<16xi32> to vector<16xi32>
      %swap3A_141 = vector.shape_cast %add3A_137 : vector<16xi32> to vector<16xi32>
      tpu.vector_store %arg9[%swap3A_138], %swap3A_141 {strides = array<i32>} : memref<10000xi32, #tpu.memory_space<vmem>>, vector<16xi32>,
      %scan3A_142 = arith.constant 2 : i32
      %scan3A_143 = arith.addi %scan3A_107, %scan3A_142 : i32
      %mul3A_144 = arith.constant 16 : i32
      %mul3A_145 = arith.muli %scan3A_143, %mul3A_144 : i32
      %get3A_146 = arith.index_cast %mul3A_145 : i32 to index
      %get3A_147 = tpu.vector_load %arg9[%get3A_146] {strides = array<i32>} : memref<10000xi32, #tpu.memory_space<vmem>>, vector<16xi32>,
      %get3A_148 = vector.shape_cast %get3A_147 : vector<16xi32> to vector<16xi32>
      %mul3A_149 = arith.constant 8 : i32
      %mul3A_150 = vector.broadcast %mul3A_149 : i32 to vector<16xi32>
      %mul3A_151 = arith.muli %get3A_148, %mul3A_150 : vector<16xi32>
      %get3A_152 = arith.index_cast %mul3A_145 : i32 to index
      %get3A_153 = tpu.vector_load %arg10[%get3A_152] {strides = array<i32>} : memref<10000xi32, #tpu.memory_space<vmem>>, vector<16xi32>,
      %get3A_154 = vector.shape_cast %get3A_153 : vector<16xi32> to vector<16xi32>
      %add3A_155 = arith.addi %mul3A_151, %get3A_154 : vector<16xi32>
      %swap3A_156 = arith.index_cast %mul3A_145 : i32 to index
      %swap3A_157 = tpu.vector_load %arg9[%swap3A_156] {strides = array<i32>} : memref<10000xi32, #tpu.memory_space<vmem>>, vector<16xi32>,
      %swap3A_158 = vector.shape_cast %swap3A_157 : vector<16xi32> to vector<16xi32>
      %swap3A_159 = vector.shape_cast %add3A_155 : vector<16xi32> to vector<16xi32>
      tpu.vector_store %arg9[%swap3A_156], %swap3A_159 {strides = array<i32>} : memref<10000xi32, #tpu.memory_space<vmem>>, vector<16xi32>,
      %scan3A_160 = arith.constant 3 : i32
      %scan3A_161 = arith.addi %scan3A_107, %scan3A_160 : i32
      %mul3A_162 = arith.constant 16 : i32
      %mul3A_163 = arith.muli %scan3A_161, %mul3A_162 : i32
      %get3A_164 = arith.index_cast %mul3A_163 : i32 to index
      %get3A_165 = tpu.vector_load %arg9[%get3A_164] {strides = array<i32>} : memref<10000xi32, #tpu.memory_space<vmem>>, vector<16xi32>,
      %get3A_166 = vector.shape_cast %get3A_165 : vector<16xi32> to vector<16xi32>
      %mul3A_167 = arith.constant 8 : i32
      %mul3A_168 = vector.broadcast %mul3A_167 : i32 to vector<16xi32>
      %mul3A_169 = arith.muli %get3A_166, %mul3A_168 : vector<16xi32>
      %get3A_170 = arith.index_cast %mul3A_163 : i32 to index
      %get3A_171 = tpu.vector_load %arg10[%get3A_170] {strides = array<i32>} : memref<10000xi32, #tpu.memory_space<vmem>>, vector<16xi32>,
      %get3A_172 = vector.shape_cast %get3A_171 : vector<16xi32> to vector<16xi32>
      %add3A_173 = arith.addi %mul3A_169, %get3A_172 : vector<16xi32>
      %swap3A_174 = arith.index_cast %mul3A_163 : i32 to index
      %swap3A_175 = tpu.vector_load %arg9[%swap3A_174] {strides = array<i32>} : memref<10000xi32, #tpu.memory_space<vmem>>, vector<16xi32>,
      %swap3A_176 = vector.shape_cast %swap3A_175 : vector<16xi32> to vector<16xi32>
      %swap3A_177 = vector.shape_cast %add3A_173 : vector<16xi32> to vector<16xi32>
      tpu.vector_store %arg9[%swap3A_174], %swap3A_177 {strides = array<i32>} : memref<10000xi32, #tpu.memory_space<vmem>>, vector<16xi32>,
    }
    %scan3A_49 = arith.constant 624 : i32
    %scan3A_50 = arith.addi %scan3A_45, %scan3A_49 : i32
    %mul3A_51 = arith.constant 16 : i32
    %mul3A_52 = arith.muli %scan3A_50, %mul3A_51 : i32
    %get3A = arith.index_cast %mul3A_52 : i32 to index
    %get3A_53 = tpu.vector_load %arg9[%get3A] {strides = array<i32>} : memref<10000xi32, #tpu.memory_space<vmem>>, vector<16xi32>,
    %get3A_54 = vector.shape_cast %get3A_53 : vector<16xi32> to vector<16xi32>
    %mul3A_55 = arith.constant 8 : i32
    %mul3A_56 = vector.broadcast %mul3A_55 : i32 to vector<16xi32>
    %mul3A_57 = arith.muli %get3A_54, %mul3A_56 : vector<16xi32>
    %get3A_58 = arith.index_cast %mul3A_52 : i32 to index
    %get3A_59 = tpu.vector_load %arg10[%get3A_58] {strides = array<i32>} : memref<10000xi32, #tpu.memory_space<vmem>>, vector<16xi32>,
    %get3A_60 = vector.shape_cast %get3A_59 : vector<16xi32> to vector<16xi32>
    %add3A_61 = arith.addi %mul3A_57, %get3A_60 : vector<16xi32>
    %swap3A_62 = arith.index_cast %mul3A_52 : i32 to index
    %swap3A_63 = tpu.vector_load %arg9[%swap3A_62] {strides = array<i32>} : memref<10000xi32, #tpu.memory_space<vmem>>, vector<16xi32>,
    %swap3A_64 = vector.shape_cast %swap3A_63 : vector<16xi32> to vector<16xi32>
    %swap3A_65 = vector.shape_cast %add3A_61 : vector<16xi32> to vector<16xi32>
    tpu.vector_store %arg9[%swap3A_62], %swap3A_65 {strides = array<i32>} : memref<10000xi32, #tpu.memory_space<vmem>>, vector<16xi32>,
    %scan3A_66 = arith.constant 625 : i32
    %dma_start3A_67 = tpu.memref_slice %arg7[%mul3A_2] : memref<320000xi32, #tpu.memory_space<hbm>> -> memref<10000xi32, #tpu.memory_space<hbm>>
    %dma_start3A_68 = tpu.memref_slice %arg7[%mul3A_2] : memref<320000xi32, #tpu.memory_space<hbm>> -> memref<10000xi32, #tpu.memory_space<hbm>>
    tpu.enqueue_dma source(%arg9 : memref<10000xi32, #tpu.memory_space<vmem>>) target(%dma_start3A_68 : memref<10000xi32, #tpu.memory_space<hbm>>) target_semaphore(%arg15 : memref<!tpu.dma_semaphore, #tpu.memory_space<semaphore_mem>>)
    %barrier3A = arith.constant 0 : index
    tpu.barrier barrier_id(%barrier3A)
    %dma_start3A_69 = arith.constant 0 : i32
    %dma_start3A_70 = tpu.memref_slice %arg13[%dma_start3A_69] : memref<80000xf32, #tpu.memory_space<vmem_shared>> -> memref<80000xf32, #tpu.memory_space<vmem_shared>>
    tpu.enqueue_indirect_dma source(%arg11 : memref<10000xf32, #tpu.memory_space<vmem>>) target(%dma_start3A_70 : memref<80000xf32, #tpu.memory_space<vmem_shared>>) offsets(%arg9 : memref<10000xi32, #tpu.memory_space<vmem>>) semaphore(%arg14 : memref<!tpu.dma_semaphore, #tpu.memory_space<semaphore_mem>>) {add = true}
    %scan3A_71 = arith.constant 0 : i32
    %scan3A_72 = arith.constant 0 : i32
    %scan3A_73 = arith.constant 624 : i32
    %scan3A_74 = arith.addi %scan3A_72, %scan3A_73 : i32
    %scan3A_75 = arith.constant 4 : i32
    scf.for %scan3A_107 = %scan3A_72 to %scan3A_74 step %scan3A_75  : i32 {
      %mul3A_108 = arith.constant 16 : i32
      %mul3A_109 = arith.muli %scan3A_107, %mul3A_108 : i32
      %get3A_110 = arith.index_cast %mul3A_109 : i32 to index
      %get3A_111 = tpu.vector_load %arg8[%get3A_110] {strides = array<i32>} : memref<10000xi32, #tpu.memory_space<vmem>>, vector<16xi32>,
      %get3A_112 = vector.shape_cast %get3A_111 : vector<16xi32> to vector<16xi32>
      %mul3A_113 = arith.constant 128 : i32
      %mul3A_114 = vector.broadcast %mul3A_113 : i32 to vector<16xi32>
      %mul3A_115 = arith.muli %get3A_112, %mul3A_114 : vector<16xi32>
      %get3A_116 = arith.index_cast %mul3A_109 : i32 to index
      %get3A_117 = tpu.vector_load %arg10[%get3A_116] {strides = array<i32>} : memref<10000xi32, #tpu.memory_space<vmem>>, vector<16xi32>,
      %get3A_118 = vector.shape_cast %get3A_117 : vector<16xi32> to vector<16xi32>
      %add3A_119 = arith.addi %mul3A_115, %get3A_118 : vector<16xi32>
      %swap3A_120 = arith.index_cast %mul3A_109 : i32 to index
      %swap3A_121 = tpu.vector_load %arg8[%swap3A_120] {strides = array<i32>} : memref<10000xi32, #tpu.memory_space<vmem>>, vector<16xi32>,
      %swap3A_122 = vector.shape_cast %swap3A_121 : vector<16xi32> to vector<16xi32>
      %swap3A_123 = vector.shape_cast %add3A_119 : vector<16xi32> to vector<16xi32>
      tpu.vector_store %arg8[%swap3A_120], %swap3A_123 {strides = array<i32>} : memref<10000xi32, #tpu.memory_space<vmem>>, vector<16xi32>,
      %scan3A_124 = arith.constant 1 : i32
      %scan3A_125 = arith.addi %scan3A_107, %scan3A_124 : i32
      %mul3A_126 = arith.constant 16 : i32
      %mul3A_127 = arith.muli %scan3A_125, %mul3A_126 : i32
      %get3A_128 = arith.index_cast %mul3A_127 : i32 to index
      %get3A_129 = tpu.vector_load %arg8[%get3A_128] {strides = array<i32>} : memref<10000xi32, #tpu.memory_space<vmem>>, vector<16xi32>,
      %get3A_130 = vector.shape_cast %get3A_129 : vector<16xi32> to vector<16xi32>
      %mul3A_131 = arith.constant 128 : i32
      %mul3A_132 = vector.broadcast %mul3A_131 : i32 to vector<16xi32>
      %mul3A_133 = arith.muli %get3A_130, %mul3A_132 : vector<16xi32>
      %get3A_134 = arith.index_cast %mul3A_127 : i32 to index
      %get3A_135 = tpu.vector_load %arg10[%get3A_134] {strides = array<i32>} : memref<10000xi32, #tpu.memory_space<vmem>>, vector<16xi32>,
      %get3A_136 = vector.shape_cast %get3A_135 : vector<16xi32> to vector<16xi32>
      %add3A_137 = arith.addi %mul3A_133, %get3A_136 : vector<16xi32>
      %swap3A_138 = arith.index_cast %mul3A_127 : i32 to index
      %swap3A_139 = tpu.vector_load %arg8[%swap3A_138] {strides = array<i32>} : memref<10000xi32, #tpu.memory_space<vmem>>, vector<16xi32>,
      %swap3A_140 = vector.shape_cast %swap3A_139 : vector<16xi32> to vector<16xi32>
      %swap3A_141 = vector.shape_cast %add3A_137 : vector<16xi32> to vector<16xi32>
      tpu.vector_store %arg8[%swap3A_138], %swap3A_141 {strides = array<i32>} : memref<10000xi32, #tpu.memory_space<vmem>>, vector<16xi32>,
      %scan3A_142 = arith.constant 2 : i32
      %scan3A_143 = arith.addi %scan3A_107, %scan3A_142 : i32
      %mul3A_144 = arith.constant 16 : i32
      %mul3A_145 = arith.muli %scan3A_143, %mul3A_144 : i32
      %get3A_146 = arith.index_cast %mul3A_145 : i32 to index
      %get3A_147 = tpu.vector_load %arg8[%get3A_146] {strides = array<i32>} : memref<10000xi32, #tpu.memory_space<vmem>>, vector<16xi32>,
      %get3A_148 = vector.shape_cast %get3A_147 : vector<16xi32> to vector<16xi32>
      %mul3A_149 = arith.constant 128 : i32
      %mul3A_150 = vector.broadcast %mul3A_149 : i32 to vector<16xi32>
      %mul3A_151 = arith.muli %get3A_148, %mul3A_150 : vector<16xi32>
      %get3A_152 = arith.index_cast %mul3A_145 : i32 to index
      %get3A_153 = tpu.vector_load %arg10[%get3A_152] {strides = array<i32>} : memref<10000xi32, #tpu.memory_space<vmem>>, vector<16xi32>,
      %get3A_154 = vector.shape_cast %get3A_153 : vector<16xi32> to vector<16xi32>
      %add3A_155 = arith.addi %mul3A_151, %get3A_154 : vector<16xi32>
      %swap3A_156 = arith.index_cast %mul3A_145 : i32 to index
      %swap3A_157 = tpu.vector_load %arg8[%swap3A_156] {strides = array<i32>} : memref<10000xi32, #tpu.memory_space<vmem>>, vector<16xi32>,
      %swap3A_158 = vector.shape_cast %swap3A_157 : vector<16xi32> to vector<16xi32>
      %swap3A_159 = vector.shape_cast %add3A_155 : vector<16xi32> to vector<16xi32>
      tpu.vector_store %arg8[%swap3A_156], %swap3A_159 {strides = array<i32>} : memref<10000xi32, #tpu.memory_space<vmem>>, vector<16xi32>,
      %scan3A_160 = arith.constant 3 : i32
      %scan3A_161 = arith.addi %scan3A_107, %scan3A_160 : i32
      %mul3A_162 = arith.constant 16 : i32
      %mul3A_163 = arith.muli %scan3A_161, %mul3A_162 : i32
      %get3A_164 = arith.index_cast %mul3A_163 : i32 to index
      %get3A_165 = tpu.vector_load %arg8[%get3A_164] {strides = array<i32>} : memref<10000xi32, #tpu.memory_space<vmem>>, vector<16xi32>,
      %get3A_166 = vector.shape_cast %get3A_165 : vector<16xi32> to vector<16xi32>
      %mul3A_167 = arith.constant 128 : i32
      %mul3A_168 = vector.broadcast %mul3A_167 : i32 to vector<16xi32>
      %mul3A_169 = arith.muli %get3A_166, %mul3A_168 : vector<16xi32>
      %get3A_170 = arith.index_cast %mul3A_163 : i32 to index
      %get3A_171 = tpu.vector_load %arg10[%get3A_170] {strides = array<i32>} : memref<10000xi32, #tpu.memory_space<vmem>>, vector<16xi32>,
      %get3A_172 = vector.shape_cast %get3A_171 : vector<16xi32> to vector<16xi32>
      %add3A_173 = arith.addi %mul3A_169, %get3A_172 : vector<16xi32>
      %swap3A_174 = arith.index_cast %mul3A_163 : i32 to index
      %swap3A_175 = tpu.vector_load %arg8[%swap3A_174] {strides = array<i32>} : memref<10000xi32, #tpu.memory_space<vmem>>, vector<16xi32>,
      %swap3A_176 = vector.shape_cast %swap3A_175 : vector<16xi32> to vector<16xi32>
      %swap3A_177 = vector.shape_cast %add3A_173 : vector<16xi32> to vector<16xi32>
      tpu.vector_store %arg8[%swap3A_174], %swap3A_177 {strides = array<i32>} : memref<10000xi32, #tpu.memory_space<vmem>>, vector<16xi32>,
    }
    %scan3A_76 = arith.constant 624 : i32
    %scan3A_77 = arith.addi %scan3A_72, %scan3A_76 : i32
    %mul3A_78 = arith.constant 16 : i32
    %mul3A_79 = arith.muli %scan3A_77, %mul3A_78 : i32
    %get3A_80 = arith.index_cast %mul3A_79 : i32 to index
    %get3A_81 = tpu.vector_load %arg8[%get3A_80] {strides = array<i32>} : memref<10000xi32, #tpu.memory_space<vmem>>, vector<16xi32>,
    %get3A_82 = vector.shape_cast %get3A_81 : vector<16xi32> to vector<16xi32>
    %mul3A_83 = arith.constant 128 : i32
    %mul3A_84 = vector.broadcast %mul3A_83 : i32 to vector<16xi32>
    %mul3A_85 = arith.muli %get3A_82, %mul3A_84 : vector<16xi32>
    %get3A_86 = arith.index_cast %mul3A_79 : i32 to index
    %get3A_87 = tpu.vector_load %arg10[%get3A_86] {strides = array<i32>} : memref<10000xi32, #tpu.memory_space<vmem>>, vector<16xi32>,
    %get3A_88 = vector.shape_cast %get3A_87 : vector<16xi32> to vector<16xi32>
    %add3A_89 = arith.addi %mul3A_85, %get3A_88 : vector<16xi32>
    %swap3A_90 = arith.index_cast %mul3A_79 : i32 to index
    %swap3A_91 = tpu.vector_load %arg8[%swap3A_90] {strides = array<i32>} : memref<10000xi32, #tpu.memory_space<vmem>>, vector<16xi32>,
    %swap3A_92 = vector.shape_cast %swap3A_91 : vector<16xi32> to vector<16xi32>
    %swap3A_93 = vector.shape_cast %add3A_89 : vector<16xi32> to vector<16xi32>
    tpu.vector_store %arg8[%swap3A_90], %swap3A_93 {strides = array<i32>} : memref<10000xi32, #tpu.memory_space<vmem>>, vector<16xi32>,
    %scan3A_94 = arith.constant 625 : i32
    %dma_start3A_95 = tpu.memref_slice %arg6[%mul3A_2] : memref<320000xi32, #tpu.memory_space<hbm>> -> memref<10000xi32, #tpu.memory_space<hbm>>
    %dma_start3A_96 = tpu.memref_slice %arg6[%mul3A_2] : memref<320000xi32, #tpu.memory_space<hbm>> -> memref<10000xi32, #tpu.memory_space<hbm>>
    tpu.enqueue_dma source(%arg8 : memref<10000xi32, #tpu.memory_space<vmem>>) target(%dma_start3A_96 : memref<10000xi32, #tpu.memory_space<hbm>>) target_semaphore(%arg15 : memref<!tpu.dma_semaphore, #tpu.memory_space<semaphore_mem>>)
    %dma_wait3A_97 = arith.constant 0 : i32
    %dma_wait3A_98 = tpu.memref_slice %arg13[%dma_wait3A_97] : memref<80000xf32, #tpu.memory_space<vmem_shared>> -> memref<80000xf32, #tpu.memory_space<vmem_shared>>
    tpu.wait_indirect_dma semaphore(%arg14 : memref<!tpu.dma_semaphore, #tpu.memory_space<semaphore_mem>>) src(%arg11 : memref<10000xf32, #tpu.memory_space<vmem>>) dst(%dma_wait3A_98 : memref<80000xf32, #tpu.memory_space<vmem_shared>>)
    %dma_wait3A_99 = tpu.memref_slice %arg6[%mul3A_2] : memref<320000xi32, #tpu.memory_space<hbm>> -> memref<10000xi32, #tpu.memory_space<hbm>>
    %dma_wait3A_100 = tpu.memref_slice %arg6[%mul3A_2] : memref<320000xi32, #tpu.memory_space<hbm>> -> memref<10000xi32, #tpu.memory_space<hbm>>
    tpu.wait_dma2 semaphore(%arg15 : memref<!tpu.dma_semaphore, #tpu.memory_space<semaphore_mem>>) src(%arg8 : memref<10000xi32, #tpu.memory_space<vmem>>) dst(%dma_wait3A_100 : memref<10000xi32, #tpu.memory_space<hbm>>)
    %dma_wait3A_101 = tpu.memref_slice %arg7[%mul3A_2] : memref<320000xi32, #tpu.memory_space<hbm>> -> memref<10000xi32, #tpu.memory_space<hbm>>
    %dma_wait3A_102 = tpu.memref_slice %arg7[%mul3A_2] : memref<320000xi32, #tpu.memory_space<hbm>> -> memref<10000xi32, #tpu.memory_space<hbm>>
    tpu.wait_dma2 semaphore(%arg15 : memref<!tpu.dma_semaphore, #tpu.memory_space<semaphore_mem>>) src(%arg9 : memref<10000xi32, #tpu.memory_space<vmem>>) dst(%dma_wait3A_102 : memref<10000xi32, #tpu.memory_space<hbm>>)
    %barrier3A_103 = arith.constant 0 : index
    tpu.barrier barrier_id(%barrier3A_103)
    %mul3A_104 = arith.constant 80000 : i32
    %mul3A_105 = arith.muli %arg0, %mul3A_104 : i32
    %add3A_106 = arith.addi %mul3A_105, %mul3A_38 : i32
    "tpu.region"() ({
      %run_scoped3A = tpu.sem_alloc : memref<!tpu.dma_semaphore, #tpu.memory_space<semaphore_mem>>
      %dma_start3A_107 = arith.constant 0 : i32
      %dma_start3A_108 = tpu.memref_slice %arg11[%dma_start3A_107] : memref<10000xf32, #tpu.memory_space<vmem>> -> memref<5000xf32, #tpu.memory_space<vmem>>
      %dma_start3A_109 = tpu.memref_slice %arg13[%mul3A_38] : memref<80000xf32, #tpu.memory_space<vmem_shared>> -> memref<5000xf32, #tpu.memory_space<vmem_shared>>
      %dma_start3A_110 = arith.constant 0 : i32
      %dma_start3A_111 = tpu.memref_slice %arg11[%dma_start3A_110] : memref<10000xf32, #tpu.memory_space<vmem>> -> memref<5000xf32, #tpu.memory_space<vmem>>
      %dma_start3A_112 = tpu.memref_slice %arg13[%mul3A_38] : memref<80000xf32, #tpu.memory_space<vmem_shared>> -> memref<5000xf32, #tpu.memory_space<vmem_shared>>
      tpu.enqueue_dma source(%dma_start3A_112 : memref<5000xf32, #tpu.memory_space<vmem_shared>>) target(%dma_start3A_111 : memref<5000xf32, #tpu.memory_space<vmem>>) target_semaphore(%run_scoped3A : memref<!tpu.dma_semaphore, #tpu.memory_space<semaphore_mem>>)
      %dma_wait3A_113 = arith.constant 0 : i32
      %dma_wait3A_114 = tpu.memref_slice %arg11[%dma_wait3A_113] : memref<10000xf32, #tpu.memory_space<vmem>> -> memref<5000xf32, #tpu.memory_space<vmem>>
      %dma_wait3A_115 = tpu.memref_slice %arg13[%mul3A_38] : memref<80000xf32, #tpu.memory_space<vmem_shared>> -> memref<5000xf32, #tpu.memory_space<vmem_shared>>
      %dma_wait3A_116 = arith.constant 0 : i32
      %dma_wait3A_117 = tpu.memref_slice %arg11[%dma_wait3A_116] : memref<10000xf32, #tpu.memory_space<vmem>> -> memref<5000xf32, #tpu.memory_space<vmem>>
      %dma_wait3A_118 = tpu.memref_slice %arg13[%mul3A_38] : memref<80000xf32, #tpu.memory_space<vmem_shared>> -> memref<5000xf32, #tpu.memory_space<vmem_shared>>
      tpu.wait_dma2 semaphore(%run_scoped3A : memref<!tpu.dma_semaphore, #tpu.memory_space<semaphore_mem>>) src(%dma_wait3A_118 : memref<5000xf32, #tpu.memory_space<vmem_shared>>) dst(%dma_wait3A_117 : memref<5000xf32, #tpu.memory_space<vmem>>)
      tpu.yield
    }) : () -> ()
    "tpu.region"() ({
      %run_scoped3A = tpu.sem_alloc : memref<!tpu.dma_semaphore, #tpu.memory_space<semaphore_mem>>
      %dma_start3A_107 = arith.constant 0 : i32
      %dma_start3A_108 = tpu.memref_slice %arg11[%dma_start3A_107] : memref<10000xf32, #tpu.memory_space<vmem>> -> memref<5000xf32, #tpu.memory_space<vmem>>
      %dma_start3A_109 = tpu.memref_slice %arg5[%add3A_106] : memref<160000xf32, #tpu.memory_space<hbm>> -> memref<5000xf32, #tpu.memory_space<hbm>>
      %dma_start3A_110 = tpu.memref_slice %arg5[%add3A_106] : memref<160000xf32, #tpu.memory_space<hbm>> -> memref<5000xf32, #tpu.memory_space<hbm>>
      %dma_start3A_111 = arith.constant 0 : i32
      %dma_start3A_112 = tpu.memref_slice %arg11[%dma_start3A_111] : memref<10000xf32, #tpu.memory_space<vmem>> -> memref<5000xf32, #tpu.memory_space<vmem>>
      tpu.enqueue_dma source(%dma_start3A_112 : memref<5000xf32, #tpu.memory_space<vmem>>) target(%dma_start3A_110 : memref<5000xf32, #tpu.memory_space<hbm>>) target_semaphore(%run_scoped3A : memref<!tpu.dma_semaphore, #tpu.memory_space<semaphore_mem>>)
      %dma_wait3A_113 = arith.constant 0 : i32
      %dma_wait3A_114 = tpu.memref_slice %arg11[%dma_wait3A_113] : memref<10000xf32, #tpu.memory_space<vmem>> -> memref<5000xf32, #tpu.memory_space<vmem>>
      %dma_wait3A_115 = tpu.memref_slice %arg5[%add3A_106] : memref<160000xf32, #tpu.memory_space<hbm>> -> memref<5000xf32, #tpu.memory_space<hbm>>
      %dma_wait3A_116 = tpu.memref_slice %arg5[%add3A_106] : memref<160000xf32, #tpu.memory_space<hbm>> -> memref<5000xf32, #tpu.memory_space<hbm>>
      %dma_wait3A_117 = arith.constant 0 : i32
      %dma_wait3A_118 = tpu.memref_slice %arg11[%dma_wait3A_117] : memref<10000xf32, #tpu.memory_space<vmem>> -> memref<5000xf32, #tpu.memory_space<vmem>>
      tpu.wait_dma2 semaphore(%run_scoped3A : memref<!tpu.dma_semaphore, #tpu.memory_space<semaphore_mem>>) src(%dma_wait3A_118 : memref<5000xf32, #tpu.memory_space<vmem>>) dst(%dma_wait3A_116 : memref<5000xf32, #tpu.memory_space<hbm>>)
      tpu.yield
    }) : () -> ()
    return
  }
}

module attributes {stable_mosaic.version = 14 : i64} {
  func.func @_mm_body(%arg0: i32, %arg1: memref<2000x128xf32, #tpu.memory_space<vmem>>, %arg2: memref<8x128xf32, #tpu.memory_space<vmem>>, %arg3: memref<128x1xf32, #tpu.memory_space<vmem>>, %arg4: memref<2000x128xf32, #tpu.memory_space<vmem>>) attributes {dimension_semantics = [#tpu.dimension_semantics<arbitrary>], iteration_bounds = array<i64: 5>, scalar_prefetch = 0 : i64, scratch_operands = 0 : i64, tpu.core_type = #tpu.core_type<tc>, window_params = [{transform_indices = @transform_0, window_bounds = array<i64: 2000, 128>}, {pipeline_mode = #tpu.pipeline_mode<synchronous>, transform_indices = @transform_1, window_bounds = array<i64: 8, 128>}, {pipeline_mode = #tpu.pipeline_mode<synchronous>, transform_indices = @transform_2, window_bounds = array<i64: 128, 1>}, {transform_indices = @transform_3, window_bounds = array<i64: 2000, 128>}]} {
    %get3A = arith.constant 0 : index
    %get3A_0 = arith.constant 0 : index
    %get3A_1 = vector.load %arg1[%get3A, %get3A_0] : memref<2000x128xf32, #tpu.memory_space<vmem>>, vector<2000x128xf32>
    %get3A_2 = arith.constant 0 : index
    %get3A_3 = arith.constant 0 : index
    %get3A_4 = vector.load %arg2[%get3A_2, %get3A_3] : memref<8x128xf32, #tpu.memory_space<vmem>>, vector<8x128xf32>
    %dot_general3A = arith.constant dense<0.000000e+00> : vector<2000x8xf32>
    %dot_general3A_5 = tpu.matmul %get3A_1, %get3A_4, %dot_general3A {dimension_numbers = #tpu.dot_dimension_numbers<[1], [1], [0], [0], [0, 0, 1, 0], [], []>, transpose_lhs_hint = false} : vector<2000x128xf32>, vector<8x128xf32>, vector<2000x8xf32> -> vector<2000x8xf32>
    %get3A_6 = arith.constant 0 : index
    %get3A_7 = arith.constant 0 : index
    %get3A_8 = vector.load %arg3[%get3A_6, %get3A_7] : memref<128x1xf32, #tpu.memory_space<vmem>>, vector<128x1xf32>
    %dot_general3A_9 = arith.constant dense<0.000000e+00> : vector<2000x1xf32>
    %dot_general3A_10 = tpu.matmul %get3A_1, %get3A_8, %dot_general3A_9 {dimension_numbers = #tpu.dot_dimension_numbers<[1], [0], [0], [1], [0, 0, 1, 1], [], []>, transpose_lhs_hint = false} : vector<2000x128xf32>, vector<128x1xf32>, vector<2000x1xf32> -> vector<2000x1xf32>
    %broadcast_in_dim3A = arith.constant 0.000000e+00 : f32
    %broadcast_in_dim3A_11 = vector.broadcast %broadcast_in_dim3A : f32 to vector<2000x119xf32>
    %concatenate3A = tpu.concatenate %dot_general3A_5, %dot_general3A_10, %broadcast_in_dim3A_11 in 1 : vector<2000x8xf32>, vector<2000x1xf32>, vector<2000x119xf32> -> vector<2000x128xf32>
    %swap3A = arith.constant 0 : index
    %swap3A_12 = arith.constant 0 : index
    %swap3A_13 = vector.load %arg4[%swap3A, %swap3A_12] : memref<2000x128xf32, #tpu.memory_space<vmem>>, vector<2000x128xf32>
    tpu.vector_store %arg4[%swap3A, %swap3A_12], %concatenate3A {strides = array<i32>} : memref<2000x128xf32, #tpu.memory_space<vmem>>, vector<2000x128xf32>,
    return
  }
  func.func @transform_0(%arg0: i32) -> (i32, i32) {
    %c0_i32 = arith.constant 0 : i32
    %c0_i32_0 = arith.constant 0 : i32
    return %arg0, %c0_i32 : i32, i32
  }
  func.func @transform_1(%arg0: i32) -> (i32, i32) {
    %c0_i32 = arith.constant 0 : i32
    %c0_i32_0 = arith.constant 0 : i32
    %c0_i32_1 = arith.constant 0 : i32
    return %c0_i32, %c0_i32_0 : i32, i32
  }
  func.func @transform_2(%arg0: i32) -> (i32, i32) {
    %c0_i32 = arith.constant 0 : i32
    %c0_i32_0 = arith.constant 0 : i32
    %c0_i32_1 = arith.constant 0 : i32
    return %c0_i32, %c0_i32_0 : i32, i32
  }
  func.func @transform_3(%arg0: i32) -> (i32, i32) {
    %c0_i32 = arith.constant 0 : i32
    %c0_i32_0 = arith.constant 0 : i32
    return %arg0, %c0_i32 : i32, i32
  }
}

module attributes {stable_mosaic.version = 14 : i64} {
  func.func @_scale_body(%arg0: i32, %arg1: memref<2000x128xf32, #tpu.memory_space<vmem>>, %arg2: memref<2000x1xf32, #tpu.memory_space<vmem>>, %arg3: memref<2000x128xf32, #tpu.memory_space<vmem>>) attributes {dimension_semantics = [#tpu.dimension_semantics<arbitrary>], iteration_bounds = array<i64: 5>, scalar_prefetch = 0 : i64, scratch_operands = 0 : i64, tpu.core_type = #tpu.core_type<tc>, window_params = [{transform_indices = @transform_0, window_bounds = array<i64: 2000, 128>}, {transform_indices = @transform_1, window_bounds = array<i64: 2000, 1>}, {transform_indices = @transform_2, window_bounds = array<i64: 2000, 128>}]} {
    %get3A = arith.constant 0 : index
    %get3A_0 = arith.constant 0 : index
    %get3A_1 = vector.load %arg1[%get3A, %get3A_0] : memref<2000x128xf32, #tpu.memory_space<vmem>>, vector<2000x128xf32>
    %get3A_2 = arith.constant 0 : index
    %get3A_3 = arith.constant 0 : index
    %get3A_4 = vector.load %arg2[%get3A_2, %get3A_3] : memref<2000x1xf32, #tpu.memory_space<vmem>>, vector<2000x1xf32>
    %mul3A = vector.broadcast %get3A_4 : vector<2000x1xf32> to vector<2000x128xf32>
    %mul3A_5 = arith.mulf %get3A_1, %mul3A : vector<2000x128xf32>
    %swap3A = arith.constant 0 : index
    %swap3A_6 = arith.constant 0 : index
    %swap3A_7 = vector.load %arg3[%swap3A, %swap3A_6] : memref<2000x128xf32, #tpu.memory_space<vmem>>, vector<2000x128xf32>
    tpu.vector_store %arg3[%swap3A, %swap3A_6], %mul3A_5 {strides = array<i32>} : memref<2000x128xf32, #tpu.memory_space<vmem>>, vector<2000x128xf32>,
    return
  }
  func.func @transform_0(%arg0: i32) -> (i32, i32) {
    %c0_i32 = arith.constant 0 : i32
    %c0_i32_0 = arith.constant 0 : i32
    return %arg0, %c0_i32 : i32, i32
  }
  func.func @transform_1(%arg0: i32) -> (i32, i32) {
    %c0_i32 = arith.constant 0 : i32
    %c0_i32_0 = arith.constant 0 : i32
    return %arg0, %c0_i32 : i32, i32
  }
  func.func @transform_2(%arg0: i32) -> (i32, i32) {
    %c0_i32 = arith.constant 0 : i32
    %c0_i32_0 = arith.constant 0 : i32
    return %arg0, %c0_i32 : i32, i32
  }
}

</mosaic_0001>

<sc_bundles>
// kernel: kernel.10.cloned.1.call-start
scs
__scs_entry_jumppad:
0x0: {  	(pc) =	sbr.rel $0x88, $3  }
0x1: {  	(tag) =	ssettag $0x0;
	lr =	simm.s32 $0x1  }
0x2: {  	[smem:$0x3F9B] =	sst lr;
	_ =	strace $0xD0000000  }
0x3: {  	_ = 	snop  }
0x4: {  	_ = 	snop  }
0x5: {  	_ = 	snop  }
0x6: {  	_ = 	snop  }
0x7: {  	_ = 	snop  }
__scs_overlays_trampoline_lowered:
0x8: {  	[smem:$0x3FAA] =	sst s0  }
0x9: {  	[smem:$0x3FAB] =	sst s1  }
0xa: {  	[smem:$0x3FAC] =	sst s2  }
0xb: {  	[smem:$0x3FAD] =	sst s3  }
0xc: {  	[smem:$0x3FAE] =	sst s4  }
0xd: {  	[smem:$0x3FAF] =	sst s5  }
0xe: {  	[smem:$0x3FB0] =	sst s6  }
0xf: {  	[smem:$0x3FB1] =	sst s7  }
0x10: {  	[smem:$0x3FB2] =	sst s8  }
0x11: {  	[smem:$0x3FB3] =	sst s9;
	s0 =	simm.s32 @!p0 $0x0  }
0x12: {  	s1 =	sld [smem:$0x3F99];
	s0 =	simm.s32 @p0 $0x1  }
0x13: {  	[smem:$0x3FB4] =	sst s0;
	s0 =	simm.s32 @!p1 $0x0  }
0x14: {  	s2 =	sld [smem:$0x3F98];
	s0 =	simm.s32 @p1 $0x1  }
0x15: {  	[smem:$0x3FB5] =	sst s0;
	s0 =	simm.s32 @!p2 $0x0  }
0x16: {  	s3 =	sld [smem:$0x3FDB];
	s0 =	simm.s32 @p2 $0x1  }
0x17: {  	s4 =	simm.s32 $0x1BF5;
	[smem:$0x3FB7] =	sst s0  }
0x18: {  	s0 =	sld [smem:$0x3F9A];
	_ =	swait.ge [sflag:s4], $0x0  }
0x19: {  	s7 =	sld [smem:$0x3F9B]  }
0x1a: {  	s8 =	sadd.s32 $0xFFFFE003, lr  }
0x1b: {  	s9 =	sadd.s32 $0xFFFFFEF7, lr;
	s5 =	simm.s32 $0xFFFFFFFF;
	p2 =	slt.u32 s8, $0xFFFFF086  }
0x1c: {  	p1 =	slt.u32 s9, $0xF7A;
	s5 =	simm.s32 @!p2 $0x0  }
0x1d: {  	s5 =	simm.s32 @p1 $0x1;
	p0 =	seq.s32 s7, s2  }
0x1e: {  	s7 =	smul.u32 @!p0 $0xF7A, s2;
	p2 =	seq.s32 @!p0 s5, $0x0  }
0x1f: {  	s9 =	smul.u32 $0xF7A, s1;
	s8 =	simm.s32 @!p0 $0x1BF5;
	p2 =	por !p2, p0  }
0x20: {  	[sflag:s8] =	ssyncset.s32 @!p0 $0xFFFFF086;
	s6 =	sadd.s32 @!p0 s3, s7;
	s7 =	simm.s32 @!p0 $0x108  }
0x21: {  	s3 =	sadd.s32 s3, s9;
	s6 =	sadd.s32 @!p0 $0x88, s6;
	s7 =	simm.s32 @p2 $0x1082  }
0x22: {  	[simem:s7], [sflag:s8] =	dma.local @!p0 [hbm:s6], $0xF7A  }
0x23: {  	s9 =	sor.u32 $0xD0000000, s2;
	s6 =	simm.s32 $0x108;
	_ =	swait.ge @!p0 [sflag:s8], $0x0  }
0x24: {  	s3 =	sadd.s32 $0x88, s3;
	s6 =	simm.s32 @!p1 $0x1082;
	[sflag:s4] =	ssyncset.s32 $0xFFFFF086  }
0x25: {  	[simem:s6], [sflag:s4] =	dma.local [hbm:s3], $0xF7A  }
0x26: {  	[smem:$0x3F9B] =	sst s1;
	(tag) =	ssettag s2;
	_ =	strace s9  }
0x27: {  	s1 =	sld [smem:$0x3FAB]  }
0x28: {  	s2 =	sld [smem:$0x3FAC]  }
0x29: {  	s4 =	sld [smem:$0x3FAE]  }
0x2a: {  	p0 =	seq.s32 s5, $0x0;
	s5 =	sld [smem:$0x3FAF]  }
0x2b: {  	s6 =	sld [smem:$0x3FB0]  }
0x2c: {  	s7 =	sld [smem:$0x3FB1]  }
0x2d: {  	s3 =	simm.s32 $0x108;
	s8 =	sld [smem:$0x3FB2]  }
0x2e: {  	s3 =	simm.s32 @!p0 $0x1082;
	s9 =	sld [smem:$0x3FB3]  }
0x2f: {  	lr =	sadd.s32 s0, s3;
	s0 =	sld [smem:$0x3FAA]  }
0x30: {  	s3 =	sld [smem:$0x3FAD]  }
0x31: {  	[smem:$0x3FB6] =	sst s10  }
0x32: {  	s10 =	sld [smem:$0x3FB4];
	_ =	sdelay $0x3  }
0x33: {  	p0 =	seq.s32 s10, $0x1;
	s10 =	sld [smem:$0x3FB6];
	_ =	sdelay $0x3  }
0x34: {  	[smem:$0x3FB6] =	sst s10  }
0x35: {  	s10 =	sld [smem:$0x3FB5];
	_ =	sdelay $0x3  }
0x36: {  	p1 =	seq.s32 s10, $0x1;
	s10 =	sld [smem:$0x3FB6];
	_ =	sdelay $0x3  }
0x37: {  	[smem:$0x3FB6] =	sst s10  }
0x38: {  	s10 =	sld [smem:$0x3FB7]  }
0x39: {  	_ = 	snop;
	(pc) =	sbr.ind lr, $3  }
0x3a: {  	_ = 	snop  }
0x3b: {  	_ = 	snop  }
0x3c: {  	p2 =	seq.s32 s10, $0x1;
	s10 =	sld [smem:$0x3FB6]  }
0x3d: {  	_ =	shalt  }
0x3e: {  	_ =	shalt  }
0x3f: {  	_ =	shalt  }
0x40: {  	_ =	shalt  }
0x41: {  	_ =	shalt  }
0x42: {  	_ =	shalt  }
0x43: {  	_ =	shalt  }
0x44: {  	_ =	shalt  }
0x45: {  	_ =	shalt  }
0x46: {  	_ =	shalt  }
0x47: {  	_ =	shalt  }
0x48: {  	_ =	shalt  }
0x49: {  	_ =	shalt  }
0x4a: {  	_ =	shalt  }
0x4b: {  	_ =	shalt  }
0x4c: {  	_ =	shalt  }
0x4d: {  	_ =	shalt  }
0x4e: {  	_ =	shalt  }
0x4f: {  	_ =	shalt  }
0x50: {  	_ =	shalt  }
0x51: {  	_ =	shalt  }
0x52: {  	_ =	shalt  }
0x53: {  	_ =	shalt  }
0x54: {  	_ =	shalt  }
0x55: {  	_ =	shalt  }
0x56: {  	_ =	shalt  }
0x57: {  	_ =	shalt  }
0x58: {  	_ =	shalt  }
0x59: {  	_ =	shalt  }
0x5a: {  	_ =	shalt  }
0x5b: {  	_ =	shalt  }
0x5c: {  	_ =	shalt  }
0x5d: {  	_ =	shalt  }
0x5e: {  	_ =	shalt  }
0x5f: {  	_ =	shalt  }
0x60: {  	_ =	shalt  }
0x61: {  	_ =	shalt  }
0x62: {  	_ =	shalt  }
0x63: {  	_ =	shalt  }
0x64: {  	_ =	shalt  }
0x65: {  	_ =	shalt  }
0x66: {  	_ =	shalt  }
0x67: {  	_ =	shalt  }
0x68: {  	_ =	shalt  }
0x69: {  	_ =	shalt  }
0x6a: {  	_ =	shalt  }
0x6b: {  	_ =	shalt  }
0x6c: {  	_ =	shalt  }
0x6d: {  	_ =	shalt  }
0x6e: {  	_ =	shalt  }
0x6f: {  	_ =	shalt  }
0x70: {  	_ =	shalt  }
0x71: {  	_ =	shalt  }
0x72: {  	_ =	shalt  }
0x73: {  	_ =	shalt  }
0x74: {  	_ =	shalt  }
0x75: {  	_ =	shalt  }
0x76: {  	_ =	shalt  }
0x77: {  	_ =	shalt  }
0x78: {  	_ =	shalt  }
0x79: {  	_ =	shalt  }
0x7a: {  	_ =	shalt  }
0x7b: {  	_ =	shalt  }
0x7c: {  	_ =	shalt  }
0x7d: {  	_ =	shalt  }
0x7e: {  	_ =	shalt  }
0x7f: {  	_ =	shalt  }
0x80: {  	_ =	shalt  }
0x81: {  	_ =	shalt  }
0x82: {  	_ =	shalt  }
0x83: {  	_ =	shalt  }
0x84: {  	_ =	shalt  }
0x85: {  	_ =	shalt  }
0x86: {  	_ =	shalt  }
0x87: {  	_ =	shalt  }
.Lfunc_end0:
.L_simem_size_0:
called_computation.1_lowered:
.L_overlay_start_0:
0x88: {  	s2 =	sld [smem:$0x3FD9]  }
0x89: {  	s3 =	sld [smem:$0x3FFE];
	_ =	sdelay $0x1  }
0x8a: {  	s1 =	srdreg.scid  }
0x8b: {  	s0 =	sand.u32 $0x1, s1  }
0x8c: {  	s14 =	sshll.u32 s0, $0xA;
	s2 =	sadd.s32 s3, s2  }
0x8d: {  	s2 =	sadd.s32 s2, s14  }
0x8e: {  	[smem:$0x3FC2] =	sst s2  }
0x8f: {  	_ = 	snop  }
0x90: {  	s2 =	sld [smem:$0x3FD0];
	_ =	sdelay $0x2  }
0x91: {  	s15 =	simm.s32 $0xA;
	s4 =	simm.s32 $0x10  }
0x92: {  	[smem:s4], [sflag:s15] =	dma.local [hbm:s2], $0x1  }
0x93: {  	_ =	swait.eq [sflag:s15], $0x1  }
0x94: {  	[sflag:s15] =	ssyncset.done $0x0  }
0x95: {  	[sflag:s15] =	ssyncadd.s32 $0xFFFFFFFF  }
0x96: {  	s16 =	sld [smem:$0x10];
	(tm) =	ssettm $0x1  }
0x97: {  	s17 =	sld [smem:$0x3FFB];
	_ =	sdelay $0x3  }
0x98: {  	_ =	strace s17  }
0x99: {  	s3 =	sld [smem:$0x3FFC];
	_ =	sdelay $0x3  }
0x9a: {  	_ =	strace s3  }
0x9b: {  	s3 =	sld [smem:$0x3FFD];
	_ =	sdelay $0x3  }
0x9c: {  	_ =	strace s3  }
0x9d: {  	_ =	strace $0x8FFFFFFF  }
0x9e: {  	s18 =	sld [smem:$0x3FDB];
	_ =	sdelay $0x1  }
0x9f: {  	s19 =	simm.s32 $_scs_section_size  }
0xa0: {  	s5 =	simm.s32 $_size__tile_overlayer_lowered;
	s6 =	simm.s32 $_tile_overlayer_lowered  }
0xa1: {  	s22 =	simm.s32 $0x1BFF;
	s21 =	sshll.u32 s6, $0x1;
	s3 =	sadd.s32 s19, s18  }
0xa2: {  	s7 =	simm.s32 $0x0;
	s20 =	sshll.u32 s5, $0x1;
	s5 =	sadd.s32 s21, s3  }
0xa3: {  	[timem:s7], [sflag:s22] =	dma.local [hbm:s5], s20  }
0xa4: {  	_ =	swait.ge [sflag:s22], s20  }
0xa5: {  	s4 =	ssub.s32 $0x0, s20;
	[sflag:s22] =	ssyncset.done $0x0  }
0xa6: {  	[sflag:s22] =	ssyncadd.s32 s4;
	_ =	sdelay $0x1  }
0xa7: {  	s23 =	simm.s32 $0x1B8B  }
0xa8: {  	_ =	swait.ge [sflag:s23], $0x1  }
0xa9: {  	[sflag:s23] =	ssyncset.done $0x0  }
0xaa: {  	s25 =	simm.s32 $0x1B8E;
	s24 =	sld [smem:$0x3FFE];
	[sflag:s23] =	ssyncadd.s32 $0xFFFFFFFF  }
0xab: {  	s26 =	simm.s32 $execute0_lowered;
	[smem:$0x3FD2] =	sst s25  }
0xac: {  	s5 =	sshll.u32 s26, $0x1;
	_ =	strace $0x80000049;
	[dreg:$0x1] =	wrdreg $0xFFFFFFFF  }
0xad: {  	s28 =	simm.s32 $_size_execute0_lowered;
	s3 =	sadd.s32 s3, s5;
	[dreg:$0x0] =	wrdreg $0x0  }
0xae: {  	s5 =	sshll.u32 s28, $0x1;
	[dreg:$0x2] =	wrdreg s3  }
0xaf: {  	[dreg:$0x3] =	wrdreg s5  }
0xb0: {  	[dreg:$0x4] =	wrdreg $0xC0  }
0xb1: {  	_ =	task [dreg:s7], $0x5FFFF  }
0xb2: {  	[dreg:$0x1] =	wrdreg $0xFFFFFFFF  }
0xb3: {  	[dreg:$0x0] =	wrdreg $0x60  }
0xb4: {  	[dreg:$0x2] =	wrdreg s24  }
0xb5: {  	[dreg:$0x3] =	wrdreg s16  }
0xb6: {  	[dreg:$0x4] =	wrdreg $0x8C000  }
0xb7: {  	[dreg:$0x5] =	wrdreg $0x9  }
0xb8: {  	_ =	task.clear_ibuf [dreg:s7], $0x6FFFF;
	_ =	strace $0x90000049  }
0xb9: {  	s29 =	simm.s32 $0x9;
	_ =	strace $0x8000004B  }
0xba: {  	_ =	swait.ge [sflag:s29], $0x1  }
0xbb: {  	[sflag:s29] =	ssyncadd.s32 $0xFFFFFFFF  }
0xbc: {  	_ =	strace $0x9000004B  }
0xbd: {  	_ =	sfence  }
0xbe: {  	s30 =	sld [smem:$0x0];
	_ =	sdelay $0x2  }
0xbf: {  	s31 =	sshll.u32 s1, $0xD;
	s1 =	sshrl.u32 s1, $0x2  }
0xc0: {  	s3 =	sand.u32 $0x4000, s31;
	s1 =	sadd.s32 s1, s30  }
0xc1: {  	s0 =	sor.u32 s3, s0;
	s1 =	sshll.u32 s1, $0x11  }
0xc2: {  	s0 =	sor.u32 s1, s0  }
0xc3: {  	s0 =	sadd.s32 $0x8F2B, s0  }
0xc4: {  	[sflag:s0] =	ssyncadd.remote.s32 $0x1  }
0xc5: {  	_ =	sfence.sel $0xFFFF  }
0xc6: {  	[dreg:$0x0] =	wrdreg $0xFFFFFFFF;
	(pc) =	sbr.abs _section_cstart, $3  }
0xc7: {  	[dreg:$0x1] =	wrdreg $0xFFFFFFFF  }
0xc8: {  	_ =	task.clear_ibuf [dreg:s7], $0x2FFFF;
	_ =	strace $0x9FFFFFFF  }
0xc9: {  	(tm) =	ssettm $0x7FFFFFFF  }
tec
execute0_lowered:
.L_overlay_start_1:
0x0: {  	(tag) =	ssettag $0x1  }
0x1: {  	s0 =	rddreg [dreg:$0x0]  }
0x2: {  	s1 =	rddreg [dreg:$0x1]  }
0x3: {  	s3 =	rddreg [dreg:$0x2];
	s4 =	simm.s32 $0x0  }
0x4: {  	s2 =	srdreg.scid;
	s6 =	stileid.u32;
	s18 =	simm.s32 $0x2800  }
0x5: {  	s28 =	simm.s32 $0x7800;
	s29 =	simm.s32 $0x3;
	s30 =	simm.s32 $0x2  }
0x6: {  	s31 =	simm.s32 $0x7D0;
	s2 =	sand.u32 $0x1, s2;
	s5 =	smul.u32 $0x1388, s6  }
0x7: {  	s6 =	sshll.u32 s6, $0x1;
	[smem:$0x7FF] =	sst s4;
	s8 =	sadd.s32 $0x15200, s0  }
0x8: {  	s9 =	sadd.s32 $0x1F000, s0;
	s7 =	smul.u32 $0x13880, s2;
	s6 =	sor.u32 s2, s6  }
0x9: {  	_ =	strace $0x8000004A;
	s2 =	ssub.s32 $0x2, s2;
	s6 =	smul.u32 $0x2710, s6  }
0xa: {  	s10 =	sshrl.u32 s2, $0x1;
	s15 =	sadd.s32 s5, s3;
	s7 =	sadd.s32 s5, s7  }
0xb: {  	s2 =	ssub.s32 s2, s10;
	s5 =	simm.s32 $0x6000;
	s7 =	sshrl.u32 s7, $0x3  }
0xc: {  	s6 =	sshrl.u32 s6, $0x3;
	s17 =	smax.u32 s2, $0x1;
	s2 =	simm.s32 $0x5800  }
0xd: {  	s0 =	sadd.s32 s7, s0;
	s19 =	sadd.s32 s8, s6;
	s20 =	sadd.s32 s9, s6  }
0xe: {  	s21 =	sadd.s32 $0xFA, s6;
	s22 =	sadd.s32 $0x1F4, s6;
	[dreg:$0x4] =	wrdreg s19  }
0xf: {  	s25 =	sadd.s32 $0x2EE, s6;
	s6 =	sadd.s32 $0x3E8, s6;
	[dreg:$0x5] =	wrdreg s20  }
0x10: {  	s11 =	sadd.s32 s8, s21;
	s7 =	sadd.s32 s9, s21;
	s23 =	sadd.s32 s8, s22  }
0x11: {  	s24 =	sadd.s32 s9, s22;
	s26 =	sadd.s32 s8, s25;
	s12 =	sadd.s32 s9, s25  }
0x12: {  	s13 =	sadd.s32 s8, s6;
	s14 =	sadd.s32 s9, s6;
	s16 =	sadd.s32 $0x1600, s0  }
0x13: {  	s19 =	simm.s32 $0x800;
	s20 =	simm.s32 $0x3000;
	[dreg:$0x6] =	wrdreg s11  }
0x14: {  	s21 =	simm.s32 $0x1000;
	s22 =	simm.s32 $0x3800;
	[dreg:$0x7] =	wrdreg s7  }
0x15: {  	s25 =	simm.s32 $0x2000;
	s0 =	simm.s32 $0x5000;
	[dreg:$0x8] =	wrdreg s23  }
0x16: {  	s6 =	simm.s32 $0x1;
	s8 =	simm.s32 $0x7000;
	[dreg:$0x9] =	wrdreg s24  }
0x17: {  	s9 =	simm.s32 $0x0;
	[dreg:$0xa] =	wrdreg s26;
	s23 =	simm.s32 $0x1800  }
0x18: {  	v0 =	vimm.f32 $0.0e+00;
	s24 =	simm.s32 $0x4000;
	s26 =	simm.s32 $0x4800;
	s7 =	simm.s32 $0x6800  }
.LBB2_1:
0x19: {  	s10 =	rddreg [dreg:$0x4]  }
0x1a: {  	[tilespmem:s4], [sflag:$0x2] =	stream.linear.gather [hbm4b:s10+s4], $0x7D0, $0x38;
	[tilespmem:$0x9F88] =	vst v63  }
0x1b: {  	s11 =	rddreg [dreg:$0x5]  }
0x1c: {  	[tilespmem:s18], [sflag:$0x2] =	stream.linear.gather [hbm4b:s11+s4], $0x7D0, $0x38;
	[tilespmem:$0x9F88] =	vst v63  }
0x1d: {  	s11 =	rddreg [dreg:$0x6]  }
0x1e: {  	[tilespmem:s19], [sflag:$0x2] =	stream.linear.gather [hbm4b:s11+s4], $0x7D0, $0x38;
	[tilespmem:$0x9F88] =	vst v63  }
0x1f: {  	s11 =	rddreg [dreg:$0x7]  }
0x20: {  	[tilespmem:s20], [sflag:$0x2] =	stream.linear.gather [hbm4b:s11+s4], $0x7D0, $0x38;
	[tilespmem:$0x9F88] =	vst v63  }
0x21: {  	s11 =	rddreg [dreg:$0x8]  }
0x22: {  	[tilespmem:s21], [sflag:$0x2] =	stream.linear.gather [hbm4b:s11+s4], $0x7D0, $0x38;
	[tilespmem:$0x9F88] =	vst v63  }
0x23: {  	s11 =	rddreg [dreg:$0x9]  }
0x24: {  	[tilespmem:s22], [sflag:$0x2] =	stream.linear.gather [hbm4b:s11+s4], $0x7D0, $0x38;
	[tilespmem:$0x9F88] =	vst v63  }
0x25: {  	s11 =	rddreg [dreg:$0xa]  }
0x26: {  	[tilespmem:s23], [sflag:$0x2] =	stream.linear.gather [hbm4b:s11+s4], $0x7D0, $0x38;
	[tilespmem:$0x9F88] =	vst v63  }
0x27: {  	_ = 	snop  }
0x28: {  	[tilespmem:s24], [sflag:$0x2] =	stream.linear.gather [hbm4b:s12+s4], $0x7D0, $0x38;
	[tilespmem:$0x9F88] =	vst v63  }
0x29: {  	_ = 	snop  }
0x2a: {  	[tilespmem:s25], [sflag:$0x2] =	stream.linear.gather [hbm4b:s13+s4], $0x7D0, $0x38;
	[tilespmem:$0x9F88] =	vst v63  }
0x2b: {  	s10 =	simm.s32 $0x7820  }
0x2c: {  	[tilespmem:s26], [sflag:$0x2] =	stream.linear.gather [hbm4b:s14+s4], $0x7D0, $0x38;
	[tilespmem:$0x9F88] =	vst v63  }
0x2d: {  	[tilespmem:s10+$0xFFFFFFE0] =	vst v0  }
0x2e: {  	[tilespmem:s10+$0x10] =	vst v0  }
0x2f: {  	s11 =	simm.s32 $0x0;
	[tilespmem:s10+$0x0] =	vst v0  }
.LBB2_2:
0x30: {  	s11 =	sadd.s32 $0x4, s11  }
0x31: {  	[tilespmem:s10+$0xFFFFFFF0] =	vst v0;
	s10 =	sadd.s32 $0x40, s10;
	p0 =	slt.u32 s11, $0x134  }
.Ltmp0:
0x32: {  	[tilespmem:s10+$0xFFFFFFE0] =	vst v0;
	(pc) =	sbr.rel @p0 .LBB2_2-.Ltmp0, $3  }
0x33: {  	_ =	sdelay $0x1  }
0x34: {  	[tilespmem:s10+$0x10] =	vst v0  }
0x35: {  	[tilespmem:s10+$0x0] =	vst v0  }
0x36: {  	[tilespmem:s10+$0xFFFFFFF0] =	vst v0  }
0x37: {  	[tilespmem:$0x8B80] =	vst v0  }
0x38: {  	[spmem:s15] =	stream.linear.scatter [tilespmem:s28], [sflag:$0x3], $0x1388, $0x38;
	[tilespmem:$0x9F88] =	vst v63  }
0x39: {  	_ =	swait.ge [sflag:s29], $0x1388  }
0x3a: {  	[sflag:s29] =	ssyncset.done $0x0  }
0x3b: {  	[sflag:s29] =	ssyncadd.s32 $0xFFFFEC78  }
0x3c: {  	_ =	swait.ge [sflag:s30], $0x7D0  }
0x3d: {  	[sflag:s30] =	ssyncset.done $0x0  }
0x3e: {  	[sflag:s30] =	ssyncadd.s32 $0xFFFFF830  }
0x3f: {  	_ =	swait.ge [sflag:s30], $0x7D0  }
0x40: {  	[sflag:s30] =	ssyncset.done $0x0  }
0x41: {  	[sflag:s30] =	ssyncadd.s32 $0xFFFFF830  }
0x42: {  	_ =	swait.ge [sflag:s30], $0x7D0  }
0x43: {  	[sflag:s30] =	ssyncset.done $0x0  }
0x44: {  	[sflag:s30] =	ssyncadd.s32 $0xFFFFF830  }
0x45: {  	_ =	swait.ge [sflag:s30], $0x7D0  }
0x46: {  	[sflag:s30] =	ssyncset.done $0x0  }
0x47: {  	[sflag:s30] =	ssyncadd.s32 $0xFFFFF830  }
0x48: {  	_ =	swait.ge [sflag:s30], $0x7D0  }
0x49: {  	[sflag:s30] =	ssyncset.done $0x0  }
0x4a: {  	[sflag:s30] =	ssyncadd.s32 $0xFFFFF830  }
0x4b: {  	_ =	swait.ge [sflag:s30], $0x7D0  }
0x4c: {  	[sflag:s30] =	ssyncset.done $0x0  }
0x4d: {  	[sflag:s30] =	ssyncadd.s32 $0xFFFFF830  }
0x4e: {  	_ =	swait.ge [sflag:s30], $0x7D0  }
0x4f: {  	[sflag:s30] =	ssyncset.done $0x0  }
0x50: {  	[sflag:s30] =	ssyncadd.s32 $0xFFFFF830  }
0x51: {  	_ =	swait.ge [sflag:s30], $0x7D0  }
0x52: {  	[sflag:s30] =	ssyncset.done $0x0  }
0x53: {  	[sflag:s30] =	ssyncadd.s32 $0xFFFFF830  }
0x54: {  	_ =	swait.ge [sflag:s30], $0x7D0  }
0x55: {  	[sflag:s30] =	ssyncset.done $0x0  }
0x56: {  	[sflag:s30] =	ssyncadd.s32 $0xFFFFF830  }
0x57: {  	_ =	swait.ge [sflag:s30], $0x7D0  }
0x58: {  	[sflag:s30] =	ssyncset.done $0x0  }
0x59: {  	[sflag:s30] =	ssyncadd.s32 $0xFFFFF830  }
0x5a: {  	[tilespmem:s0], [sflag:$0x1] =	stream.indirect.gather [hbm4b:s1+s31], $0x1, s4, s31, $0xb8;
	[tilespmem:$0x9F88] =	vst v63  }
0x5b: {  	_ = 	snop  }
0x5c: {  	[tilespmem:s2], [sflag:$0x1] =	stream.indirect.gather [hbm4b:s1+s31], $0x1, s19, s31, $0xb8;
	[tilespmem:$0x9F88] =	vst v63  }
0x5d: {  	[bflag:$0x0] =	sbarrier.arrive $0xFFFF  }
0x5e: {  	[tilespmem:s5], [sflag:$0x1] =	stream.indirect.gather [hbm4b:s1+s31], $0x1, s21, s31, $0xb8;
	[tilespmem:$0x9F88] =	vst v63  }
0x5f: {  	_ =	swait.ge [sflag:s6], $0x7D0  }
0x60: {  	[sflag:s6] =	ssyncset.done $0x0  }
0x61: {  	[sflag:s6] =	ssyncadd.s32 $0xFFFFF830  }
0x62: {  	[spmem:s3] =	stream.indirect.scatter.add.f32 [tilespmem:s0], [sflag:$0x2], $0x1, s18, s31, $0xb8;
	[tilespmem:$0x9F88] =	vst v63  }
0x63: {  	_ = 	snop  }
0x64: {  	[tilespmem:s7], [sflag:$0x1] =	stream.indirect.gather [hbm4b:s1+s31], $0x1, s23, s31, $0xb8;
	[tilespmem:$0x9F88] =	vst v63  }
0x65: {  	_ =	swait.ge [sflag:s6], $0x7D0  }
0x66: {  	[sflag:s6] =	ssyncset.done $0x0  }
0x67: {  	[sflag:s6] =	ssyncadd.s32 $0xFFFFF830  }
0x68: {  	[spmem:s3] =	stream.indirect.scatter.add.f32 [tilespmem:s2], [sflag:$0x2], $0x1, s20, s31, $0xb8;
	[tilespmem:$0x9F88] =	vst v63  }
0x69: {  	_ = 	snop  }
0x6a: {  	[tilespmem:s8], [sflag:$0x1] =	stream.indirect.gather [hbm4b:s1+s31], $0x1, s25, s31, $0xb8;
	[tilespmem:$0x9F88] =	vst v63  }
0x6b: {  	_ =	swait.ge [sflag:s6], $0x7D0  }
0x6c: {  	[sflag:s6] =	ssyncset.done $0x0  }
0x6d: {  	[sflag:s6] =	ssyncadd.s32 $0xFFFFF830  }
0x6e: {  	[spmem:s3] =	stream.indirect.scatter.add.f32 [tilespmem:s5], [sflag:$0x2], $0x1, s22, s31, $0xb8;
	[tilespmem:$0x9F88] =	vst v63  }
0x6f: {  	_ =	swait.ge [sflag:s6], $0x7D0  }
0x70: {  	[sflag:s6] =	ssyncset.done $0x0  }
0x71: {  	[sflag:s6] =	ssyncadd.s32 $0xFFFFF830  }
0x72: {  	[spmem:s3] =	stream.indirect.scatter.add.f32 [tilespmem:s7], [sflag:$0x2], $0x1, s24, s31, $0xb8;
	[tilespmem:$0x9F88] =	vst v63  }
0x73: {  	_ =	swait.ge [sflag:s6], $0x7D0  }
0x74: {  	[sflag:s6] =	ssyncset.done $0x0  }
0x75: {  	[sflag:s6] =	ssyncadd.s32 $0xFFFFF830  }
0x76: {  	[spmem:s3] =	stream.indirect.scatter.add.f32 [tilespmem:s8], [sflag:$0x2], $0x1, s26, s31, $0xb8;
	[tilespmem:$0x9F88] =	vst v63  }
0x77: {  	_ =	swait.ge [sflag:s30], $0x7D0  }
0x78: {  	[sflag:s30] =	ssyncset.done $0x0  }
0x79: {  	[sflag:s30] =	ssyncadd.s32 $0xFFFFF830  }
0x7a: {  	_ =	swait.ge [sflag:s30], $0x7D0  }
0x7b: {  	[sflag:s30] =	ssyncset.done $0x0  }
0x7c: {  	[sflag:s30] =	ssyncadd.s32 $0xFFFFF830  }
0x7d: {  	_ =	swait.ge [sflag:s30], $0x7D0  }
0x7e: {  	[sflag:s30] =	ssyncset.done $0x0  }
0x7f: {  	[sflag:s30] =	ssyncadd.s32 $0xFFFFF830  }
0x80: {  	_ =	swait.ge [sflag:s30], $0x7D0  }
0x81: {  	[sflag:s30] =	ssyncset.done $0x0  }
0x82: {  	[sflag:s30] =	ssyncadd.s32 $0xFFFFF830  }
0x83: {  	_ =	swait.ge [sflag:s30], $0x7D0  }
0x84: {  	[sflag:s30] =	ssyncset.done $0x0  }
0x85: {  	[sflag:s30] =	ssyncadd.s32 $0xFFFFF830  }
0x86: {  	[bflag:$0x0] =	sbarrier.arrive $0xFFFF  }
0x87: {  	[tilespmem:s28], [sflag:$0x3] =	stream.linear.gather [spmem:s15], $0x1388, $0x38;
	[tilespmem:$0x9F88] =	vst v63  }
0x88: {  	s9 =	sadd.s32 $0x1, s9;
	_ =	swait.ge [sflag:s29], $0x1388  }
0x89: {  	p0 =	sne.s32 s9, s17;
	[sflag:s29] =	ssyncset.done $0x0  }
.Ltmp1:
0x8a: {  	[sflag:s29] =	ssyncadd.s32 $0xFFFFEC78;
	(pc) =	sbr.rel @p0 .LBB2_1-.Ltmp1, $4  }
0x8b: {  	[hbm4b:s16+s4] =	stream.linear.scatter [tilespmem:s28], [sflag:$0x3], $0x1388, $0x38;
	[tilespmem:$0x9F88] =	vst v63  }
0x8c: {  	_ =	swait.ge [sflag:s29], $0x1388  }
0x8d: {  	[sflag:s29] =	ssyncset.done $0x0  }
0x8e: {  	[sflag:s29] =	ssyncadd.s32 $0xFFFFEC78  }
0x8f: {  	_ =	sfence.sel $0x180000  }
0x90: {  	[bflag:$0x0] =	sbarrier.arrive $0xFFFF  }
0x91: {  	_ =	strace $0x9000004A  }
0x92: {  	s0 =	stileid.u32;
	[bflag:$0x2] =	sbarrier.arrive $0xFFFF  }
0x93: {  	p0 =	sne.s32 s0, $0x0;
	s0 =	rddreg [dreg:$0x3]  }
0x94: {  	s0 =	sadd.s32 @!p0 $0x100000, s0  }
0x95: {  	[sflag:s0] =	ssyncadd.tile.s32 @!p0 $0x1;
	_ =	shalt  }
.Lfunc_end2:
_tile_overlayer_lowered:
.L_overlay_start_2:
0x96: {  	(tag) =	ssettag $0x2  }
0x97: {  	s0 =	rddreg [dreg:$0x0];
	s2 =	stileid.u32  }
0x98: {  	s1 =	rddreg [dreg:$0x1];
	p0 =	sne.s32 s2, $0x0  }
0x99: {  	s3 =	rddreg [dreg:$0x2];
	[bflag:$0x3] =	sbarrier.arrive $0xFFFF;
	s2 =	simm.s32 @!p0 $0x1C03  }
0x9a: {  	[timem:s3], [sflag:s2] =	dma.local @!p0 [hbm:s0], s1  }
0x9b: {  	s0 =	simm.s32 @!p0 $0x3  }
0x9c: {  	_ =	swait.ge @!p0 [sflag:s0], s1  }
0x9d: {  	s1 =	ssub.s32 @!p0 $0x0, s1;
	[sflag:s0] =	ssyncset.done @!p0 $0x0  }
0x9e: {  	[sflag:s0] =	ssyncadd.s32 @!p0 s1  }
0x9f: {  	[bflag:$0x3] =	sbarrier.arrive $0xFFFF  }
0xa0: {  	_ =	shalt  }

// kernel: kernel.13.cloned.1.call-start
scs
__scs_entry_jumppad:
0x0: {  	(pc) =	sbr.rel $0x88, $3  }
0x1: {  	(tag) =	ssettag $0x0;
	lr =	simm.s32 $0x1  }
0x2: {  	[smem:$0x3F9B] =	sst lr;
	_ =	strace $0xD0000000  }
0x3: {  	_ = 	snop  }
0x4: {  	_ = 	snop  }
0x5: {  	_ = 	snop  }
0x6: {  	_ = 	snop  }
0x7: {  	_ = 	snop  }
__scs_overlays_trampoline_lowered:
0x8: {  	[smem:$0x3FAA] =	sst s0  }
0x9: {  	[smem:$0x3FAB] =	sst s1  }
0xa: {  	[smem:$0x3FAC] =	sst s2  }
0xb: {  	[smem:$0x3FAD] =	sst s3  }
0xc: {  	[smem:$0x3FAE] =	sst s4  }
0xd: {  	[smem:$0x3FAF] =	sst s5  }
0xe: {  	[smem:$0x3FB0] =	sst s6  }
0xf: {  	[smem:$0x3FB1] =	sst s7  }
0x10: {  	[smem:$0x3FB2] =	sst s8  }
0x11: {  	[smem:$0x3FB3] =	sst s9;
	s0 =	simm.s32 @!p0 $0x0  }
0x12: {  	s1 =	sld [smem:$0x3F99];
	s0 =	simm.s32 @p0 $0x1  }
0x13: {  	[smem:$0x3FB4] =	sst s0;
	s0 =	simm.s32 @!p1 $0x0  }
0x14: {  	s2 =	sld [smem:$0x3F98];
	s0 =	simm.s32 @p1 $0x1  }
0x15: {  	[smem:$0x3FB5] =	sst s0;
	s0 =	simm.s32 @!p2 $0x0  }
0x16: {  	s3 =	sld [smem:$0x3FDB];
	s0 =	simm.s32 @p2 $0x1  }
0x17: {  	s4 =	simm.s32 $0x1BF5;
	[smem:$0x3FB7] =	sst s0  }
0x18: {  	s0 =	sld [smem:$0x3F9A];
	_ =	swait.ge [sflag:s4], $0x0  }
0x19: {  	s7 =	sld [smem:$0x3F9B]  }
0x1a: {  	s8 =	sadd.s32 $0xFFFFE003, lr  }
0x1b: {  	s9 =	sadd.s32 $0xFFFFFEF7, lr;
	s5 =	simm.s32 $0xFFFFFFFF;
	p2 =	slt.u32 s8, $0xFFFFF086  }
0x1c: {  	p1 =	slt.u32 s9, $0xF7A;
	s5 =	simm.s32 @!p2 $0x0  }
0x1d: {  	s5 =	simm.s32 @p1 $0x1;
	p0 =	seq.s32 s7, s2  }
0x1e: {  	s7 =	smul.u32 @!p0 $0xF7A, s2;
	p2 =	seq.s32 @!p0 s5, $0x0  }
0x1f: {  	s9 =	smul.u32 $0xF7A, s1;
	s8 =	simm.s32 @!p0 $0x1BF5;
	p2 =	por !p2, p0  }
0x20: {  	[sflag:s8] =	ssyncset.s32 @!p0 $0xFFFFF086;
	s6 =	sadd.s32 @!p0 s3, s7;
	s7 =	simm.s32 @!p0 $0x108  }
0x21: {  	s3 =	sadd.s32 s3, s9;
	s6 =	sadd.s32 @!p0 $0x88, s6;
	s7 =	simm.s32 @p2 $0x1082  }
0x22: {  	[simem:s7], [sflag:s8] =	dma.local @!p0 [hbm:s6], $0xF7A  }
0x23: {  	s9 =	sor.u32 $0xD0000000, s2;
	s6 =	simm.s32 $0x108;
	_ =	swait.ge @!p0 [sflag:s8], $0x0  }
0x24: {  	s3 =	sadd.s32 $0x88, s3;
	s6 =	simm.s32 @!p1 $0x1082;
	[sflag:s4] =	ssyncset.s32 $0xFFFFF086  }
0x25: {  	[simem:s6], [sflag:s4] =	dma.local [hbm:s3], $0xF7A  }
0x26: {  	[smem:$0x3F9B] =	sst s1;
	(tag) =	ssettag s2;
	_ =	strace s9  }
0x27: {  	s1 =	sld [smem:$0x3FAB]  }
0x28: {  	s2 =	sld [smem:$0x3FAC]  }
0x29: {  	s4 =	sld [smem:$0x3FAE]  }
0x2a: {  	p0 =	seq.s32 s5, $0x0;
	s5 =	sld [smem:$0x3FAF]  }
0x2b: {  	s6 =	sld [smem:$0x3FB0]  }
0x2c: {  	s7 =	sld [smem:$0x3FB1]  }
0x2d: {  	s3 =	simm.s32 $0x108;
	s8 =	sld [smem:$0x3FB2]  }
0x2e: {  	s3 =	simm.s32 @!p0 $0x1082;
	s9 =	sld [smem:$0x3FB3]  }
0x2f: {  	lr =	sadd.s32 s0, s3;
	s0 =	sld [smem:$0x3FAA]  }
0x30: {  	s3 =	sld [smem:$0x3FAD]  }
0x31: {  	[smem:$0x3FB6] =	sst s10  }
0x32: {  	s10 =	sld [smem:$0x3FB4];
	_ =	sdelay $0x3  }
0x33: {  	p0 =	seq.s32 s10, $0x1;
	s10 =	sld [smem:$0x3FB6];
	_ =	sdelay $0x3  }
0x34: {  	[smem:$0x3FB6] =	sst s10  }
0x35: {  	s10 =	sld [smem:$0x3FB5];
	_ =	sdelay $0x3  }
0x36: {  	p1 =	seq.s32 s10, $0x1;
	s10 =	sld [smem:$0x3FB6];
	_ =	sdelay $0x3  }
0x37: {  	[smem:$0x3FB6] =	sst s10  }
0x38: {  	s10 =	sld [smem:$0x3FB7]  }
0x39: {  	_ = 	snop;
	(pc) =	sbr.ind lr, $3  }
0x3a: {  	_ = 	snop  }
0x3b: {  	_ = 	snop  }
0x3c: {  	p2 =	seq.s32 s10, $0x1;
	s10 =	sld [smem:$0x3FB6]  }
0x3d: {  	_ =	shalt  }
0x3e: {  	_ =	shalt  }
0x3f: {  	_ =	shalt  }
0x40: {  	_ =	shalt  }
0x41: {  	_ =	shalt  }
0x42: {  	_ =	shalt  }
0x43: {  	_ =	shalt  }
0x44: {  	_ =	shalt  }
0x45: {  	_ =	shalt  }
0x46: {  	_ =	shalt  }
0x47: {  	_ =	shalt  }
0x48: {  	_ =	shalt  }
0x49: {  	_ =	shalt  }
0x4a: {  	_ =	shalt  }
0x4b: {  	_ =	shalt  }
0x4c: {  	_ =	shalt  }
0x4d: {  	_ =	shalt  }
0x4e: {  	_ =	shalt  }
0x4f: {  	_ =	shalt  }
0x50: {  	_ =	shalt  }
0x51: {  	_ =	shalt  }
0x52: {  	_ =	shalt  }
0x53: {  	_ =	shalt  }
0x54: {  	_ =	shalt  }
0x55: {  	_ =	shalt  }
0x56: {  	_ =	shalt  }
0x57: {  	_ =	shalt  }
0x58: {  	_ =	shalt  }
0x59: {  	_ =	shalt  }
0x5a: {  	_ =	shalt  }
0x5b: {  	_ =	shalt  }
0x5c: {  	_ =	shalt  }
0x5d: {  	_ =	shalt  }
0x5e: {  	_ =	shalt  }
0x5f: {  	_ =	shalt  }
0x60: {  	_ =	shalt  }
0x61: {  	_ =	shalt  }
0x62: {  	_ =	shalt  }
0x63: {  	_ =	shalt  }
0x64: {  	_ =	shalt  }
0x65: {  	_ =	shalt  }
0x66: {  	_ =	shalt  }
0x67: {  	_ =	shalt  }
0x68: {  	_ =	shalt  }
0x69: {  	_ =	shalt  }
0x6a: {  	_ =	shalt  }
0x6b: {  	_ =	shalt  }
0x6c: {  	_ =	shalt  }
0x6d: {  	_ =	shalt  }
0x6e: {  	_ =	shalt  }
0x6f: {  	_ =	shalt  }
0x70: {  	_ =	shalt  }
0x71: {  	_ =	shalt  }
0x72: {  	_ =	shalt  }
0x73: {  	_ =	shalt  }
0x74: {  	_ =	shalt  }
0x75: {  	_ =	shalt  }
0x76: {  	_ =	shalt  }
0x77: {  	_ =	shalt  }
0x78: {  	_ =	shalt  }
0x79: {  	_ =	shalt  }
0x7a: {  	_ =	shalt  }
0x7b: {  	_ =	shalt  }
0x7c: {  	_ =	shalt  }
0x7d: {  	_ =	shalt  }
0x7e: {  	_ =	shalt  }
0x7f: {  	_ =	shalt  }
0x80: {  	_ =	shalt  }
0x81: {  	_ =	shalt  }
0x82: {  	_ =	shalt  }
0x83: {  	_ =	shalt  }
0x84: {  	_ =	shalt  }
0x85: {  	_ =	shalt  }
0x86: {  	_ =	shalt  }
0x87: {  	_ =	shalt  }
.Lfunc_end0:
.L_simem_size_0:
called_computation.2_lowered:
.L_overlay_start_0:
0x88: {  	s2 =	sld [smem:$0x3FD9]  }
0x89: {  	s3 =	sld [smem:$0x3FFE];
	_ =	sdelay $0x1  }
0x8a: {  	s1 =	srdreg.scid  }
0x8b: {  	s0 =	sand.u32 $0x1, s1  }
0x8c: {  	s14 =	sshll.u32 s0, $0xA;
	s2 =	sadd.s32 s3, s2  }
0x8d: {  	s2 =	sadd.s32 s2, s14  }
0x8e: {  	[smem:$0x3FC2] =	sst s2  }
0x8f: {  	_ = 	snop  }
0x90: {  	s2 =	sld [smem:$0x3FD0];
	_ =	sdelay $0x2  }
0x91: {  	s15 =	simm.s32 $0xA;
	s4 =	simm.s32 $0x10  }
0x92: {  	[smem:s4], [sflag:s15] =	dma.local [hbm:s2], $0x1  }
0x93: {  	_ =	swait.eq [sflag:s15], $0x1  }
0x94: {  	[sflag:s15] =	ssyncset.done $0x0  }
0x95: {  	s16 =	sld [smem:$0x10];
	[sflag:s15] =	ssyncadd.s32 $0xFFFFFFFF  }
0x96: {  	s17 =	sld [smem:$0x11];
	(tm) =	ssettm $0x1  }
0x97: {  	s18 =	sld [smem:$0x3FFB];
	_ =	sdelay $0x3  }
0x98: {  	_ =	strace s18  }
0x99: {  	s4 =	sld [smem:$0x3FFC];
	_ =	sdelay $0x3  }
0x9a: {  	_ =	strace s4  }
0x9b: {  	s4 =	sld [smem:$0x3FFD];
	_ =	sdelay $0x3  }
0x9c: {  	_ =	strace s4  }
0x9d: {  	_ =	strace $0x8FFFFFFF  }
0x9e: {  	s19 =	sld [smem:$0x3FDB];
	_ =	sdelay $0x1  }
0x9f: {  	s5 =	simm.s32 $_scs_section_size  }
0xa0: {  	s6 =	simm.s32 $_size__tile_overlayer_lowered;
	s7 =	simm.s32 $_tile_overlayer_lowered  }
0xa1: {  	s22 =	simm.s32 $0x1BFF;
	s21 =	sshll.u32 s7, $0x1;
	s4 =	sadd.s32 s5, s19  }
0xa2: {  	s8 =	simm.s32 $0x0;
	s20 =	sshll.u32 s6, $0x1;
	s6 =	sadd.s32 s21, s4  }
0xa3: {  	[timem:s8], [sflag:s22] =	dma.local [hbm:s6], s20  }
0xa4: {  	_ =	swait.ge [sflag:s22], s20  }
0xa5: {  	s5 =	ssub.s32 $0x0, s20;
	[sflag:s22] =	ssyncset.done $0x0  }
0xa6: {  	[sflag:s22] =	ssyncadd.s32 s5;
	_ =	sdelay $0x1  }
0xa7: {  	s23 =	simm.s32 $0x1B8B  }
0xa8: {  	_ =	swait.ge [sflag:s23], $0x1  }
0xa9: {  	[sflag:s23] =	ssyncset.done $0x0  }
0xaa: {  	s25 =	simm.s32 $0x1B8E;
	s24 =	sld [smem:$0x3FFE];
	[sflag:s23] =	ssyncadd.s32 $0xFFFFFFFF  }
0xab: {  	s26 =	simm.s32 $execute0_lowered;
	[smem:$0x3FD2] =	sst s25  }
0xac: {  	s6 =	sshll.u32 s26, $0x1;
	_ =	strace $0x8000004C;
	[dreg:$0x1] =	wrdreg $0xFFFFFFFF  }
0xad: {  	s28 =	simm.s32 $_size_execute0_lowered;
	s4 =	sadd.s32 s4, s6;
	[dreg:$0x0] =	wrdreg $0x0  }
0xae: {  	s6 =	sshll.u32 s28, $0x1;
	[dreg:$0x2] =	wrdreg s4  }
0xaf: {  	[dreg:$0x3] =	wrdreg s6  }
0xb0: {  	[dreg:$0x4] =	wrdreg $0xC0  }
0xb1: {  	_ =	task [dreg:s8], $0x5FFFF  }
0xb2: {  	[dreg:$0x1] =	wrdreg $0xFFFFFFFF  }
0xb3: {  	[dreg:$0x0] =	wrdreg $0x60  }
0xb4: {  	[dreg:$0x2] =	wrdreg s24  }
0xb5: {  	[dreg:$0x3] =	wrdreg s16  }
0xb6: {  	[dreg:$0x4] =	wrdreg s17  }
0xb7: {  	[dreg:$0x5] =	wrdreg $0x42800  }
0xb8: {  	[dreg:$0x6] =	wrdreg $0x9  }
0xb9: {  	_ =	task.clear_ibuf [dreg:s8], $0x7FFFF;
	_ =	strace $0x9000004C  }
0xba: {  	s29 =	simm.s32 $0x9;
	_ =	strace $0x8000004E  }
0xbb: {  	_ =	swait.ge [sflag:s29], $0x1  }
0xbc: {  	[sflag:s29] =	ssyncadd.s32 $0xFFFFFFFF  }
0xbd: {  	_ =	strace $0x9000004E  }
0xbe: {  	_ =	sfence  }
0xbf: {  	s30 =	sld [smem:$0x0];
	_ =	sdelay $0x2  }
0xc0: {  	s31 =	sshll.u32 s1, $0xD;
	s1 =	sshrl.u32 s1, $0x2  }
0xc1: {  	s3 =	sand.u32 $0x4000, s31;
	s1 =	sadd.s32 s1, s30  }
0xc2: {  	s0 =	sor.u32 s3, s0;
	s1 =	sshll.u32 s1, $0x11  }
0xc3: {  	s0 =	sor.u32 s1, s0  }
0xc4: {  	s0 =	sadd.s32 $0x8F2B, s0  }
0xc5: {  	[sflag:s0] =	ssyncadd.remote.s32 $0x1  }
0xc6: {  	_ =	sfence.sel $0xFFFF  }
0xc7: {  	[dreg:$0x0] =	wrdreg $0xFFFFFFFF;
	(pc) =	sbr.abs _section_cstart, $3  }
0xc8: {  	[dreg:$0x1] =	wrdreg $0xFFFFFFFF  }
0xc9: {  	_ =	task.clear_ibuf [dreg:s8], $0x2FFFF;
	_ =	strace $0x9FFFFFFF  }
0xca: {  	(tm) =	ssettm $0x7FFFFFFF  }
0xcb: {  	_ =	shalt  }
tec
execute0_lowered:
.L_overlay_start_1:
0x0: {  	(tag) =	ssettag $0x1  }
0x1: {  	s0 =	rddreg [dreg:$0x0]  }
0x2: {  	s1 =	rddreg [dreg:$0x2]  }
0x3: {  	s3 =	rddreg [dreg:$0x3];
	s2 =	srdreg.scid  }
0x4: {  	s11 =	stileid.u32;
	s4 =	simm.s32 $0x0;
	s13 =	simm.s32 $0xA00  }
0x5: {  	s14 =	simm.s32 $0x1400;
	s15 =	simm.s32 $0x1E00;
	s16 =	simm.s32 $0x4200  }
0x6: {  	s17 =	simm.s32 $0x140;
	s18 =	simm.s32 $0x3D80;
	s19 =	simm.s32 $0x4080  }
0x7: {  	s20 =	simm.s32 $0x3C00;
	s21 =	simm.s32 $0x3;
	s22 =	simm.s32 $0x2  }
0x8: {  	s23 =	simm.s32 $0x3200;
	s25 =	simm.s32 $0x1;
	s26 =	simm.s32 $0x0  }
0x9: {  	s2 =	sand.u32 $0x1, s2;
	s5 =	sshll.u32 s11, $0x1;
	[smem:$0x7FF] =	sst s4  }
0xa: {  	s7 =	sadd.s32 $0x1600, s0;
	s5 =	sor.u32 s2, s5;
	s2 =	ssub.s32 $0x2, s2  }
0xb: {  	s9 =	sadd.s32 $0x28E00, s0;
	s6 =	smul.u32 $0x140, s5;
	s8 =	sshrl.u32 s2, $0x1  }
0xc: {  	s24 =	smul.u32 $0x140, s11;
	_ =	strace $0x8000004D;
	s29 =	ssub.s32 s2, s8  }
0xd: {  	s5 =	sadd.s32 $0x6600, s0;
	s30 =	smin.u32 s6, $0x25D0;
	s12 =	smax.u32 s29, $0x1  }
0xe: {  	s6 =	sadd.s32 s7, s30;
	s10 =	sadd.s32 $0x2710, s30;
	s8 =	sadd.s32 s9, s30  }
0xf: {  	v0 =	vlaneseq.u32;
	s31 =	sshrl.u32 s30, $0x3;
	s7 =	sadd.s32 s7, s10;
	s9 =	sadd.s32 s9, s10  }
0x10: {  	v3 =	vimm.f32 $0.0e+00;
	v2 =	vmov s24;
	v1 =	vor.u32 s30, v0;
	s10 =	sadd.s32 s24, s3;
	s11 =	sadd.s32 s1, s31;
	s24 =	simm.s32 $0x2800  }
.LBB2_1:
0x11: {  	[tilespmem:s4], [sflag:$0x2] =	stream.linear.gather [hbm4b:s6+s4], $0xA00, $0x38;
	[tilespmem:$0x43C0] =	vst v63  }
0x12: {  	_ = 	snop  }
0x13: {  	[tilespmem:s13], [sflag:$0x2] =	stream.linear.gather [hbm4b:s7+s4], $0xA00, $0x38;
	[tilespmem:$0x43C0] =	vst v63  }
0x14: {  	_ = 	snop  }
0x15: {  	[tilespmem:s14], [sflag:$0x2] =	stream.linear.gather [hbm4b:s8+s4], $0xA00, $0x38;
	[tilespmem:$0x43C0] =	vst v63  }
0x16: {  	_ = 	snop  }
0x17: {  	v4 =	vadd.s32 s4, v1;
	[tilespmem:s15], [sflag:$0x2] =	stream.linear.gather [hbm4b:s9+s4], $0xA00, $0x38;
	[tilespmem:$0x43C0] =	vst v63  }
0x18: {  	s1 =	simm.s32 $0x10;
	s0 =	simm.s32 $0x3DA0;
	v4 =	vshll.u32 v4, $0x7  }
0x19: {  	v6 =	vadd.s32 s1, v1;
	v5 =	vor.u32 $0x8, v4;
	[tilespmem:s16], [sflag:$0x2] =	stream.linear.gather [hbm4b:s5+s4], $0x80, $0x38;
	[tilespmem:$0x43C0] =	vst v63  }
0x1a: {  	s2 =	simm.s32 $0x20;
	s1 =	simm.s32 $0x3F20;
	[tilespmem:s0+$0xFFFFFFE0] =	vst v5;
	v5 =	vshll.u32 v6, $0x7  }
0x1b: {  	v6 =	vadd.s32 s2, v1;
	[tilespmem:s1+$0xFFFFFFE0] =	vst v4;
	v4 =	vor.u32 $0x8, v5  }
0x1c: {  	s31 =	simm.s32 $0x30;
	[tilespmem:s0+$0xFFFFFFF0] =	vst v4;
	v4 =	vshll.u32 v6, $0x7  }
0x1d: {  	v6 =	vadd.s32 s31, v1;
	[tilespmem:s1+$0xFFFFFFF0] =	vst v5;
	v5 =	vor.u32 $0x8, v4  }
0x1e: {  	s28 =	simm.s32 $0x40;
	s2 =	simm.s32 $0x0;
	[tilespmem:s0+$0x0] =	vst v5;
	v5 =	vshll.u32 v6, $0x7  }
.LBB2_2:
0x1f: {  	v6 =	vadd.s32 s28, v1;
	[tilespmem:s1+$0x0] =	vst v4;
	v4 =	vor.u32 $0x8, v5  }
0x20: {  	s29 =	sadd.s32 $0x10, s28;
	s2 =	sadd.s32 $0x4, s2;
	v6 =	vshll.u32 v6, $0x7;
	[tilespmem:s0+$0x10] =	vst v4  }
0x21: {  	v7 =	vadd.s32 s29, v1;
	s0 =	sadd.s32 $0x40, s0;
	p0 =	slt.u32 s2, $0x10;
	v4 =	vor.u32 $0x8, v6;
	[tilespmem:s1+$0x10] =	vst v5  }
.Ltmp0:
0x22: {  	s29 =	sadd.s32 $0x20, s28;
	v5 =	vshll.u32 v7, $0x7;
	s1 =	sadd.s32 $0x40, s1;
	[tilespmem:s0+$0xFFFFFFE0] =	vst v4;
	(pc) =	sbr.rel @p0 .LBB2_2-.Ltmp0, $4  }
0x23: {  	v4 =	vor.u32 $0x8, v5;
	[tilespmem:s1+$0xFFFFFFE0] =	vst v6;
	v6 =	vadd.s32 s29, v1  }
0x24: {  	s29 =	sadd.s32 $0x30, s28;
	[tilespmem:s0+$0xFFFFFFF0] =	vst v4;
	v4 =	vshll.u32 v6, $0x7  }
0x25: {  	v6 =	vadd.s32 s29, v1;
	[tilespmem:s1+$0xFFFFFFF0] =	vst v5;
	v5 =	vor.u32 $0x8, v4  }
0x26: {  	s28 =	sadd.s32 $0x40, s28;
	[tilespmem:s0+$0x0] =	vst v5;
	v5 =	vshll.u32 v6, $0x7  }
0x27: {  	[tilespmem:s1+$0x0] =	vst v4;
	v4 =	vor.u32 $0x8, v5;
	s2 =	simm.s32 $0x20  }
0x28: {  	s31 =	simm.s32 $0x10;
	s28 =	simm.s32 $0x30;
	[tilespmem:s0+$0x10] =	vst v4;
	s0 =	simm.s32 $0x0;
	v6 =	vor.u32 s2, v0  }
0x29: {  	s30 =	rddreg [dreg:$0x1];
	v7 =	vor.u32 s28, v0;
	[tilespmem:s1+$0x10] =	vst v5;
	v4 =	vor.u32 s0, v0;
	v5 =	vor.u32 s31, v0  }
0x2a: {  	s2 =	simm.s32 $0x0;
	s28 =	simm.s32 $0x3220;
	v8 =	vshrl.u32 v6, $0x3;
	v7 =	vshrl.u32 v7, $0x3;
	s1 =	simm.s32 $0x3220;
	v5 =	vshrl.u32 v5, $0x3  }
0x2b: {  	[tilespmem:s19], [sflag:$0x1] =	stream.indirect.gather [hbm4b:s30+s17], $0x1, s18, s17, $0xb8;
	v7 =	vadd.s32 v2, v7;
	v6 =	vadd.s32 v2, v5;
	v5 =	vadd.s32 v2, v8;
	[tilespmem:$0x43C0] =	vst v63  }
.LBB2_4:
0x2c: {  	s2 =	sadd.s32 $0x4, s2  }
0x2d: {  	v4 =	vshrl.u32 v4, $0x3;
	[tilespmem:s1+$0x10] =	vst v7;
	s0 =	sadd.s32 $0x40, s0;
	s28 =	sadd.s32 $0x40, s28;
	p0 =	slt.u32 s2, $0x9C  }
.Ltmp1:
0x2e: {  	v7 =	vadd.s32 v2, v4;
	[tilespmem:s1+$0xFFFFFFF0] =	vst v6;
	(pc) =	sbr.rel @p0 .LBB2_4-.Ltmp1, $4  }
0x2f: {  	v4 =	vor.u32 s0, v0;
	s29 =	sadd.s32 $0x10, s0;
	s30 =	sadd.s32 $0x20, s0;
	s31 =	sadd.s32 $0x30, s0;
	[tilespmem:s1+$0xFFFFFFE0] =	vst v7  }
0x30: {  	v6 =	vor.u32 s29, v0;
	v7 =	vor.u32 s30, v0;
	v8 =	vor.u32 s31, v0;
	[tilespmem:s1+$0x0] =	vst v5;
	s1 =	smov.u32 s28  }
0x31: {  	v5 =	vshrl.u32 v6, $0x3;
	v7 =	vshrl.u32 v7, $0x3;
	v8 =	vshrl.u32 v8, $0x3  }
0x32: {  	v6 =	vadd.s32 v2, v5;
	v5 =	vadd.s32 v2, v7;
	v7 =	vadd.s32 v2, v8  }
0x33: {  	[tilespmem:s1+$0x10] =	vst v7  }
0x34: {  	v4 =	vshrl.u32 v4, $0x3;
	[tilespmem:s1+$0xFFFFFFF0] =	vst v6  }
0x35: {  	[tilespmem:s1+$0x0] =	vst v5;
	v4 =	vadd.s32 v2, v4  }
0x36: {  	[tilespmem:s1+$0xFFFFFFE0] =	vst v4  }
0x37: {  	[tilespmem:$0x3C00] =	vst v3  }
0x38: {  	[tilespmem:$0x3C10] =	vst v3  }
0x39: {  	[tilespmem:$0x3C20] =	vst v3  }
0x3a: {  	[tilespmem:$0x3C30] =	vst v3  }
0x3b: {  	[tilespmem:$0x3C40] =	vst v3  }
0x3c: {  	[tilespmem:$0x3C50] =	vst v3  }
0x3d: {  	[tilespmem:$0x3C60] =	vst v3  }
0x3e: {  	[tilespmem:$0x3C70] =	vst v3  }
0x3f: {  	[tilespmem:$0x3C80] =	vst v3  }
0x40: {  	[tilespmem:$0x3C90] =	vst v3  }
0x41: {  	[tilespmem:$0x3CA0] =	vst v3  }
0x42: {  	[tilespmem:$0x3CB0] =	vst v3  }
0x43: {  	[tilespmem:$0x3CC0] =	vst v3  }
0x44: {  	[tilespmem:$0x3CD0] =	vst v3  }
0x45: {  	[tilespmem:$0x3CE0] =	vst v3  }
0x46: {  	[tilespmem:$0x3CF0] =	vst v3  }
0x47: {  	[tilespmem:$0x3D00] =	vst v3  }
0x48: {  	[tilespmem:$0x3D10] =	vst v3  }
0x49: {  	[tilespmem:$0x3D20] =	vst v3  }
0x4a: {  	[tilespmem:$0x3D30] =	vst v3  }
0x4b: {  	[spmem:s10] =	stream.linear.scatter [tilespmem:s20], [sflag:$0x3], $0x140, $0x38;
	[tilespmem:$0x43C0] =	vst v63  }
0x4c: {  	_ =	swait.ge [sflag:s21], $0x140  }
0x4d: {  	[sflag:s21] =	ssyncset.done $0x0  }
0x4e: {  	[sflag:s21] =	ssyncadd.s32 $0xFFFFFEC0  }
0x4f: {  	_ =	swait.ge [sflag:s22], $0xA00  }
0x50: {  	[sflag:s22] =	ssyncset.done $0x0  }
0x51: {  	[sflag:s22] =	ssyncadd.s32 $0xFFFFF600  }
0x52: {  	_ =	swait.ge [sflag:s22], $0xA00  }
0x53: {  	[sflag:s22] =	ssyncset.done $0x0  }
0x54: {  	[sflag:s22] =	ssyncadd.s32 $0xFFFFF600  }
0x55: {  	_ =	swait.ge [sflag:s22], $0xA00  }
0x56: {  	[sflag:s22] =	ssyncset.done $0x0  }
0x57: {  	[sflag:s22] =	ssyncadd.s32 $0xFFFFF600  }
0x58: {  	_ =	swait.ge [sflag:s22], $0xA00  }
0x59: {  	[sflag:s22] =	ssyncset.done $0x0  }
0x5a: {  	[sflag:s22] =	ssyncadd.s32 $0xFFFFF600  }
0x5b: {  	_ =	swait.ge [sflag:s22], $0x80  }
0x5c: {  	[sflag:s22] =	ssyncset.done $0x0  }
0x5d: {  	s28 =	simm.s32 $0x1E20;
	[sflag:s22] =	ssyncadd.s32 $0xFFFFFF80  }
0x5e: {  	s0 =	simm.s32 $0x1420;
	v4 =	vld [tilespmem:s28+$0xFFFFFFE0]  }
0x5f: {  	v5 =	vld [tilespmem:s0+$0xFFFFFFE0];
	_ =	sdelay $0x4  }
0x60: {  	v4 =	vadd.f32 v4, v5;
	_ =	sdelay $0x1  }
0x61: {  	v4 =	vmax.f32 v4, $1.000000000e+00  }
0x62: {  	(erf) = vrcp.f32 v4  }
0x63: {  	s2 =	simm.s32 $0xA20  }
0x64: {  	s1 =	simm.s32 $0x20;
	v5 =	vld [tilespmem:s2+$0xFFFFFFE0]  }
0x65: {  	v4 =	vld [tilespmem:s1+$0xFFFFFFE0];
	_ =	sdelay $0x4  }
0x66: {  	v4 =	vadd.f32 v5, v4  }
0x67: {  	v5 =	vpop (erf)  }
0x68: {  	v4 =	vmul.f32 v5, v4  }
0x69: {  	s29 =	simm.s32 $0x2820  }
0x6a: {  	[tilespmem:s29+$0xFFFFFFE0] =	vst v4  }
0x6b: {  	v4 =	vld [tilespmem:s0+$0xFFFFFFF0]  }
0x6c: {  	v5 =	vld [tilespmem:s28+$0xFFFFFFF0];
	_ =	sdelay $0x4  }
0x6d: {  	v4 =	vadd.f32 v5, v4;
	_ =	sdelay $0x1  }
0x6e: {  	v4 =	vmax.f32 v4, $1.000000000e+00  }
0x6f: {  	(erf) = vrcp.f32 v4;
	_ =	sdelay $0x1  }
0x70: {  	v5 =	vld [tilespmem:s1+$0xFFFFFFF0]  }
0x71: {  	v4 =	vld [tilespmem:s2+$0xFFFFFFF0];
	_ =	sdelay $0x4  }
0x72: {  	v4 =	vadd.f32 v4, v5  }
0x73: {  	v5 =	vpop (erf)  }
0x74: {  	v4 =	vmul.f32 v5, v4;
	_ =	sdelay $0x1  }
0x75: {  	[tilespmem:s29+$0xFFFFFFF0] =	vst v4  }
0x76: {  	v4 =	vld [tilespmem:s0+$0x0]  }
0x77: {  	v5 =	vld [tilespmem:s28+$0x0];
	_ =	sdelay $0x4  }
0x78: {  	v4 =	vadd.f32 v5, v4;
	_ =	sdelay $0x1  }
0x79: {  	v4 =	vmax.f32 v4, $1.000000000e+00  }
0x7a: {  	(erf) = vrcp.f32 v4;
	_ =	sdelay $0x1  }
0x7b: {  	v5 =	vld [tilespmem:s1+$0x0]  }
0x7c: {  	v4 =	vld [tilespmem:s2+$0x0];
	_ =	sdelay $0x4  }
0x7d: {  	v4 =	vadd.f32 v4, v5  }
0x7e: {  	v5 =	vpop (erf)  }
0x7f: {  	v4 =	vmul.f32 v5, v4;
	_ =	sdelay $0x1  }
0x80: {  	[tilespmem:s29+$0x0] =	vst v4  }
0x81: {  	v4 =	vld [tilespmem:s0+$0x10]  }
0x82: {  	v5 =	vld [tilespmem:s28+$0x10];
	_ =	sdelay $0x4  }
0x83: {  	v4 =	vadd.f32 v5, v4;
	_ =	sdelay $0x1  }
0x84: {  	v5 =	vmax.f32 v4, $1.000000000e+00  }
0x85: {  	(erf) = vrcp.f32 v5;
	_ =	sdelay $0x1  }
0x86: {  	v6 =	vld [tilespmem:s1+$0x10]  }
0x87: {  	v7 =	vld [tilespmem:s2+$0x10];
	_ =	sdelay $0x3  }
0x88: {  	s30 =	simm.s32 $0x0;
	s31 =	simm.s32 $0x1460  }
0x89: {  	s2 =	simm.s32 $0xA60;
	s1 =	simm.s32 $0x60;
	s0 =	simm.s32 $0x2820;
	v4 =	vadd.f32 v7, v6  }
.LBB2_6:
0x8a: {  	s30 =	sadd.s32 $0x4, s30;
	s29 =	sadd.s32 $0x40, s29;
	s28 =	sadd.s32 $0x40, s28;
	v5 =	vpop (erf)  }
0x8b: {  	p0 =	slt.u32 s30, $0x9C;
	v4 =	vmul.f32 v5, v4;
	_ =	sdelay $0x1  }
0x8c: {  	[tilespmem:s0+$0x10] =	vst v4;
	s0 =	smov.u32 s29  }
0x8d: {  	v4 =	vld [tilespmem:s28+$0xFFFFFFE0]  }
0x8e: {  	v5 =	vld [tilespmem:s31+$0xFFFFFFE0];
	_ =	sdelay $0x4  }
0x8f: {  	v4 =	vadd.f32 v4, v5;
	_ =	sdelay $0x1  }
0x90: {  	v4 =	vmax.f32 v4, $1.000000000e+00  }
0x91: {  	(erf) = vrcp.f32 v4;
	_ =	sdelay $0x1  }
0x92: {  	v4 =	vld [tilespmem:s1+$0xFFFFFFE0]  }
0x93: {  	v5 =	vld [tilespmem:s2+$0xFFFFFFE0];
	_ =	sdelay $0x4  }
0x94: {  	v4 =	vadd.f32 v5, v4  }
0x95: {  	v5 =	vpop (erf)  }
0x96: {  	v4 =	vmul.f32 v5, v4;
	_ =	sdelay $0x1  }
0x97: {  	[tilespmem:s29+$0xFFFFFFE0] =	vst v4  }
0x98: {  	v4 =	vld [tilespmem:s31+$0xFFFFFFF0]  }
0x99: {  	v5 =	vld [tilespmem:s28+$0xFFFFFFF0];
	_ =	sdelay $0x4  }
0x9a: {  	v4 =	vadd.f32 v5, v4;
	_ =	sdelay $0x1  }
0x9b: {  	v4 =	vmax.f32 v4, $1.000000000e+00  }
0x9c: {  	(erf) = vrcp.f32 v4  }
0x9d: {  	v4 =	vld [tilespmem:s2+$0xFFFFFFF0]  }
0x9e: {  	v5 =	vld [tilespmem:s1+$0xFFFFFFF0];
	_ =	sdelay $0x4  }
0x9f: {  	v4 =	vadd.f32 v4, v5;
	_ =	sdelay $0x1  }
0xa0: {  	v5 =	vpop (erf)  }
0xa1: {  	v4 =	vmul.f32 v5, v4;
	_ =	sdelay $0x1  }
0xa2: {  	[tilespmem:s29+$0xFFFFFFF0] =	vst v4  }
0xa3: {  	v4 =	vld [tilespmem:s31+$0x0]  }
0xa4: {  	v5 =	vld [tilespmem:s28+$0x0];
	_ =	sdelay $0x4  }
0xa5: {  	v4 =	vadd.f32 v5, v4;
	_ =	sdelay $0x1  }
0xa6: {  	v4 =	vmax.f32 v4, $1.000000000e+00  }
0xa7: {  	v5 =	vld [tilespmem:s2+$0x0];
	(erf) = vrcp.f32 v4  }
0xa8: {  	v4 =	vld [tilespmem:s1+$0x0];
	_ =	sdelay $0x4  }
0xa9: {  	v4 =	vadd.f32 v5, v4;
	_ =	sdelay $0x2  }
0xaa: {  	v5 =	vpop (erf)  }
0xab: {  	v4 =	vmul.f32 v5, v4;
	_ =	sdelay $0x1  }
0xac: {  	[tilespmem:s29+$0x0] =	vst v4  }
0xad: {  	v4 =	vld [tilespmem:s31+$0x10]  }
0xae: {  	v5 =	vld [tilespmem:s28+$0x10]  }
0xaf: {  	v6 =	vld [tilespmem:s1+$0x10]  }
0xb0: {  	v7 =	vld [tilespmem:s2+$0x10];
	_ =	sdelay $0x2  }
0xb1: {  	v5 =	vadd.f32 v5, v4;
	_ =	sdelay $0x1  }
0xb2: {  	v4 =	vadd.f32 v7, v6;
	v5 =	vmax.f32 v5, $1.000000000e+00  }
0xb3: {  	(erf) = vrcp.f32 v5;
	_ =	sdelay $0x3  }
.Ltmp2:
0xb4: {  	(pc) =	sbr.rel @p0 .LBB2_6-.Ltmp2, $2  }
0xb5: {  	_ =	sdelay $0x2  }
0xb6: {  	s31 =	sadd.s32 $0x40, s31;
	s1 =	sadd.s32 $0x40, s1;
	s2 =	sadd.s32 $0x40, s2  }
0xb7: {  	v5 =	vpop (erf)  }
0xb8: {  	v4 =	vmul.f32 v5, v4;
	_ =	sdelay $0x1  }
0xb9: {  	[tilespmem:s0+$0x10] =	vst v4  }
0xba: {  	[spmem:s3] =	stream.indirect.scatter.add.f32 [tilespmem:s24], [sflag:$0x3], $0x1, s23, s13, $0xb8;
	[tilespmem:$0x43C0] =	vst v63  }
0xbb: {  	_ =	swait.ge [sflag:s21], $0xA00  }
0xbc: {  	[sflag:s21] =	ssyncset.done $0x0  }
0xbd: {  	[sflag:s21] =	ssyncadd.s32 $0xFFFFF600  }
0xbe: {  	[tilespmem:s20], [sflag:$0x3] =	stream.linear.gather [spmem:s10], $0x140, $0x38;
	[tilespmem:$0x43C0] =	vst v63  }
0xbf: {  	_ =	swait.ge [sflag:s21], $0x140  }
0xc0: {  	[sflag:s21] =	ssyncset.done $0x0  }
0xc1: {  	[sflag:s21] =	ssyncadd.s32 $0xFFFFFEC0  }
0xc2: {  	_ =	swait.ge [sflag:s25], $0x140  }
0xc3: {  	[sflag:s25] =	ssyncset.done $0x0  }
0xc4: {  	s28 =	simm.s32 $0x3C20;
	[sflag:s25] =	ssyncadd.s32 $0xFFFFFEC0  }
0xc5: {  	s29 =	simm.s32 $0x40A0;
	v4 =	vld [tilespmem:s28+$0xFFFFFFE0]  }
0xc6: {  	v5 =	vld [tilespmem:s29+$0xFFFFFFE0];
	_ =	sdelay $0x1  }
0xc7: {  	v6 =	vld [tilespmem:$0x4200];
	_ =	sdelay $0x2  }
0xc8: {  	v4 =	vadd.f32 v5, v4;
	_ =	sdelay $0x1  }
0xc9: {  	v4 =	vadd.f32 v6, v4;
	_ =	sdelay $0x1  }
0xca: {  	v5 =	vand.u32 $0x7FFFFFFF, v4  }
0xcb: {  	v5 =	vmul.f32 $-2.000000000e+00, v5;
	_ =	sdelay $0x1  }
0xcc: {  	v5 =	vmul.f32 $1.442695020e+00, v5;
	_ =	sdelay $0x1  }
0xcd: {  	(erf) = vpow2.f32 v5;
	_ =	sdelay $0x8  }
0xce: {  	v5 =	vpop (erf)  }
0xcf: {  	v6 =	vadd.f32 $1.000000000e+00, v5;
	_ =	sdelay $0x1  }
0xd0: {  	(erf) = vrcp.f32 v6;
	_ =	sdelay $0x7  }
0xd1: {  	v5 =	vsub.f32 $1.000000000e+00, v5  }
0xd2: {  	v6 =	vpop (erf)  }
0xd3: {  	v5 =	vmul.f32 v6, v5;
	_ =	sdelay $0x1  }
0xd4: {  	v6 =	vsub.f32 $0.0e+00, v5  }
0xd5: {  	vm0 =	vlt.f32 v4, $0.0e+00  }
0xd6: {  	v4 =	vsel vm0, v6, v5  }
0xd7: {  	[tilespmem:s28+$0xFFFFFFE0] =	vst v4;
	v4 =	vld [tilespmem:s28+$0xFFFFFFF0]  }
0xd8: {  	v5 =	vld [tilespmem:s29+$0xFFFFFFF0];
	_ =	sdelay $0x1  }
0xd9: {  	v6 =	vld [tilespmem:$0x4200];
	_ =	sdelay $0x2  }
0xda: {  	v4 =	vadd.f32 v5, v4;
	_ =	sdelay $0x1  }
0xdb: {  	v4 =	vadd.f32 v6, v4;
	_ =	sdelay $0x1  }
0xdc: {  	v5 =	vand.u32 $0x7FFFFFFF, v4  }
0xdd: {  	v5 =	vmul.f32 $-2.000000000e+00, v5;
	_ =	sdelay $0x1  }
0xde: {  	v5 =	vmul.f32 $1.442695020e+00, v5;
	_ =	sdelay $0x1  }
0xdf: {  	(erf) = vpow2.f32 v5;
	_ =	sdelay $0x8  }
0xe0: {  	v5 =	vpop (erf)  }
0xe1: {  	v6 =	vadd.f32 $1.000000000e+00, v5;
	_ =	sdelay $0x1  }
0xe2: {  	(erf) = vrcp.f32 v6;
	_ =	sdelay $0x7  }
0xe3: {  	v5 =	vsub.f32 $1.000000000e+00, v5  }
0xe4: {  	v6 =	vpop (erf)  }
0xe5: {  	v5 =	vmul.f32 v6, v5;
	_ =	sdelay $0x1  }
0xe6: {  	v6 =	vsub.f32 $0.0e+00, v5  }
0xe7: {  	vm13 =	vlt.f32 v4, $0.0e+00  }
0xe8: {  	v4 =	vsel vm13, v6, v5  }
0xe9: {  	[tilespmem:s28+$0xFFFFFFF0] =	vst v4;
	v4 =	vld [tilespmem:s28+$0x0]  }
0xea: {  	v5 =	vld [tilespmem:s29+$0x0];
	_ =	sdelay $0x1  }
0xeb: {  	v6 =	vld [tilespmem:$0x4200];
	_ =	sdelay $0x2  }
0xec: {  	v4 =	vadd.f32 v5, v4;
	_ =	sdelay $0x1  }
0xed: {  	v4 =	vadd.f32 v6, v4;
	_ =	sdelay $0x1  }
0xee: {  	v5 =	vand.u32 $0x7FFFFFFF, v4  }
0xef: {  	v5 =	vmul.f32 $-2.000000000e+00, v5;
	_ =	sdelay $0x1  }
0xf0: {  	v5 =	vmul.f32 $1.442695020e+00, v5;
	_ =	sdelay $0x1  }
0xf1: {  	(erf) = vpow2.f32 v5;
	_ =	sdelay $0x8  }
0xf2: {  	v5 =	vpop (erf)  }
0xf3: {  	v6 =	vadd.f32 $1.000000000e+00, v5;
	_ =	sdelay $0x1  }
0xf4: {  	(erf) = vrcp.f32 v6;
	_ =	sdelay $0x7  }
0xf5: {  	v5 =	vsub.f32 $1.000000000e+00, v5  }
0xf6: {  	v6 =	vpop (erf)  }
0xf7: {  	v5 =	vmul.f32 v6, v5;
	_ =	sdelay $0x1  }
0xf8: {  	v6 =	vsub.f32 $0.0e+00, v5  }
0xf9: {  	vm14 =	vlt.f32 v4, $0.0e+00  }
0xfa: {  	v4 =	vsel vm14, v6, v5  }
0xfb: {  	[tilespmem:s28+$0x0] =	vst v4;
	v4 =	vld [tilespmem:s28+$0x10]  }
0xfc: {  	v5 =	vld [tilespmem:s29+$0x10];
	_ =	sdelay $0x1  }
0xfd: {  	v6 =	vld [tilespmem:$0x4200];
	_ =	sdelay $0x2  }
0xfe: {  	v4 =	vadd.f32 v5, v4;
	_ =	sdelay $0x1  }
0xff: {  	v4 =	vadd.f32 v6, v4;
	_ =	sdelay $0x1  }
0x100: {  	v5 =	vand.u32 $0x7FFFFFFF, v4  }
0x101: {  	v5 =	vmul.f32 $-2.000000000e+00, v5;
	_ =	sdelay $0x1  }
0x102: {  	v5 =	vmul.f32 $1.442695020e+00, v5;
	_ =	sdelay $0x1  }
0x103: {  	(erf) = vpow2.f32 v5;
	_ =	sdelay $0x8  }
0x104: {  	v5 =	vpop (erf)  }
0x105: {  	v6 =	vadd.f32 $1.000000000e+00, v5;
	_ =	sdelay $0x1  }
0x106: {  	(erf) = vrcp.f32 v6;
	_ =	sdelay $0x7  }
0x107: {  	v5 =	vsub.f32 $1.000000000e+00, v5  }
0x108: {  	v6 =	vpop (erf)  }
0x109: {  	v5 =	vmul.f32 v6, v5;
	_ =	sdelay $0x1  }
0x10a: {  	v6 =	vsub.f32 $0.0e+00, v5  }
0x10b: {  	vm15 =	vlt.f32 v4, $0.0e+00  }
0x10c: {  	s30 =	simm.s32 $0x0;
	s31 =	simm.s32 $0x3C60;
	v4 =	vsel vm15, v6, v5  }
.LBB2_8:
0x10d: {  	v5 =	vld [tilespmem:s31+$0xFFFFFFE0];
	s30 =	sadd.s32 $0x4, s30;
	[tilespmem:s28+$0x10] =	vst v4;
	s29 =	sadd.s32 $0x40, s29;
	s28 =	smov.u32 s31  }
0x10e: {  	v4 =	vld [tilespmem:s29+$0xFFFFFFE0];
	p0 =	slt.u32 s30, $0x10;
	_ =	sdelay $0x1  }
0x10f: {  	v6 =	vld [tilespmem:$0x4200];
	_ =	sdelay $0x2  }
0x110: {  	v4 =	vadd.f32 v4, v5;
	_ =	sdelay $0x1  }
0x111: {  	v4 =	vadd.f32 v6, v4;
	_ =	sdelay $0x1  }
0x112: {  	v5 =	vand.u32 $0x7FFFFFFF, v4  }
0x113: {  	v5 =	vmul.f32 $-2.000000000e+00, v5;
	_ =	sdelay $0x1  }
0x114: {  	v5 =	vmul.f32 $1.442695020e+00, v5;
	_ =	sdelay $0x1  }
0x115: {  	(erf) = vpow2.f32 v5;
	_ =	sdelay $0x8  }
0x116: {  	v5 =	vpop (erf)  }
0x117: {  	v6 =	vadd.f32 $1.000000000e+00, v5;
	_ =	sdelay $0x1  }
0x118: {  	(erf) = vrcp.f32 v6;
	_ =	sdelay $0x7  }
0x119: {  	v5 =	vsub.f32 $1.000000000e+00, v5  }
0x11a: {  	v6 =	vpop (erf)  }
0x11b: {  	v5 =	vmul.f32 v6, v5;
	_ =	sdelay $0x1  }
0x11c: {  	v6 =	vsub.f32 $0.0e+00, v5  }
0x11d: {  	vm0 =	vlt.f32 v4, $0.0e+00  }
0x11e: {  	v4 =	vsel vm0, v6, v5  }
0x11f: {  	[tilespmem:s31+$0xFFFFFFE0] =	vst v4;
	v4 =	vld [tilespmem:s31+$0xFFFFFFF0]  }
0x120: {  	v5 =	vld [tilespmem:s29+$0xFFFFFFF0];
	_ =	sdelay $0x1  }
0x121: {  	v6 =	vld [tilespmem:$0x4200];
	_ =	sdelay $0x2  }
0x122: {  	v4 =	vadd.f32 v5, v4;
	_ =	sdelay $0x1  }
0x123: {  	v4 =	vadd.f32 v6, v4;
	_ =	sdelay $0x1  }
0x124: {  	v5 =	vand.u32 $0x7FFFFFFF, v4  }
0x125: {  	v5 =	vmul.f32 $-2.000000000e+00, v5;
	_ =	sdelay $0x1  }
0x126: {  	v5 =	vmul.f32 $1.442695020e+00, v5;
	_ =	sdelay $0x1  }
0x127: {  	(erf) = vpow2.f32 v5;
	_ =	sdelay $0x8  }
0x128: {  	v5 =	vpop (erf)  }
0x129: {  	v6 =	vadd.f32 $1.000000000e+00, v5;
	_ =	sdelay $0x1  }
0x12a: {  	(erf) = vrcp.f32 v6;
	_ =	sdelay $0x7  }
0x12b: {  	v5 =	vsub.f32 $1.000000000e+00, v5  }
0x12c: {  	v6 =	vpop (erf)  }
0x12d: {  	v5 =	vmul.f32 v6, v5;
	_ =	sdelay $0x1  }
0x12e: {  	v6 =	vsub.f32 $0.0e+00, v5  }
0x12f: {  	vm0 =	vlt.f32 v4, $0.0e+00  }
0x130: {  	v4 =	vsel vm0, v6, v5  }
0x131: {  	[tilespmem:s31+$0xFFFFFFF0] =	vst v4;
	v4 =	vld [tilespmem:s31+$0x0]  }
0x132: {  	v5 =	vld [tilespmem:s29+$0x0];
	_ =	sdelay $0x1  }
0x133: {  	v6 =	vld [tilespmem:$0x4200];
	_ =	sdelay $0x2  }
0x134: {  	v4 =	vadd.f32 v5, v4;
	_ =	sdelay $0x1  }
0x135: {  	v4 =	vadd.f32 v6, v4;
	_ =	sdelay $0x1  }
0x136: {  	v5 =	vand.u32 $0x7FFFFFFF, v4  }
0x137: {  	v5 =	vmul.f32 $-2.000000000e+00, v5;
	_ =	sdelay $0x1  }
0x138: {  	v5 =	vmul.f32 $1.442695020e+00, v5;
	_ =	sdelay $0x1  }
0x139: {  	(erf) = vpow2.f32 v5;
	_ =	sdelay $0x8  }
0x13a: {  	v5 =	vpop (erf)  }
0x13b: {  	v6 =	vadd.f32 $1.000000000e+00, v5;
	_ =	sdelay $0x1  }
0x13c: {  	(erf) = vrcp.f32 v6;
	_ =	sdelay $0x7  }
0x13d: {  	v5 =	vsub.f32 $1.000000000e+00, v5  }
0x13e: {  	v6 =	vpop (erf)  }
0x13f: {  	v5 =	vmul.f32 v6, v5;
	_ =	sdelay $0x1  }
0x140: {  	v6 =	vsub.f32 $0.0e+00, v5  }
0x141: {  	vm0 =	vlt.f32 v4, $0.0e+00  }
0x142: {  	v4 =	vsel vm0, v6, v5  }
0x143: {  	[tilespmem:s31+$0x0] =	vst v4;
	v4 =	vld [tilespmem:s31+$0x10]  }
0x144: {  	v5 =	vld [tilespmem:s29+$0x10]  }
0x145: {  	v6 =	vld [tilespmem:$0x4200];
	_ =	sdelay $0x3  }
0x146: {  	v4 =	vadd.f32 v5, v4;
	_ =	sdelay $0x1  }
0x147: {  	v4 =	vadd.f32 v6, v4;
	_ =	sdelay $0x1  }
0x148: {  	v5 =	vand.u32 $0x7FFFFFFF, v4  }
0x149: {  	v5 =	vmul.f32 $-2.000000000e+00, v5;
	_ =	sdelay $0x1  }
0x14a: {  	v5 =	vmul.f32 $1.442695020e+00, v5;
	_ =	sdelay $0x1  }
0x14b: {  	(erf) = vpow2.f32 v5;
	_ =	sdelay $0x8  }
0x14c: {  	v5 =	vpop (erf)  }
0x14d: {  	v6 =	vadd.f32 $1.000000000e+00, v5;
	_ =	sdelay $0x1  }
0x14e: {  	(erf) = vrcp.f32 v6;
	_ =	sdelay $0x7  }
0x14f: {  	v5 =	vsub.f32 $1.000000000e+00, v5  }
0x150: {  	v6 =	vpop (erf)  }
.Ltmp3:
0x151: {  	v5 =	vmul.f32 v6, v5;
	(pc) =	sbr.rel @p0 .LBB2_8-.Ltmp3, $4  }
0x152: {  	_ = 	snop  }
0x153: {  	v6 =	vsub.f32 $0.0e+00, v5  }
0x154: {  	vm0 =	vlt.f32 v4, $0.0e+00  }
0x155: {  	s31 =	sadd.s32 $0x40, s31;
	v4 =	vsel vm0, v6, v5  }
0x156: {  	s26 =	sadd.s32 $0x1, s26  }
0x157: {  	p0 =	sne.s32 s26, s12  }
.Ltmp4:
0x158: {  	[tilespmem:s28+$0x10] =	vst v4;
	(pc) =	sbr.rel @p0 .LBB2_1-.Ltmp4, $4  }
0x159: {  	[hbm4b:s11+s4] =	stream.linear.scatter [tilespmem:s20], [sflag:$0x3], $0x140, $0x38;
	[tilespmem:$0x43C0] =	vst v63  }
0x15a: {  	_ =	swait.ge [sflag:s21], $0x140  }
0x15b: {  	[sflag:s21] =	ssyncset.done $0x0  }
0x15c: {  	[sflag:s21] =	ssyncadd.s32 $0xFFFFFEC0  }
0x15d: {  	_ =	sfence.sel $0x180000  }
0x15e: {  	[bflag:$0x0] =	sbarrier.arrive $0xFFFF  }
0x15f: {  	_ =	strace $0x9000004D  }
0x160: {  	s0 =	stileid.u32;
	[bflag:$0x2] =	sbarrier.arrive $0xFFFF  }
0x161: {  	p0 =	sne.s32 s0, $0x0;
	s0 =	rddreg [dreg:$0x4]  }
0x162: {  	s0 =	sadd.s32 @!p0 $0x100000, s0  }
0x163: {  	[sflag:s0] =	ssyncadd.tile.s32 @!p0 $0x1;
	_ =	shalt  }
.Lfunc_end2:
_tile_overlayer_lowered:
.L_overlay_start_2:
0x164: {  	(tag) =	ssettag $0x2  }
0x165: {  	s0 =	rddreg [dreg:$0x0];
	s2 =	stileid.u32  }
0x166: {  	s1 =	rddreg [dreg:$0x1];
	p0 =	sne.s32 s2, $0x0  }
0x167: {  	s3 =	rddreg [dreg:$0x2];
	[bflag:$0x3] =	sbarrier.arrive $0xFFFF;
	s2 =	simm.s32 @!p0 $0x1C03  }
0x168: {  	[timem:s3], [sflag:s2] =	dma.local @!p0 [hbm:s0], s1  }
0x169: {  	s0 =	simm.s32 @!p0 $0x3  }
0x16a: {  	_ =	swait.ge @!p0 [sflag:s0], s1  }
0x16b: {  	s1 =	ssub.s32 @!p0 $0x0, s1;
	[sflag:s0] =	ssyncset.done @!p0 $0x0  }
0x16c: {  	[sflag:s0] =	ssyncadd.s32 @!p0 s1  }
0x16d: {  	[bflag:$0x3] =	sbarrier.arrive $0xFFFF  }
0x16e: {  	_ =	shalt  }

// kernel: kernel.7.cloned.1.call-start
scs
__scs_entry_jumppad:
0x0: {  	(pc) =	sbr.rel $0x88, $3  }
0x1: {  	(tag) =	ssettag $0x0;
	lr =	simm.s32 $0x1  }
0x2: {  	[smem:$0x3F9B] =	sst lr;
	_ =	strace $0xD0000000  }
0x3: {  	_ = 	snop  }
0x4: {  	_ = 	snop  }
0x5: {  	_ = 	snop  }
0x6: {  	_ = 	snop  }
0x7: {  	_ = 	snop  }
__scs_overlays_trampoline_lowered:
0x8: {  	[smem:$0x3FAA] =	sst s0  }
0x9: {  	[smem:$0x3FAB] =	sst s1  }
0xa: {  	[smem:$0x3FAC] =	sst s2  }
0xb: {  	[smem:$0x3FAD] =	sst s3  }
0xc: {  	[smem:$0x3FAE] =	sst s4  }
0xd: {  	[smem:$0x3FAF] =	sst s5  }
0xe: {  	[smem:$0x3FB0] =	sst s6  }
0xf: {  	[smem:$0x3FB1] =	sst s7  }
0x10: {  	[smem:$0x3FB2] =	sst s8  }
0x11: {  	[smem:$0x3FB3] =	sst s9;
	s0 =	simm.s32 @!p0 $0x0  }
0x12: {  	s1 =	sld [smem:$0x3F99];
	s0 =	simm.s32 @p0 $0x1  }
0x13: {  	[smem:$0x3FB4] =	sst s0;
	s0 =	simm.s32 @!p1 $0x0  }
0x14: {  	s2 =	sld [smem:$0x3F98];
	s0 =	simm.s32 @p1 $0x1  }
0x15: {  	[smem:$0x3FB5] =	sst s0;
	s0 =	simm.s32 @!p2 $0x0  }
0x16: {  	s3 =	sld [smem:$0x3FDB];
	s0 =	simm.s32 @p2 $0x1  }
0x17: {  	s4 =	simm.s32 $0x1BF5;
	[smem:$0x3FB7] =	sst s0  }
0x18: {  	s0 =	sld [smem:$0x3F9A];
	_ =	swait.ge [sflag:s4], $0x0  }
0x19: {  	s7 =	sld [smem:$0x3F9B]  }
0x1a: {  	s8 =	sadd.s32 $0xFFFFE003, lr  }
0x1b: {  	s9 =	sadd.s32 $0xFFFFFEF7, lr;
	s5 =	simm.s32 $0xFFFFFFFF;
	p2 =	slt.u32 s8, $0xFFFFF086  }
0x1c: {  	p1 =	slt.u32 s9, $0xF7A;
	s5 =	simm.s32 @!p2 $0x0  }
0x1d: {  	s5 =	simm.s32 @p1 $0x1;
	p0 =	seq.s32 s7, s2  }
0x1e: {  	s7 =	smul.u32 @!p0 $0xF7A, s2;
	p2 =	seq.s32 @!p0 s5, $0x0  }
0x1f: {  	s9 =	smul.u32 $0xF7A, s1;
	s8 =	simm.s32 @!p0 $0x1BF5;
	p2 =	por !p2, p0  }
0x20: {  	[sflag:s8] =	ssyncset.s32 @!p0 $0xFFFFF086;
	s6 =	sadd.s32 @!p0 s3, s7;
	s7 =	simm.s32 @!p0 $0x108  }
0x21: {  	s3 =	sadd.s32 s3, s9;
	s6 =	sadd.s32 @!p0 $0x88, s6;
	s7 =	simm.s32 @p2 $0x1082  }
0x22: {  	[simem:s7], [sflag:s8] =	dma.local @!p0 [hbm:s6], $0xF7A  }
0x23: {  	s9 =	sor.u32 $0xD0000000, s2;
	s6 =	simm.s32 $0x108;
	_ =	swait.ge @!p0 [sflag:s8], $0x0  }
0x24: {  	s3 =	sadd.s32 $0x88, s3;
	s6 =	simm.s32 @!p1 $0x1082;
	[sflag:s4] =	ssyncset.s32 $0xFFFFF086  }
0x25: {  	[simem:s6], [sflag:s4] =	dma.local [hbm:s3], $0xF7A  }
0x26: {  	[smem:$0x3F9B] =	sst s1;
	(tag) =	ssettag s2;
	_ =	strace s9  }
0x27: {  	s1 =	sld [smem:$0x3FAB]  }
0x28: {  	s2 =	sld [smem:$0x3FAC]  }
0x29: {  	s4 =	sld [smem:$0x3FAE]  }
0x2a: {  	p0 =	seq.s32 s5, $0x0;
	s5 =	sld [smem:$0x3FAF]  }
0x2b: {  	s6 =	sld [smem:$0x3FB0]  }
0x2c: {  	s7 =	sld [smem:$0x3FB1]  }
0x2d: {  	s3 =	simm.s32 $0x108;
	s8 =	sld [smem:$0x3FB2]  }
0x2e: {  	s3 =	simm.s32 @!p0 $0x1082;
	s9 =	sld [smem:$0x3FB3]  }
0x2f: {  	lr =	sadd.s32 s0, s3;
	s0 =	sld [smem:$0x3FAA]  }
0x30: {  	s3 =	sld [smem:$0x3FAD]  }
0x31: {  	[smem:$0x3FB6] =	sst s10  }
0x32: {  	s10 =	sld [smem:$0x3FB4];
	_ =	sdelay $0x3  }
0x33: {  	p0 =	seq.s32 s10, $0x1;
	s10 =	sld [smem:$0x3FB6];
	_ =	sdelay $0x3  }
0x34: {  	[smem:$0x3FB6] =	sst s10  }
0x35: {  	s10 =	sld [smem:$0x3FB5];
	_ =	sdelay $0x3  }
0x36: {  	p1 =	seq.s32 s10, $0x1;
	s10 =	sld [smem:$0x3FB6];
	_ =	sdelay $0x3  }
0x37: {  	[smem:$0x3FB6] =	sst s10  }
0x38: {  	s10 =	sld [smem:$0x3FB7]  }
0x39: {  	_ = 	snop;
	(pc) =	sbr.ind lr, $3  }
0x3a: {  	_ = 	snop  }
0x3b: {  	_ = 	snop  }
0x3c: {  	p2 =	seq.s32 s10, $0x1;
	s10 =	sld [smem:$0x3FB6]  }
0x3d: {  	_ =	shalt  }
0x3e: {  	_ =	shalt  }
0x3f: {  	_ =	shalt  }
0x40: {  	_ =	shalt  }
0x41: {  	_ =	shalt  }
0x42: {  	_ =	shalt  }
0x43: {  	_ =	shalt  }
0x44: {  	_ =	shalt  }
0x45: {  	_ =	shalt  }
0x46: {  	_ =	shalt  }
0x47: {  	_ =	shalt  }
0x48: {  	_ =	shalt  }
0x49: {  	_ =	shalt  }
0x4a: {  	_ =	shalt  }
0x4b: {  	_ =	shalt  }
0x4c: {  	_ =	shalt  }
0x4d: {  	_ =	shalt  }
0x4e: {  	_ =	shalt  }
0x4f: {  	_ =	shalt  }
0x50: {  	_ =	shalt  }
0x51: {  	_ =	shalt  }
0x52: {  	_ =	shalt  }
0x53: {  	_ =	shalt  }
0x54: {  	_ =	shalt  }
0x55: {  	_ =	shalt  }
0x56: {  	_ =	shalt  }
0x57: {  	_ =	shalt  }
0x58: {  	_ =	shalt  }
0x59: {  	_ =	shalt  }
0x5a: {  	_ =	shalt  }
0x5b: {  	_ =	shalt  }
0x5c: {  	_ =	shalt  }
0x5d: {  	_ =	shalt  }
0x5e: {  	_ =	shalt  }
0x5f: {  	_ =	shalt  }
0x60: {  	_ =	shalt  }
0x61: {  	_ =	shalt  }
0x62: {  	_ =	shalt  }
0x63: {  	_ =	shalt  }
0x64: {  	_ =	shalt  }
0x65: {  	_ =	shalt  }
0x66: {  	_ =	shalt  }
0x67: {  	_ =	shalt  }
0x68: {  	_ =	shalt  }
0x69: {  	_ =	shalt  }
0x6a: {  	_ =	shalt  }
0x6b: {  	_ =	shalt  }
0x6c: {  	_ =	shalt  }
0x6d: {  	_ =	shalt  }
0x6e: {  	_ =	shalt  }
0x6f: {  	_ =	shalt  }
0x70: {  	_ =	shalt  }
0x71: {  	_ =	shalt  }
0x72: {  	_ =	shalt  }
0x73: {  	_ =	shalt  }
0x74: {  	_ =	shalt  }
0x75: {  	_ =	shalt  }
0x76: {  	_ =	shalt  }
0x77: {  	_ =	shalt  }
0x78: {  	_ =	shalt  }
0x79: {  	_ =	shalt  }
0x7a: {  	_ =	shalt  }
0x7b: {  	_ =	shalt  }
0x7c: {  	_ =	shalt  }
0x7d: {  	_ =	shalt  }
0x7e: {  	_ =	shalt  }
0x7f: {  	_ =	shalt  }
0x80: {  	_ =	shalt  }
0x81: {  	_ =	shalt  }
0x82: {  	_ =	shalt  }
0x83: {  	_ =	shalt  }
0x84: {  	_ =	shalt  }
0x85: {  	_ =	shalt  }
0x86: {  	_ =	shalt  }
0x87: {  	_ =	shalt  }
.Lfunc_end0:
.L_simem_size_0:
called_computation_lowered:
.L_overlay_start_0:
0x88: {  	s2 =	sld [smem:$0x3FD9]  }
0x89: {  	s3 =	sld [smem:$0x3FFE];
	_ =	sdelay $0x1  }
0x8a: {  	s1 =	srdreg.scid  }
0x8b: {  	s0 =	sand.u32 $0x1, s1  }
0x8c: {  	s17 =	sshll.u32 s0, $0xA;
	s2 =	sadd.s32 s3, s2  }
0x8d: {  	s2 =	sadd.s32 s2, s17  }
0x8e: {  	[smem:$0x3FC2] =	sst s2  }
0x8f: {  	_ = 	snop  }
0x90: {  	s2 =	sld [smem:$0x3FC7];
	(tm) =	ssettm $0x1  }
0x91: {  	s18 =	sld [smem:$0x3FFB];
	_ =	sdelay $0x3  }
0x92: {  	_ =	strace s18  }
0x93: {  	s3 =	sld [smem:$0x3FFC];
	_ =	sdelay $0x3  }
0x94: {  	_ =	strace s3  }
0x95: {  	s3 =	sld [smem:$0x3FFD];
	_ =	sdelay $0x3  }
0x96: {  	_ =	strace s3  }
0x97: {  	_ =	strace $0x8FFFFFFF  }
0x98: {  	s19 =	sld [smem:$0x3FDB];
	_ =	sdelay $0x1  }
0x99: {  	s4 =	simm.s32 $_scs_section_size  }
0x9a: {  	s5 =	simm.s32 $_size__tile_overlayer_lowered;
	s6 =	simm.s32 $_tile_overlayer_lowered  }
0x9b: {  	s22 =	simm.s32 $0x1BFF;
	s21 =	sshll.u32 s6, $0x1;
	s3 =	sadd.s32 s4, s19  }
0x9c: {  	s7 =	simm.s32 $0x0;
	s20 =	sshll.u32 s5, $0x1;
	s5 =	sadd.s32 s21, s3  }
0x9d: {  	[timem:s7], [sflag:s22] =	dma.local [hbm:s5], s20  }
0x9e: {  	_ =	swait.ge [sflag:s22], s20  }
0x9f: {  	s4 =	ssub.s32 $0x0, s20;
	[sflag:s22] =	ssyncset.done $0x0  }
0xa0: {  	[sflag:s22] =	ssyncadd.s32 s4;
	_ =	sdelay $0x1  }
0xa1: {  	s23 =	simm.s32 $0x1B8B  }
0xa2: {  	_ =	swait.ge [sflag:s23], $0x1  }
0xa3: {  	[sflag:s23] =	ssyncset.done $0x0  }
0xa4: {  	s25 =	simm.s32 $0x1B8E;
	s24 =	sld [smem:$0x3FFE];
	[sflag:s23] =	ssyncadd.s32 $0xFFFFFFFF  }
0xa5: {  	s26 =	simm.s32 $execute0_lowered;
	[smem:$0x3FD2] =	sst s25  }
0xa6: {  	s5 =	sshll.u32 s26, $0x1;
	_ =	strace $0x80000046;
	[dreg:$0x1] =	wrdreg $0xFFFFFFFF  }
0xa7: {  	s28 =	simm.s32 $_size_execute0_lowered;
	s3 =	sadd.s32 s3, s5;
	[dreg:$0x0] =	wrdreg $0x0  }
0xa8: {  	s5 =	sshll.u32 s28, $0x1;
	[dreg:$0x2] =	wrdreg s3  }
0xa9: {  	[dreg:$0x3] =	wrdreg s5  }
0xaa: {  	[dreg:$0x4] =	wrdreg $0xC0  }
0xab: {  	_ =	task [dreg:s7], $0x5FFFF  }
0xac: {  	[dreg:$0x1] =	wrdreg $0xFFFFFFFF  }
0xad: {  	[dreg:$0x0] =	wrdreg $0x60  }
0xae: {  	[dreg:$0x2] =	wrdreg s24  }
0xaf: {  	[dreg:$0x3] =	wrdreg s2  }
0xb0: {  	[dreg:$0x4] =	wrdreg $0xB2000  }
0xb1: {  	[dreg:$0x5] =	wrdreg $0x9  }
0xb2: {  	_ =	task.clear_ibuf [dreg:s7], $0x6FFFF;
	_ =	strace $0x90000046  }
0xb3: {  	s29 =	simm.s32 $0x9;
	_ =	strace $0x80000048  }
0xb4: {  	_ =	swait.ge [sflag:s29], $0x1  }
0xb5: {  	[sflag:s29] =	ssyncadd.s32 $0xFFFFFFFF  }
0xb6: {  	_ =	strace $0x90000048  }
0xb7: {  	_ =	sfence  }
0xb8: {  	s30 =	sld [smem:$0x0];
	_ =	sdelay $0x2  }
0xb9: {  	s31 =	sshll.u32 s1, $0xD;
	s1 =	sshrl.u32 s1, $0x2  }
0xba: {  	s3 =	sand.u32 $0x4000, s31;
	s1 =	sadd.s32 s1, s30  }
0xbb: {  	s0 =	sor.u32 s3, s0;
	s1 =	sshll.u32 s1, $0x11  }
0xbc: {  	s0 =	sor.u32 s1, s0  }
0xbd: {  	s0 =	sadd.s32 $0x8F2B, s0  }
0xbe: {  	[sflag:s0] =	ssyncadd.remote.s32 $0x1  }
0xbf: {  	_ =	sfence.sel $0xFFFF  }
0xc0: {  	[dreg:$0x0] =	wrdreg $0xFFFFFFFF;
	(pc) =	sbr.abs _section_cstart, $3  }
0xc1: {  	[dreg:$0x1] =	wrdreg $0xFFFFFFFF  }
0xc2: {  	_ =	task.clear_ibuf [dreg:s7], $0x2FFFF;
	_ =	strace $0x9FFFFFFF  }
0xc3: {  	(tm) =	ssettm $0x7FFFFFFF  }
tec
execute0_lowered:
.L_overlay_start_1:
0x0: {  	(tag) =	ssettag $0x1  }
0x1: {  	s4 =	rddreg [dreg:$0x0]  }
0x2: {  	s1 =	srdreg.scid;
	s6 =	rddreg [dreg:$0x1]  }
0x3: {  	s0 =	stileid.u32;
	s2 =	rddreg [dreg:$0x2];
	s3 =	simm.s32 $0x0  }
0x4: {  	s13 =	simm.s32 $0x4F00;
	s14 =	simm.s32 $0x9E00;
	s15 =	simm.s32 $0x3  }
0x5: {  	s16 =	simm.s32 $0x2;
	s17 =	simm.s32 $0x2710;
	s18 =	simm.s32 $0x7680  }
0x6: {  	s19 =	simm.s32 $0x1;
	s20 =	simm.s32 $0x0;
	s5 =	sand.u32 $0x1, s1  }
0x7: {  	s7 =	smul.u32 $0x1388, s0;
	s9 =	sshll.u32 s0, $0x1;
	s1 =	rddreg [dreg:$0x3]  }
0x8: {  	s8 =	smul.u32 $0x13880, s5;
	s9 =	sor.u32 s5, s9;
	s5 =	ssub.s32 $0x2, s5  }
0x9: {  	[smem:$0x7FF] =	sst s3;
	s9 =	smul.u32 $0x4E2, s9;
	s31 =	sshrl.u32 s5, $0x1  }
0xa: {  	_ =	strace $0x80000047;
	s8 =	sadd.s32 s7, s8;
	s12 =	ssub.s32 s5, s31  }
0xb: {  	s7 =	sadd.s32 s7, s2;
	s8 =	sshrl.u32 s8, $0x3;
	s11 =	sadd.s32 s9, s4  }
0xc: {  	s6 =	sadd.s32 s6, s9;
	s10 =	sadd.s32 s8, s4;
	s4 =	sadd.s32 $0xB400, s11  }
0xd: {  	s5 =	sadd.s32 $0x1600, s11;
	s8 =	sadd.s32 $0x1F000, s11;
	s9 =	sadd.s32 $0x15200, s11  }
0xe: {  	v0 =	vimm.f32 $0.0e+00;
	v1 =	vimm.f32 $1.000000000e+00;
	s11 =	smax.u32 s12, $0x1;
	s12 =	simm.s32 $0x2780;
	s10 =	sadd.s32 $0x28E00, s10  }
.LBB2_1:
0xf: {  	[tilespmem:s3], [sflag:$0x2] =	stream.linear.gather [hbm4b:s4+s3], $0x2710, $0x38;
	[tilespmem:$0xC588] =	vst v63  }
0x10: {  	_ = 	snop  }
0x11: {  	[tilespmem:s12], [sflag:$0x2] =	stream.linear.gather [hbm4b:s5+s3], $0x2710, $0x38;
	[tilespmem:$0xC588] =	vst v63  }
0x12: {  	s21 =	simm.s32 $0x9E20  }
0x13: {  	[tilespmem:s13], [sflag:$0x2] =	stream.linear.gather [hbm4b:s6+s3], $0x2710, $0x38;
	[tilespmem:$0xC588] =	vst v63  }
0x14: {  	[tilespmem:s21+$0xFFFFFFE0] =	vst v0  }
0x15: {  	[tilespmem:s21+$0x10] =	vst v0  }
0x16: {  	s22 =	simm.s32 $0x0;
	[tilespmem:s21+$0x0] =	vst v0  }
.LBB2_2:
0x17: {  	s22 =	sadd.s32 $0x4, s22  }
0x18: {  	[tilespmem:s21+$0xFFFFFFF0] =	vst v0;
	s21 =	sadd.s32 $0x40, s21;
	p0 =	slt.u32 s22, $0x134  }
.Ltmp0:
0x19: {  	[tilespmem:s21+$0xFFFFFFE0] =	vst v0;
	(pc) =	sbr.rel @p0 .LBB2_2-.Ltmp0, $3  }
0x1a: {  	_ =	sdelay $0x1  }
0x1b: {  	[tilespmem:s21+$0x10] =	vst v0  }
0x1c: {  	[tilespmem:s21+$0x0] =	vst v0  }
0x1d: {  	[tilespmem:s21+$0xFFFFFFF0] =	vst v0  }
0x1e: {  	s21 =	simm.s32 $0x76A0;
	[tilespmem:$0xB180] =	vst v0  }
0x1f: {  	[tilespmem:s21+$0xFFFFFFE0] =	vst v1  }
0x20: {  	[tilespmem:s21+$0x10] =	vst v1  }
0x21: {  	s22 =	simm.s32 $0x0;
	[tilespmem:s21+$0x0] =	vst v1  }
.LBB2_4:
0x22: {  	s22 =	sadd.s32 $0x4, s22  }
0x23: {  	[tilespmem:s21+$0xFFFFFFF0] =	vst v1;
	s21 =	sadd.s32 $0x40, s21;
	p0 =	slt.u32 s22, $0x26C  }
.Ltmp1:
0x24: {  	[tilespmem:s21+$0xFFFFFFE0] =	vst v1;
	(pc) =	sbr.rel @p0 .LBB2_4-.Ltmp1, $3  }
0x25: {  	_ =	sdelay $0x1  }
0x26: {  	[tilespmem:s21+$0x10] =	vst v1  }
0x27: {  	[tilespmem:s21+$0x0] =	vst v1  }
0x28: {  	[tilespmem:s21+$0xFFFFFFF0] =	vst v1  }
0x29: {  	[tilespmem:$0x9D80] =	vst v1  }
0x2a: {  	[spmem:s7] =	stream.linear.scatter [tilespmem:s14], [sflag:$0x3], $0x1388, $0x38;
	[tilespmem:$0xC588] =	vst v63  }
0x2b: {  	_ =	swait.ge [sflag:s15], $0x1388  }
0x2c: {  	[sflag:s15] =	ssyncset.done $0x0  }
0x2d: {  	[sflag:s15] =	ssyncadd.s32 $0xFFFFEC78  }
0x2e: {  	_ =	swait.ge [sflag:s16], $0x2710  }
0x2f: {  	[sflag:s16] =	ssyncset.done $0x0  }
0x30: {  	[sflag:s16] =	ssyncadd.s32 $0xFFFFD8F0  }
0x31: {  	_ =	swait.ge [sflag:s16], $0x2710  }
0x32: {  	[sflag:s16] =	ssyncset.done $0x0  }
0x33: {  	[sflag:s16] =	ssyncadd.s32 $0xFFFFD8F0  }
0x34: {  	_ =	swait.ge [sflag:s16], $0x2710  }
0x35: {  	[sflag:s16] =	ssyncset.done $0x0  }
0x36: {  	s21 =	simm.s32 $0x27A0;
	[sflag:s16] =	ssyncadd.s32 $0xFFFFD8F0  }
0x37: {  	s22 =	simm.s32 $0x4F20;
	v2 =	vld [tilespmem:s21+$0xFFFFFFE0]  }
0x38: {  	v3 =	vld [tilespmem:s22+$0xFFFFFFE0];
	_ =	sdelay $0x3  }
0x39: {  	v2 =	vshll.u32 v2, $0x3  }
0x3a: {  	v2 =	vadd.s32 v3, v2  }
0x3b: {  	[tilespmem:s21+$0xFFFFFFE0] =	vst v2;
	v2 =	vld [tilespmem:s21+$0xFFFFFFF0]  }
0x3c: {  	v3 =	vld [tilespmem:s22+$0xFFFFFFF0];
	_ =	sdelay $0x3  }
0x3d: {  	v2 =	vshll.u32 v2, $0x3  }
0x3e: {  	v2 =	vadd.s32 v3, v2  }
0x3f: {  	[tilespmem:s21+$0xFFFFFFF0] =	vst v2;
	v2 =	vld [tilespmem:s21+$0x0]  }
0x40: {  	v3 =	vld [tilespmem:s22+$0x0];
	_ =	sdelay $0x3  }
0x41: {  	v2 =	vshll.u32 v2, $0x3  }
0x42: {  	v2 =	vadd.s32 v3, v2  }
0x43: {  	[tilespmem:s21+$0x0] =	vst v2;
	v2 =	vld [tilespmem:s21+$0x10]  }
0x44: {  	v3 =	vld [tilespmem:s22+$0x10];
	_ =	sdelay $0x3  }
0x45: {  	v2 =	vshll.u32 v2, $0x3  }
0x46: {  	s23 =	simm.s32 $0x0;
	s24 =	simm.s32 $0x27E0;
	v2 =	vadd.s32 v3, v2  }
.LBB2_6:
0x47: {  	v3 =	vld [tilespmem:s24+$0xFFFFFFE0];
	s23 =	sadd.s32 $0x4, s23;
	[tilespmem:s21+$0x10] =	vst v2;
	s22 =	sadd.s32 $0x40, s22;
	s21 =	smov.u32 s24  }
0x48: {  	v2 =	vld [tilespmem:s22+$0xFFFFFFE0];
	p0 =	slt.u32 s23, $0x26C;
	_ =	sdelay $0x3  }
0x49: {  	v3 =	vshll.u32 v3, $0x3  }
0x4a: {  	v2 =	vadd.s32 v2, v3  }
0x4b: {  	[tilespmem:s24+$0xFFFFFFE0] =	vst v2;
	v2 =	vld [tilespmem:s24+$0xFFFFFFF0]  }
0x4c: {  	v3 =	vld [tilespmem:s22+$0xFFFFFFF0];
	_ =	sdelay $0x3  }
0x4d: {  	v2 =	vshll.u32 v2, $0x3  }
0x4e: {  	v2 =	vadd.s32 v3, v2  }
0x4f: {  	[tilespmem:s24+$0xFFFFFFF0] =	vst v2;
	v2 =	vld [tilespmem:s24+$0x0]  }
0x50: {  	v3 =	vld [tilespmem:s22+$0x0];
	_ =	sdelay $0x3  }
0x51: {  	v2 =	vshll.u32 v2, $0x3  }
0x52: {  	v2 =	vadd.s32 v3, v2  }
0x53: {  	[tilespmem:s24+$0x0] =	vst v2;
	v2 =	vld [tilespmem:s24+$0x10]  }
0x54: {  	v3 =	vld [tilespmem:s22+$0x10]  }
.Ltmp2:
0x55: {  	(pc) =	sbr.rel @p0 .LBB2_6-.Ltmp2, $3  }
0x56: {  	_ =	sdelay $0x1  }
0x57: {  	v2 =	vshll.u32 v2, $0x3  }
0x58: {  	s24 =	sadd.s32 $0x40, s24;
	v2 =	vadd.s32 v3, v2  }
0x59: {  	[tilespmem:s21+$0x10] =	vst v2  }
0x5a: {  	v2 =	vld [tilespmem:$0x4E80]  }
0x5b: {  	v3 =	vld [tilespmem:$0x7600];
	_ =	sdelay $0x3  }
0x5c: {  	v2 =	vshll.u32 v2, $0x3  }
0x5d: {  	v2 =	vadd.s32 v3, v2  }
0x5e: {  	[tilespmem:$0x4E80] =	vst v2  }
0x5f: {  	[hbm4b:s8+s3] =	stream.linear.scatter [tilespmem:s12], [sflag:$0x2], $0x2710, $0x38;
	[tilespmem:$0xC588] =	vst v63  }
0x60: {  	s21 =	simm.s32 $0x20;
	[bflag:$0x0] =	sbarrier.arrive $0xFFFF  }
0x61: {  	[spmem:s2] =	stream.indirect.scatter.add.f32 [tilespmem:s18], [sflag:$0x1], $0x1, s12, s17, $0xb8;
	[tilespmem:$0xC588] =	vst v63  }
0x62: {  	s22 =	simm.s32 $0x4F20;
	v2 =	vld [tilespmem:s21+$0xFFFFFFE0]  }
0x63: {  	v3 =	vld [tilespmem:s22+$0xFFFFFFE0];
	_ =	sdelay $0x3  }
0x64: {  	v2 =	vshll.u32 v2, $0x7  }
0x65: {  	v2 =	vadd.s32 v3, v2  }
0x66: {  	[tilespmem:s21+$0xFFFFFFE0] =	vst v2;
	v2 =	vld [tilespmem:s21+$0xFFFFFFF0]  }
0x67: {  	v3 =	vld [tilespmem:s22+$0xFFFFFFF0];
	_ =	sdelay $0x3  }
0x68: {  	v2 =	vshll.u32 v2, $0x7  }
0x69: {  	v2 =	vadd.s32 v3, v2  }
0x6a: {  	[tilespmem:s21+$0xFFFFFFF0] =	vst v2;
	v2 =	vld [tilespmem:s21+$0x0]  }
0x6b: {  	v3 =	vld [tilespmem:s22+$0x0];
	_ =	sdelay $0x3  }
0x6c: {  	v2 =	vshll.u32 v2, $0x7  }
0x6d: {  	v2 =	vadd.s32 v3, v2  }
0x6e: {  	[tilespmem:s21+$0x0] =	vst v2;
	v2 =	vld [tilespmem:s21+$0x10]  }
0x6f: {  	v3 =	vld [tilespmem:s22+$0x10];
	_ =	sdelay $0x3  }
0x70: {  	v2 =	vshll.u32 v2, $0x7  }
0x71: {  	s23 =	simm.s32 $0x0;
	s24 =	simm.s32 $0x60;
	v2 =	vadd.s32 v3, v2  }
.LBB2_8:
0x72: {  	v3 =	vld [tilespmem:s24+$0xFFFFFFE0];
	s23 =	sadd.s32 $0x4, s23;
	[tilespmem:s21+$0x10] =	vst v2;
	s22 =	sadd.s32 $0x40, s22;
	s21 =	smov.u32 s24  }
0x73: {  	v2 =	vld [tilespmem:s22+$0xFFFFFFE0];
	p0 =	slt.u32 s23, $0x26C;
	_ =	sdelay $0x3  }
0x74: {  	v3 =	vshll.u32 v3, $0x7  }
0x75: {  	v2 =	vadd.s32 v2, v3  }
0x76: {  	[tilespmem:s24+$0xFFFFFFE0] =	vst v2;
	v2 =	vld [tilespmem:s24+$0xFFFFFFF0]  }
0x77: {  	v3 =	vld [tilespmem:s22+$0xFFFFFFF0];
	_ =	sdelay $0x3  }
0x78: {  	v2 =	vshll.u32 v2, $0x7  }
0x79: {  	v2 =	vadd.s32 v3, v2  }
0x7a: {  	[tilespmem:s24+$0xFFFFFFF0] =	vst v2;
	v2 =	vld [tilespmem:s24+$0x0]  }
0x7b: {  	v3 =	vld [tilespmem:s22+$0x0];
	_ =	sdelay $0x3  }
0x7c: {  	v2 =	vshll.u32 v2, $0x7  }
0x7d: {  	v2 =	vadd.s32 v3, v2  }
0x7e: {  	[tilespmem:s24+$0x0] =	vst v2;
	v2 =	vld [tilespmem:s24+$0x10]  }
0x7f: {  	v3 =	vld [tilespmem:s22+$0x10]  }
.Ltmp3:
0x80: {  	(pc) =	sbr.rel @p0 .LBB2_8-.Ltmp3, $3  }
0x81: {  	_ =	sdelay $0x1  }
0x82: {  	v2 =	vshll.u32 v2, $0x7  }
0x83: {  	s24 =	sadd.s32 $0x40, s24;
	v2 =	vadd.s32 v3, v2  }
0x84: {  	[tilespmem:s21+$0x10] =	vst v2  }
0x85: {  	v2 =	vld [tilespmem:$0x2700]  }
0x86: {  	v3 =	vld [tilespmem:$0x7600];
	_ =	sdelay $0x3  }
0x87: {  	v2 =	vshll.u32 v2, $0x7  }
0x88: {  	v2 =	vadd.s32 v3, v2  }
0x89: {  	[tilespmem:$0x2700] =	vst v2  }
0x8a: {  	[hbm4b:s9+s3] =	stream.linear.scatter [tilespmem:s3], [sflag:$0x2], $0x2710, $0x38;
	[tilespmem:$0xC588] =	vst v63  }
0x8b: {  	_ =	swait.ge [sflag:s19], $0x2710  }
0x8c: {  	[sflag:s19] =	ssyncset.done $0x0  }
0x8d: {  	[sflag:s19] =	ssyncadd.s32 $0xFFFFD8F0  }
0x8e: {  	_ =	swait.ge [sflag:s16], $0x2710  }
0x8f: {  	[sflag:s16] =	ssyncset.done $0x0  }
0x90: {  	[sflag:s16] =	ssyncadd.s32 $0xFFFFD8F0  }
0x91: {  	_ =	swait.ge [sflag:s16], $0x2710  }
0x92: {  	[sflag:s16] =	ssyncset.done $0x0  }
0x93: {  	[sflag:s16] =	ssyncadd.s32 $0xFFFFD8F0  }
0x94: {  	[bflag:$0x0] =	sbarrier.arrive $0xFFFF  }
0x95: {  	[tilespmem:s18], [sflag:$0x3] =	stream.linear.gather [spmem:s7], $0x1388, $0x38;
	[tilespmem:$0xC588] =	vst v63  }
0x96: {  	s20 =	sadd.s32 $0x1, s20;
	_ =	swait.ge [sflag:s15], $0x1388  }
0x97: {  	p0 =	sne.s32 s20, s11;
	[sflag:s15] =	ssyncset.done $0x0  }
.Ltmp4:
0x98: {  	[sflag:s15] =	ssyncadd.s32 $0xFFFFEC78;
	(pc) =	sbr.rel @p0 .LBB2_1-.Ltmp4, $4  }
0x99: {  	[hbm4b:s10+s3] =	stream.linear.scatter [tilespmem:s18], [sflag:$0x3], $0x1388, $0x38;
	[tilespmem:$0xC588] =	vst v63  }
0x9a: {  	_ =	swait.ge [sflag:s15], $0x1388  }
0x9b: {  	[sflag:s15] =	ssyncset.done $0x0  }
0x9c: {  	[sflag:s15] =	ssyncadd.s32 $0xFFFFEC78  }
0x9d: {  	_ =	sfence.sel $0x180000  }
0x9e: {  	[bflag:$0x0] =	sbarrier.arrive $0xFFFF  }
0x9f: {  	p0 =	sne.s32 s0, $0x0;
	_ =	strace $0x90000047  }
0xa0: {  	s0 =	sadd.s32 @!p0 $0x100000, s1;
	[bflag:$0x2] =	sbarrier.arrive $0xFFFF  }
0xa1: {  	[sflag:s0] =	ssyncadd.tile.s32 @!p0 $0x1;
	_ =	shalt  }
.Lfunc_end2:
_tile_overlayer_lowered:
.L_overlay_start_2:
0xa2: {  	(tag) =	ssettag $0x2  }
0xa3: {  	s0 =	rddreg [dreg:$0x0];
	s2 =	stileid.u32  }
0xa4: {  	s1 =	rddreg [dreg:$0x1];
	p0 =	sne.s32 s2, $0x0  }
0xa5: {  	s3 =	rddreg [dreg:$0x2];
	[bflag:$0x3] =	sbarrier.arrive $0xFFFF;
	s2 =	simm.s32 @!p0 $0x1C03  }
0xa6: {  	[timem:s3], [sflag:s2] =	dma.local @!p0 [hbm:s0], s1  }
0xa7: {  	s0 =	simm.s32 @!p0 $0x3  }
0xa8: {  	_ =	swait.ge @!p0 [sflag:s0], s1  }
0xa9: {  	s1 =	ssub.s32 @!p0 $0x0, s1;
	[sflag:s0] =	ssyncset.done @!p0 $0x0  }
0xaa: {  	[sflag:s0] =	ssyncadd.s32 @!p0 s1  }
0xab: {  	[bflag:$0x3] =	sbarrier.arrive $0xFFFF  }
0xac: {  	_ =	shalt  }

</sc_bundles>
